<compile_context>
chip_gen: v7x
topology: tpu7x:2x2x1
jax: 0.10.2.dev20260603
libtpu: 0.0.44.dev20260713+nightly
codegen_flags: <defaults>
</compile_context>

<pallas_src>
import functools

import jax
import jax.numpy as jnp
from jax import lax
from jax.experimental import pallas as pl
from jax.experimental.pallas import tpu as pltpu
from jax.experimental.pallas import tpu_sc as plsc

N = 10000
E = 320000
D = 128
H = 128
C = 64
HD = D // 2

NUM_CORES = 2
NUM_SUBCORES = 16
CHUNK = 80
CNT_W = 8
N_PAD = 10240
ROWS_PER_TILE = N_PAD // NUM_SUBCORES
TILE_ROUNDS = ROWS_PER_TILE // CHUNK

FEAT_EDGES_PER_TILE = E // NUM_SUBCORES
FEAT_CHUNKS = FEAT_EDGES_PER_TILE // CHUNK

_SC_MESH = dict(core_axis_name="c", subcore_axis_name="s")
NBUF = 5


def _sc_aggregate(xcat, src2r, dstr, zrows, zcnt, ones_c):
  @functools.partial(
      pl.kernel,
      mesh=plsc.VectorSubcoreMesh(**_SC_MESH),
      compiler_params=pltpu.CompilerParams(use_tc_tiling_on_sc=False),
      out_type=[
          jax.ShapeDtypeStruct((NUM_CORES, N_PAD, HD), jnp.float32),
          jax.ShapeDtypeStruct((N_PAD, CNT_W), jnp.float32),
      ],
      scratch_types=[
          pltpu.VMEM((FEAT_CHUNKS, CHUNK), jnp.int32),
          pltpu.VMEM((FEAT_CHUNKS, CHUNK), jnp.int32),
          pltpu.VMEM((NBUF, CHUNK, HD), jnp.float32),
          pltpu.VMEM((CHUNK, CNT_W), jnp.float32),
          pltpu.VMEM_SHARED((N_PAD, HD), jnp.float32),
          pltpu.VMEM_SHARED((N_PAD, CNT_W), jnp.float32),
      ] + [pltpu.SemaphoreType.DMA] * (2 * NBUF + 1),
  )
  def agg_kernel(xcat_hbm, src2r_hbm, dstr_hbm, zrows_hbm, zcnt_hbm, ones_hbm,
                 agg_hbm, cnt_hbm, sidx, didx, rows, ones_v, acc_sh, cnt_sh,
                 *sems):
    gsem = sems[:NBUF]
    ssem = sems[NBUF:2 * NBUF]
    csem = sems[2 * NBUF]
    cid = lax.axis_index("c")
    sid = lax.axis_index("s")
    row0 = sid * ROWS_PER_TILE

    pltpu.sync_copy(src2r_hbm.at[cid, sid], sidx)
    pltpu.sync_copy(dstr_hbm.at[sid], didx)

    pltpu.sync_copy(zrows_hbm, rows.at[0])
    pltpu.sync_copy(zcnt_hbm, ones_v)
    for k in range(TILE_ROUNDS):
      pltpu.async_copy(rows.at[0], acc_sh.at[pl.ds(row0 + k * CHUNK, CHUNK)],
                       gsem[0])
      pltpu.async_copy(ones_v, cnt_sh.at[pl.ds(row0 + k * CHUNK, CHUNK)],
                       csem)
    for k in range(TILE_ROUNDS):
      pltpu.make_async_copy(zrows_hbm, rows.at[0], gsem[0]).wait()
      pltpu.make_async_copy(zcnt_hbm, ones_v, csem).wait()
    pltpu.sync_copy(ones_hbm, ones_v)
    plsc.subcore_barrier()

    def gather(j, b):
      pltpu.async_copy(xcat_hbm.at[sidx.at[j]], rows.at[b], gsem[b])

    def wait_gather(b):
      pltpu.make_async_copy(xcat_hbm.at[sidx.at[0]], rows.at[b], gsem[b]).wait()

    def wait_scatter(b):
      pltpu.make_async_copy(zrows_hbm, rows.at[b], ssem[b]).wait()

    for b in range(NBUF):
      gather(b, b)

    def body(t, carry):
      j0 = NBUF * t
      for b in range(NBUF):
        wait_gather(b)
        pltpu.async_copy(rows.at[b], acc_sh.at[didx.at[j0 + b]], ssem[b],
                         add=True)

      @pl.when(cid == 0)
      def _count():
        for b in range(NBUF):
          pltpu.async_copy(ones_v, cnt_sh.at[didx.at[j0 + b]], csem, add=True)

      for b in range(NBUF):
        wait_scatter(b)
        nxt = j0 + NBUF + b
        gather(jnp.minimum(nxt, FEAT_CHUNKS - 1), b)

      @pl.when(cid == 0)
      def _drain_counts():
        for b in range(NBUF):
          pltpu.make_async_copy(zcnt_hbm, ones_v, csem).wait()

      return carry

    lax.fori_loop(0, FEAT_CHUNKS // NBUF, body, 0)
    for b in range(NBUF):
      wait_gather(b)
    plsc.subcore_barrier()

    def stage_out(k, b):
      pltpu.async_copy(acc_sh.at[pl.ds(row0 + k * CHUNK, CHUNK)], rows.at[b],
                       gsem[b])

    def flush_out(k, b):
      pltpu.make_async_copy(zrows_hbm, rows.at[b], gsem[b]).wait()
      pltpu.async_copy(rows.at[b], agg_hbm.at[cid, pl.ds(row0 + k * CHUNK, CHUNK)],
                       ssem[b])

    for k in range(NBUF):
      stage_out(k, k)
    for k in range(NBUF):
      flush_out(k, k)
    for k in range(NBUF, TILE_ROUNDS):
      b = k - NBUF
      pltpu.make_async_copy(zrows_hbm, rows.at[b], ssem[b]).wait()
      stage_out(k, b)
      flush_out(k, b)
    for b in range(NBUF):
      pltpu.make_async_copy(zrows_hbm, rows.at[b], ssem[b]).wait()

    @pl.when(cid == 0)
    def _write_counts():
      for k in range(TILE_ROUNDS):
        pltpu.sync_copy(cnt_sh.at[pl.ds(row0 + k * CHUNK, CHUNK)], ones_v)
        pltpu.sync_copy(ones_v, cnt_hbm.at[pl.ds(row0 + k * CHUNK, CHUNK)])

  return agg_kernel(xcat, src2r, dstr, zrows, zcnt, ones_c)


ROW_BLK = 1000


def _head_kernel(x_ref, agg_ref, cnt_ref, wl_ref, bl_ref, wr_ref,
                 wmlp_ref, bmlp_ref, out_ref):
  recip = 1.0 / jnp.maximum(cnt_ref[:, 0], 1.0)
  mean0 = agg_ref[0] * recip[:, None]
  mean1 = agg_ref[1] * recip[:, None]
  wl = wl_ref[...]
  dn = (((1,), (1,)), ((), ()))
  h = lax.dot_general(mean0, wl[:, :HD], dn, preferred_element_type=jnp.float32)
  h += lax.dot_general(mean1, wl[:, HD:], dn, preferred_element_type=jnp.float32)
  h += lax.dot_general(x_ref[...], wr_ref[...], dn,
                       preferred_element_type=jnp.float32)
  h = jnp.maximum(h + bl_ref[...], 0.0)
  out_ref[...] = lax.dot_general(
      h, wmlp_ref[...], dn, preferred_element_type=jnp.float32) + bmlp_ref[...]


def _tc_head(x, agg, cnt, W_l, b_l, W_r, W_mlp, b_mlp):
  grid = (N // ROW_BLK,)
  return pl.pallas_call(
      _head_kernel,
      grid=grid,
      in_specs=[
          pl.BlockSpec((ROW_BLK, D), lambda i: (i, 0)),
          pl.BlockSpec((NUM_CORES, ROW_BLK, HD), lambda i: (0, i, 0)),
          pl.BlockSpec((ROW_BLK, CNT_W), lambda i: (i, 0)),
          pl.BlockSpec((H, D), lambda i: (0, 0)),
          pl.BlockSpec((1, H), lambda i: (0, 0)),
          pl.BlockSpec((H, D), lambda i: (0, 0)),
          pl.BlockSpec((C, H), lambda i: (0, 0)),
          pl.BlockSpec((1, C), lambda i: (0, 0)),
      ],
      out_specs=pl.BlockSpec((ROW_BLK, C), lambda i: (i, 0)),
      out_shape=jax.ShapeDtypeStruct((N, C), jnp.float32),
  )(x, agg, cnt, W_l, b_l.reshape(1, H), W_r, W_mlp, b_mlp.reshape(1, C))


@jax.jit
def kernel(x, edge_index, W_l, b_l, W_r, W_mlp, b_mlp):
  src = edge_index[0]
  dst = edge_index[1]
  xcat = jnp.concatenate([x[:, :HD], x[:, HD:]], axis=0)
  src2r = jnp.concatenate([src, src + N]).reshape(
      NUM_CORES, NUM_SUBCORES, FEAT_CHUNKS, CHUNK)
  dstr = dst.reshape(NUM_SUBCORES, FEAT_CHUNKS, CHUNK)
  zrows = jnp.zeros((CHUNK, HD), jnp.float32)
  zcnt = jnp.zeros((CHUNK, CNT_W), jnp.float32)
  ones_c = jnp.ones((CHUNK, CNT_W), jnp.float32)
  agg, cnt = _sc_aggregate(xcat, src2r, dstr, zrows, zcnt, ones_c)
  return _tc_head(x, agg, cnt, W_l, b_l, W_r, W_mlp, b_mlp)

# --- scband reference (transcript-rebuilt; emitter-appended) ---
"""Pipeline reference for scband-sage-classifier-49323404427444 (READ-ONLY COPY).

The authoritative reference and input builder live on the scoring server;
editing this copy changes nothing except your own understanding.
"""

import jax, jax.numpy as jnp
import numpy as np

N = 10000
E = 320000
D = 128
H = 128
C = 64


def setup_inputs(seed: int = 0) -> dict:
    key = jax.random.key(seed)
    k1, k2, k3, k4, k5, k6, k7 = jax.random.split(key, 7)
    x = jax.random.normal(k1, (N, D), dtype=jnp.float32)
    edge_index = jax.random.randint(k2, (2, E), 0, N, dtype=jnp.int32)
    # SAGEConv params: lin_l acts on aggregated neighbors (has bias), lin_r acts on root (no bias)
    W_l = jax.random.normal(k3, (H, D), dtype=jnp.float32) * (1.0 / np.sqrt(D))
    b_l = jnp.zeros((H,), dtype=jnp.float32)
    W_r = jax.random.normal(k4, (H, D), dtype=jnp.float32) * (1.0 / np.sqrt(D))
    # mlp classifier head: init.normal_(std=0.05) as in reset_parameters
    W_mlp = jax.random.normal(k5, (C, H), dtype=jnp.float32) * 0.05
    b_mlp = jnp.zeros((C,), dtype=jnp.float32)
    return {"x": x, "edge_index": edge_index, "W_l": W_l, "b_l": b_l, "W_r": W_r, "W_mlp": W_mlp, "b_mlp": b_mlp}


def reference(x, edge_index, W_l, b_l, W_r, W_mlp, b_mlp):
    src = edge_index[0]
    dst = edge_index[1]
    # message: gather source node features along edges
    msg = jnp.take(x, src, axis=0)
    # mean aggregation at destination nodes (PyG SAGEConv default aggr='mean')
    agg = jax.ops.segment_sum(msg, dst, num_segments=N)
    cnt = jax.ops.segment_sum(jnp.ones((E,), dtype=jnp.float32), dst, num_segments=N)
    mean = agg / jnp.clip(cnt, 1.0)[:, None]
    # SAGEConv: lin_l(mean_neighbors) + lin_r(x_root)
    h = mean @ W_l.T + b_l + x @ W_r.T
    h = jax.nn.relu(h)
    # dropout is identity in eval mode (deterministic reference)
    out = h @ W_mlp.T + b_mlp
    return out

if __name__ == "__main__":
    import jax
    _d = setup_inputs()
    print(jax.jit(kernel)(*tuple(_d.values())))

</pallas_src>

<mosaic_0001>
#map = affine_map<(d0, d1) -> (0, 0)>
#map1 = affine_map<(d0, d1) -> (0, 0, 0, 0)>
#map2 = affine_map<(d0, d1) -> (0, 0, 0)>
module attributes {stable_mosaic.version = 14 : i64} {
  func.func @agg_kernel(%arg0: i32, %arg1: i32, %arg2: memref<20000x64xf32, #tpu.memory_space<hbm>>, %arg3: memref<2x16x250x80xi32, #tpu.memory_space<hbm>>, %arg4: memref<16x250x80xi32, #tpu.memory_space<hbm>>, %arg5: memref<80x64xf32, #tpu.memory_space<hbm>>, %arg6: memref<80x8xf32, #tpu.memory_space<hbm>>, %arg7: memref<80x8xf32, #tpu.memory_space<hbm>>, %arg8: memref<2x10240x64xf32, #tpu.memory_space<hbm>>, %arg9: memref<10240x8xf32, #tpu.memory_space<hbm>>, %arg10: memref<250x80xi32, #tpu.memory_space<vmem>>, %arg11: memref<250x80xi32, #tpu.memory_space<vmem>>, %arg12: memref<5x80x64xf32, #tpu.memory_space<vmem>>, %arg13: memref<80x8xf32, #tpu.memory_space<vmem>>, %arg14: memref<10240x64xf32, #tpu.memory_space<vmem_shared>>, %arg15: memref<10240x8xf32, #tpu.memory_space<vmem_shared>>, %arg16: memref<!tpu.dma_semaphore, #tpu.memory_space<semaphore_mem>>, %arg17: memref<!tpu.dma_semaphore, #tpu.memory_space<semaphore_mem>>, %arg18: memref<!tpu.dma_semaphore, #tpu.memory_space<semaphore_mem>>, %arg19: memref<!tpu.dma_semaphore, #tpu.memory_space<semaphore_mem>>, %arg20: memref<!tpu.dma_semaphore, #tpu.memory_space<semaphore_mem>>, %arg21: memref<!tpu.dma_semaphore, #tpu.memory_space<semaphore_mem>>, %arg22: memref<!tpu.dma_semaphore, #tpu.memory_space<semaphore_mem>>, %arg23: memref<!tpu.dma_semaphore, #tpu.memory_space<semaphore_mem>>, %arg24: memref<!tpu.dma_semaphore, #tpu.memory_space<semaphore_mem>>, %arg25: memref<!tpu.dma_semaphore, #tpu.memory_space<semaphore_mem>>, %arg26: memref<!tpu.dma_semaphore, #tpu.memory_space<semaphore_mem>>) attributes {dimension_semantics = [#tpu.dimension_semantics<core_parallel>, #tpu.dimension_semantics<subcore_parallel>], iteration_bounds = array<i64: 2, 16>, scalar_prefetch = 0 : i64, scratch_operands = 17 : i64, tpu.core_type = #tpu.core_type<sc_vector_subcore>, window_params = [{transform_indices = #map}, {transform_indices = #map1}, {transform_indices = #map2}, {transform_indices = #map}, {transform_indices = #map}, {transform_indices = #map}, {transform_indices = #map2}, {transform_indices = #map}]} {
    %mul3A = arith.constant 640 : i32
    %mul3A_0 = arith.muli %arg1, %mul3A : i32
    "tpu.region"() ({
      %run_scoped3A_766 = tpu.sem_alloc : memref<!tpu.dma_semaphore, #tpu.memory_space<semaphore_mem>>
      %dma_start3A_767 = arith.constant 0 : i32
      %dma_start3A_768 = arith.constant 0 : i32
      %dma_start3A_769 = tpu.memref_slice %arg3[%arg0, %arg1, %dma_start3A_767, %dma_start3A_768] : memref<2x16x250x80xi32, #tpu.memory_space<hbm>> -> memref<1x1x250x80xi32, #tpu.memory_space<hbm>>
      %dma_start3A_770 = tpu.memref_squeeze %dma_start3A_769 : memref<1x1x250x80xi32, #tpu.memory_space<hbm>> -> memref<250x80xi32, #tpu.memory_space<hbm>>
      %dma_start3A_771 = arith.constant 0 : i32
      %dma_start3A_772 = arith.constant 0 : i32
      %dma_start3A_773 = tpu.memref_slice %arg3[%arg0, %arg1, %dma_start3A_771, %dma_start3A_772] : memref<2x16x250x80xi32, #tpu.memory_space<hbm>> -> memref<1x1x250x80xi32, #tpu.memory_space<hbm>>
      %dma_start3A_774 = tpu.memref_squeeze %dma_start3A_773 : memref<1x1x250x80xi32, #tpu.memory_space<hbm>> -> memref<250x80xi32, #tpu.memory_space<hbm>>
      tpu.enqueue_dma source(%dma_start3A_774 : memref<250x80xi32, #tpu.memory_space<hbm>>) target(%arg10 : memref<250x80xi32, #tpu.memory_space<vmem>>) target_semaphore(%run_scoped3A_766 : memref<!tpu.dma_semaphore, #tpu.memory_space<semaphore_mem>>)
      %dma_wait3A_775 = arith.constant 0 : i32
      %dma_wait3A_776 = arith.constant 0 : i32
      %dma_wait3A_777 = tpu.memref_slice %arg3[%arg0, %arg1, %dma_wait3A_775, %dma_wait3A_776] : memref<2x16x250x80xi32, #tpu.memory_space<hbm>> -> memref<1x1x250x80xi32, #tpu.memory_space<hbm>>
      %dma_wait3A_778 = tpu.memref_squeeze %dma_wait3A_777 : memref<1x1x250x80xi32, #tpu.memory_space<hbm>> -> memref<250x80xi32, #tpu.memory_space<hbm>>
      %dma_wait3A_779 = arith.constant 0 : i32
      %dma_wait3A_780 = arith.constant 0 : i32
      %dma_wait3A_781 = tpu.memref_slice %arg3[%arg0, %arg1, %dma_wait3A_779, %dma_wait3A_780] : memref<2x16x250x80xi32, #tpu.memory_space<hbm>> -> memref<1x1x250x80xi32, #tpu.memory_space<hbm>>
      %dma_wait3A_782 = tpu.memref_squeeze %dma_wait3A_781 : memref<1x1x250x80xi32, #tpu.memory_space<hbm>> -> memref<250x80xi32, #tpu.memory_space<hbm>>
      tpu.wait_dma2 semaphore(%run_scoped3A_766 : memref<!tpu.dma_semaphore, #tpu.memory_space<semaphore_mem>>) src(%dma_wait3A_782 : memref<250x80xi32, #tpu.memory_space<hbm>>) dst(%arg10 : memref<250x80xi32, #tpu.memory_space<vmem>>)
      tpu.yield
    }) : () -> ()
    "tpu.region"() ({
      %run_scoped3A_766 = tpu.sem_alloc : memref<!tpu.dma_semaphore, #tpu.memory_space<semaphore_mem>>
      %dma_start3A_767 = arith.constant 0 : i32
      %dma_start3A_768 = arith.constant 0 : i32
      %dma_start3A_769 = tpu.memref_slice %arg4[%arg1, %dma_start3A_767, %dma_start3A_768] : memref<16x250x80xi32, #tpu.memory_space<hbm>> -> memref<1x250x80xi32, #tpu.memory_space<hbm>>
      %dma_start3A_770 = tpu.memref_squeeze %dma_start3A_769 : memref<1x250x80xi32, #tpu.memory_space<hbm>> -> memref<250x80xi32, #tpu.memory_space<hbm>>
      %dma_start3A_771 = arith.constant 0 : i32
      %dma_start3A_772 = arith.constant 0 : i32
      %dma_start3A_773 = tpu.memref_slice %arg4[%arg1, %dma_start3A_771, %dma_start3A_772] : memref<16x250x80xi32, #tpu.memory_space<hbm>> -> memref<1x250x80xi32, #tpu.memory_space<hbm>>
      %dma_start3A_774 = tpu.memref_squeeze %dma_start3A_773 : memref<1x250x80xi32, #tpu.memory_space<hbm>> -> memref<250x80xi32, #tpu.memory_space<hbm>>
      tpu.enqueue_dma source(%dma_start3A_774 : memref<250x80xi32, #tpu.memory_space<hbm>>) target(%arg11 : memref<250x80xi32, #tpu.memory_space<vmem>>) target_semaphore(%run_scoped3A_766 : memref<!tpu.dma_semaphore, #tpu.memory_space<semaphore_mem>>)
      %dma_wait3A_775 = arith.constant 0 : i32
      %dma_wait3A_776 = arith.constant 0 : i32
      %dma_wait3A_777 = tpu.memref_slice %arg4[%arg1, %dma_wait3A_775, %dma_wait3A_776] : memref<16x250x80xi32, #tpu.memory_space<hbm>> -> memref<1x250x80xi32, #tpu.memory_space<hbm>>
      %dma_wait3A_778 = tpu.memref_squeeze %dma_wait3A_777 : memref<1x250x80xi32, #tpu.memory_space<hbm>> -> memref<250x80xi32, #tpu.memory_space<hbm>>
      %dma_wait3A_779 = arith.constant 0 : i32
      %dma_wait3A_780 = arith.constant 0 : i32
      %dma_wait3A_781 = tpu.memref_slice %arg4[%arg1, %dma_wait3A_779, %dma_wait3A_780] : memref<16x250x80xi32, #tpu.memory_space<hbm>> -> memref<1x250x80xi32, #tpu.memory_space<hbm>>
      %dma_wait3A_782 = tpu.memref_squeeze %dma_wait3A_781 : memref<1x250x80xi32, #tpu.memory_space<hbm>> -> memref<250x80xi32, #tpu.memory_space<hbm>>
      tpu.wait_dma2 semaphore(%run_scoped3A_766 : memref<!tpu.dma_semaphore, #tpu.memory_space<semaphore_mem>>) src(%dma_wait3A_782 : memref<250x80xi32, #tpu.memory_space<hbm>>) dst(%arg11 : memref<250x80xi32, #tpu.memory_space<vmem>>)
      tpu.yield
    }) : () -> ()
    %run_scoped3A = arith.constant 0 : i32
    "tpu.region"() ({
      %run_scoped3A_766 = tpu.sem_alloc : memref<!tpu.dma_semaphore, #tpu.memory_space<semaphore_mem>>
      %dma_start3A_767 = arith.constant 0 : i32
      %dma_start3A_768 = arith.constant 0 : i32
      %dma_start3A_769 = tpu.memref_slice %arg12[%run_scoped3A, %dma_start3A_767, %dma_start3A_768] : memref<5x80x64xf32, #tpu.memory_space<vmem>> -> memref<1x80x64xf32, #tpu.memory_space<vmem>>
      %dma_start3A_770 = tpu.memref_squeeze %dma_start3A_769 : memref<1x80x64xf32, #tpu.memory_space<vmem>> -> memref<80x64xf32, #tpu.memory_space<vmem>>
      %dma_start3A_771 = arith.constant 0 : i32
      %dma_start3A_772 = arith.constant 0 : i32
      %dma_start3A_773 = tpu.memref_slice %arg12[%run_scoped3A, %dma_start3A_771, %dma_start3A_772] : memref<5x80x64xf32, #tpu.memory_space<vmem>> -> memref<1x80x64xf32, #tpu.memory_space<vmem>>
      %dma_start3A_774 = tpu.memref_squeeze %dma_start3A_773 : memref<1x80x64xf32, #tpu.memory_space<vmem>> -> memref<80x64xf32, #tpu.memory_space<vmem>>
      tpu.enqueue_dma source(%arg5 : memref<80x64xf32, #tpu.memory_space<hbm>>) target(%dma_start3A_774 : memref<80x64xf32, #tpu.memory_space<vmem>>) target_semaphore(%run_scoped3A_766 : memref<!tpu.dma_semaphore, #tpu.memory_space<semaphore_mem>>)
      %dma_wait3A_775 = arith.constant 0 : i32
      %dma_wait3A_776 = arith.constant 0 : i32
      %dma_wait3A_777 = tpu.memref_slice %arg12[%run_scoped3A, %dma_wait3A_775, %dma_wait3A_776] : memref<5x80x64xf32, #tpu.memory_space<vmem>> -> memref<1x80x64xf32, #tpu.memory_space<vmem>>
      %dma_wait3A_778 = tpu.memref_squeeze %dma_wait3A_777 : memref<1x80x64xf32, #tpu.memory_space<vmem>> -> memref<80x64xf32, #tpu.memory_space<vmem>>
      %dma_wait3A_779 = arith.constant 0 : i32
      %dma_wait3A_780 = arith.constant 0 : i32
      %dma_wait3A_781 = tpu.memref_slice %arg12[%run_scoped3A, %dma_wait3A_779, %dma_wait3A_780] : memref<5x80x64xf32, #tpu.memory_space<vmem>> -> memref<1x80x64xf32, #tpu.memory_space<vmem>>
      %dma_wait3A_782 = tpu.memref_squeeze %dma_wait3A_781 : memref<1x80x64xf32, #tpu.memory_space<vmem>> -> memref<80x64xf32, #tpu.memory_space<vmem>>
      tpu.wait_dma2 semaphore(%run_scoped3A_766 : memref<!tpu.dma_semaphore, #tpu.memory_space<semaphore_mem>>) src(%arg5 : memref<80x64xf32, #tpu.memory_space<hbm>>) dst(%dma_wait3A_782 : memref<80x64xf32, #tpu.memory_space<vmem>>)
      tpu.yield
    }) : () -> ()
    "tpu.region"() ({
      %run_scoped3A_766 = tpu.sem_alloc : memref<!tpu.dma_semaphore, #tpu.memory_space<semaphore_mem>>
      tpu.enqueue_dma source(%arg6 : memref<80x8xf32, #tpu.memory_space<hbm>>) target(%arg13 : memref<80x8xf32, #tpu.memory_space<vmem>>) target_semaphore(%run_scoped3A_766 : memref<!tpu.dma_semaphore, #tpu.memory_space<semaphore_mem>>)
      tpu.wait_dma2 semaphore(%run_scoped3A_766 : memref<!tpu.dma_semaphore, #tpu.memory_space<semaphore_mem>>) src(%arg6 : memref<80x8xf32, #tpu.memory_space<hbm>>) dst(%arg13 : memref<80x8xf32, #tpu.memory_space<vmem>>)
      tpu.yield
    }) : () -> ()
    %add3A = arith.constant 0 : i32
    %add3A_1 = arith.addi %mul3A_0, %add3A : i32
    %dma_start3A = arith.constant 0 : i32
    %dma_start3A_2 = arith.constant 0 : i32
    %dma_start3A_3 = arith.constant 0 : i32
    %dma_start3A_4 = tpu.memref_slice %arg12[%dma_start3A, %dma_start3A_2, %dma_start3A_3] : memref<5x80x64xf32, #tpu.memory_space<vmem>> -> memref<1x80x64xf32, #tpu.memory_space<vmem>>
    %dma_start3A_5 = tpu.memref_squeeze %dma_start3A_4 : memref<1x80x64xf32, #tpu.memory_space<vmem>> -> memref<80x64xf32, #tpu.memory_space<vmem>>
    %dma_start3A_6 = arith.constant 0 : i32
    %dma_start3A_7 = tpu.memref_slice %arg14[%add3A_1, %dma_start3A_6] : memref<10240x64xf32, #tpu.memory_space<vmem_shared>> -> memref<80x64xf32, #tpu.memory_space<vmem_shared>>
    %dma_start3A_8 = arith.constant 0 : i32
    %dma_start3A_9 = tpu.memref_slice %arg14[%add3A_1, %dma_start3A_8] : memref<10240x64xf32, #tpu.memory_space<vmem_shared>> -> memref<80x64xf32, #tpu.memory_space<vmem_shared>>
    %dma_start3A_10 = arith.constant 0 : i32
    %dma_start3A_11 = arith.constant 0 : i32
    %dma_start3A_12 = tpu.memref_slice %arg12[%dma_start3A, %dma_start3A_10, %dma_start3A_11] : memref<5x80x64xf32, #tpu.memory_space<vmem>> -> memref<1x80x64xf32, #tpu.memory_space<vmem>>
    %dma_start3A_13 = tpu.memref_squeeze %dma_start3A_12 : memref<1x80x64xf32, #tpu.memory_space<vmem>> -> memref<80x64xf32, #tpu.memory_space<vmem>>
    tpu.enqueue_dma source(%dma_start3A_13 : memref<80x64xf32, #tpu.memory_space<vmem>>) target(%dma_start3A_9 : memref<80x64xf32, #tpu.memory_space<vmem_shared>>) target_semaphore(%arg16 : memref<!tpu.dma_semaphore, #tpu.memory_space<semaphore_mem>>)
    %add3A_14 = arith.constant 0 : i32
    %add3A_15 = arith.addi %mul3A_0, %add3A_14 : i32
    %dma_start3A_16 = arith.constant 0 : i32
    %dma_start3A_17 = tpu.memref_slice %arg15[%add3A_15, %dma_start3A_16] : memref<10240x8xf32, #tpu.memory_space<vmem_shared>> -> memref<80x8xf32, #tpu.memory_space<vmem_shared>>
    %dma_start3A_18 = arith.constant 0 : i32
    %dma_start3A_19 = tpu.memref_slice %arg15[%add3A_15, %dma_start3A_18] : memref<10240x8xf32, #tpu.memory_space<vmem_shared>> -> memref<80x8xf32, #tpu.memory_space<vmem_shared>>
    tpu.enqueue_dma source(%arg13 : memref<80x8xf32, #tpu.memory_space<vmem>>) target(%dma_start3A_19 : memref<80x8xf32, #tpu.memory_space<vmem_shared>>) target_semaphore(%arg26 : memref<!tpu.dma_semaphore, #tpu.memory_space<semaphore_mem>>)
    %add3A_20 = arith.constant 80 : i32
    %add3A_21 = arith.addi %mul3A_0, %add3A_20 : i32
    %dma_start3A_22 = arith.constant 0 : i32
    %dma_start3A_23 = arith.constant 0 : i32
    %dma_start3A_24 = arith.constant 0 : i32
    %dma_start3A_25 = tpu.memref_slice %arg12[%dma_start3A_22, %dma_start3A_23, %dma_start3A_24] : memref<5x80x64xf32, #tpu.memory_space<vmem>> -> memref<1x80x64xf32, #tpu.memory_space<vmem>>
    %dma_start3A_26 = tpu.memref_squeeze %dma_start3A_25 : memref<1x80x64xf32, #tpu.memory_space<vmem>> -> memref<80x64xf32, #tpu.memory_space<vmem>>
    %dma_start3A_27 = arith.constant 0 : i32
    %dma_start3A_28 = tpu.memref_slice %arg14[%add3A_21, %dma_start3A_27] : memref<10240x64xf32, #tpu.memory_space<vmem_shared>> -> memref<80x64xf32, #tpu.memory_space<vmem_shared>>
    %dma_start3A_29 = arith.constant 0 : i32
    %dma_start3A_30 = tpu.memref_slice %arg14[%add3A_21, %dma_start3A_29] : memref<10240x64xf32, #tpu.memory_space<vmem_shared>> -> memref<80x64xf32, #tpu.memory_space<vmem_shared>>
    %dma_start3A_31 = arith.constant 0 : i32
    %dma_start3A_32 = arith.constant 0 : i32
    %dma_start3A_33 = tpu.memref_slice %arg12[%dma_start3A_22, %dma_start3A_31, %dma_start3A_32] : memref<5x80x64xf32, #tpu.memory_space<vmem>> -> memref<1x80x64xf32, #tpu.memory_space<vmem>>
    %dma_start3A_34 = tpu.memref_squeeze %dma_start3A_33 : memref<1x80x64xf32, #tpu.memory_space<vmem>> -> memref<80x64xf32, #tpu.memory_space<vmem>>
    tpu.enqueue_dma source(%dma_start3A_34 : memref<80x64xf32, #tpu.memory_space<vmem>>) target(%dma_start3A_30 : memref<80x64xf32, #tpu.memory_space<vmem_shared>>) target_semaphore(%arg16 : memref<!tpu.dma_semaphore, #tpu.memory_space<semaphore_mem>>)
    %add3A_35 = arith.constant 80 : i32
    %add3A_36 = arith.addi %mul3A_0, %add3A_35 : i32
    %dma_start3A_37 = arith.constant 0 : i32
    %dma_start3A_38 = tpu.memref_slice %arg15[%add3A_36, %dma_start3A_37] : memref<10240x8xf32, #tpu.memory_space<vmem_shared>> -> memref<80x8xf32, #tpu.memory_space<vmem_shared>>
    %dma_start3A_39 = arith.constant 0 : i32
    %dma_start3A_40 = tpu.memref_slice %arg15[%add3A_36, %dma_start3A_39] : memref<10240x8xf32, #tpu.memory_space<vmem_shared>> -> memref<80x8xf32, #tpu.memory_space<vmem_shared>>
    tpu.enqueue_dma source(%arg13 : memref<80x8xf32, #tpu.memory_space<vmem>>) target(%dma_start3A_40 : memref<80x8xf32, #tpu.memory_space<vmem_shared>>) target_semaphore(%arg26 : memref<!tpu.dma_semaphore, #tpu.memory_space<semaphore_mem>>)
    %add3A_41 = arith.constant 160 : i32
    %add3A_42 = arith.addi %mul3A_0, %add3A_41 : i32
    %dma_start3A_43 = arith.constant 0 : i32
    %dma_start3A_44 = arith.constant 0 : i32
    %dma_start3A_45 = arith.constant 0 : i32
    %dma_start3A_46 = tpu.memref_slice %arg12[%dma_start3A_43, %dma_start3A_44, %dma_start3A_45] : memref<5x80x64xf32, #tpu.memory_space<vmem>> -> memref<1x80x64xf32, #tpu.memory_space<vmem>>
    %dma_start3A_47 = tpu.memref_squeeze %dma_start3A_46 : memref<1x80x64xf32, #tpu.memory_space<vmem>> -> memref<80x64xf32, #tpu.memory_space<vmem>>
    %dma_start3A_48 = arith.constant 0 : i32
    %dma_start3A_49 = tpu.memref_slice %arg14[%add3A_42, %dma_start3A_48] : memref<10240x64xf32, #tpu.memory_space<vmem_shared>> -> memref<80x64xf32, #tpu.memory_space<vmem_shared>>
    %dma_start3A_50 = arith.constant 0 : i32
    %dma_start3A_51 = tpu.memref_slice %arg14[%add3A_42, %dma_start3A_50] : memref<10240x64xf32, #tpu.memory_space<vmem_shared>> -> memref<80x64xf32, #tpu.memory_space<vmem_shared>>
    %dma_start3A_52 = arith.constant 0 : i32
    %dma_start3A_53 = arith.constant 0 : i32
    %dma_start3A_54 = tpu.memref_slice %arg12[%dma_start3A_43, %dma_start3A_52, %dma_start3A_53] : memref<5x80x64xf32, #tpu.memory_space<vmem>> -> memref<1x80x64xf32, #tpu.memory_space<vmem>>
    %dma_start3A_55 = tpu.memref_squeeze %dma_start3A_54 : memref<1x80x64xf32, #tpu.memory_space<vmem>> -> memref<80x64xf32, #tpu.memory_space<vmem>>
    tpu.enqueue_dma source(%dma_start3A_55 : memref<80x64xf32, #tpu.memory_space<vmem>>) target(%dma_start3A_51 : memref<80x64xf32, #tpu.memory_space<vmem_shared>>) target_semaphore(%arg16 : memref<!tpu.dma_semaphore, #tpu.memory_space<semaphore_mem>>)
    %add3A_56 = arith.constant 160 : i32
    %add3A_57 = arith.addi %mul3A_0, %add3A_56 : i32
    %dma_start3A_58 = arith.constant 0 : i32
    %dma_start3A_59 = tpu.memref_slice %arg15[%add3A_57, %dma_start3A_58] : memref<10240x8xf32, #tpu.memory_space<vmem_shared>> -> memref<80x8xf32, #tpu.memory_space<vmem_shared>>
    %dma_start3A_60 = arith.constant 0 : i32
    %dma_start3A_61 = tpu.memref_slice %arg15[%add3A_57, %dma_start3A_60] : memref<10240x8xf32, #tpu.memory_space<vmem_shared>> -> memref<80x8xf32, #tpu.memory_space<vmem_shared>>
    tpu.enqueue_dma source(%arg13 : memref<80x8xf32, #tpu.memory_space<vmem>>) target(%dma_start3A_61 : memref<80x8xf32, #tpu.memory_space<vmem_shared>>) target_semaphore(%arg26 : memref<!tpu.dma_semaphore, #tpu.memory_space<semaphore_mem>>)
    %add3A_62 = arith.constant 240 : i32
    %add3A_63 = arith.addi %mul3A_0, %add3A_62 : i32
    %dma_start3A_64 = arith.constant 0 : i32
    %dma_start3A_65 = arith.constant 0 : i32
    %dma_start3A_66 = arith.constant 0 : i32
    %dma_start3A_67 = tpu.memref_slice %arg12[%dma_start3A_64, %dma_start3A_65, %dma_start3A_66] : memref<5x80x64xf32, #tpu.memory_space<vmem>> -> memref<1x80x64xf32, #tpu.memory_space<vmem>>
    %dma_start3A_68 = tpu.memref_squeeze %dma_start3A_67 : memref<1x80x64xf32, #tpu.memory_space<vmem>> -> memref<80x64xf32, #tpu.memory_space<vmem>>
    %dma_start3A_69 = arith.constant 0 : i32
    %dma_start3A_70 = tpu.memref_slice %arg14[%add3A_63, %dma_start3A_69] : memref<10240x64xf32, #tpu.memory_space<vmem_shared>> -> memref<80x64xf32, #tpu.memory_space<vmem_shared>>
    %dma_start3A_71 = arith.constant 0 : i32
    %dma_start3A_72 = tpu.memref_slice %arg14[%add3A_63, %dma_start3A_71] : memref<10240x64xf32, #tpu.memory_space<vmem_shared>> -> memref<80x64xf32, #tpu.memory_space<vmem_shared>>
    %dma_start3A_73 = arith.constant 0 : i32
    %dma_start3A_74 = arith.constant 0 : i32
    %dma_start3A_75 = tpu.memref_slice %arg12[%dma_start3A_64, %dma_start3A_73, %dma_start3A_74] : memref<5x80x64xf32, #tpu.memory_space<vmem>> -> memref<1x80x64xf32, #tpu.memory_space<vmem>>
    %dma_start3A_76 = tpu.memref_squeeze %dma_start3A_75 : memref<1x80x64xf32, #tpu.memory_space<vmem>> -> memref<80x64xf32, #tpu.memory_space<vmem>>
    tpu.enqueue_dma source(%dma_start3A_76 : memref<80x64xf32, #tpu.memory_space<vmem>>) target(%dma_start3A_72 : memref<80x64xf32, #tpu.memory_space<vmem_shared>>) target_semaphore(%arg16 : memref<!tpu.dma_semaphore, #tpu.memory_space<semaphore_mem>>)
    %add3A_77 = arith.constant 240 : i32
    %add3A_78 = arith.addi %mul3A_0, %add3A_77 : i32
    %dma_start3A_79 = arith.constant 0 : i32
    %dma_start3A_80 = tpu.memref_slice %arg15[%add3A_78, %dma_start3A_79] : memref<10240x8xf32, #tpu.memory_space<vmem_shared>> -> memref<80x8xf32, #tpu.memory_space<vmem_shared>>
    %dma_start3A_81 = arith.constant 0 : i32
    %dma_start3A_82 = tpu.memref_slice %arg15[%add3A_78, %dma_start3A_81] : memref<10240x8xf32, #tpu.memory_space<vmem_shared>> -> memref<80x8xf32, #tpu.memory_space<vmem_shared>>
    tpu.enqueue_dma source(%arg13 : memref<80x8xf32, #tpu.memory_space<vmem>>) target(%dma_start3A_82 : memref<80x8xf32, #tpu.memory_space<vmem_shared>>) target_semaphore(%arg26 : memref<!tpu.dma_semaphore, #tpu.memory_space<semaphore_mem>>)
    %add3A_83 = arith.constant 320 : i32
    %add3A_84 = arith.addi %mul3A_0, %add3A_83 : i32
    %dma_start3A_85 = arith.constant 0 : i32
    %dma_start3A_86 = arith.constant 0 : i32
    %dma_start3A_87 = arith.constant 0 : i32
    %dma_start3A_88 = tpu.memref_slice %arg12[%dma_start3A_85, %dma_start3A_86, %dma_start3A_87] : memref<5x80x64xf32, #tpu.memory_space<vmem>> -> memref<1x80x64xf32, #tpu.memory_space<vmem>>
    %dma_start3A_89 = tpu.memref_squeeze %dma_start3A_88 : memref<1x80x64xf32, #tpu.memory_space<vmem>> -> memref<80x64xf32, #tpu.memory_space<vmem>>
    %dma_start3A_90 = arith.constant 0 : i32
    %dma_start3A_91 = tpu.memref_slice %arg14[%add3A_84, %dma_start3A_90] : memref<10240x64xf32, #tpu.memory_space<vmem_shared>> -> memref<80x64xf32, #tpu.memory_space<vmem_shared>>
    %dma_start3A_92 = arith.constant 0 : i32
    %dma_start3A_93 = tpu.memref_slice %arg14[%add3A_84, %dma_start3A_92] : memref<10240x64xf32, #tpu.memory_space<vmem_shared>> -> memref<80x64xf32, #tpu.memory_space<vmem_shared>>
    %dma_start3A_94 = arith.constant 0 : i32
    %dma_start3A_95 = arith.constant 0 : i32
    %dma_start3A_96 = tpu.memref_slice %arg12[%dma_start3A_85, %dma_start3A_94, %dma_start3A_95] : memref<5x80x64xf32, #tpu.memory_space<vmem>> -> memref<1x80x64xf32, #tpu.memory_space<vmem>>
    %dma_start3A_97 = tpu.memref_squeeze %dma_start3A_96 : memref<1x80x64xf32, #tpu.memory_space<vmem>> -> memref<80x64xf32, #tpu.memory_space<vmem>>
    tpu.enqueue_dma source(%dma_start3A_97 : memref<80x64xf32, #tpu.memory_space<vmem>>) target(%dma_start3A_93 : memref<80x64xf32, #tpu.memory_space<vmem_shared>>) target_semaphore(%arg16 : memref<!tpu.dma_semaphore, #tpu.memory_space<semaphore_mem>>)
    %add3A_98 = arith.constant 320 : i32
    %add3A_99 = arith.addi %mul3A_0, %add3A_98 : i32
    %dma_start3A_100 = arith.constant 0 : i32
    %dma_start3A_101 = tpu.memref_slice %arg15[%add3A_99, %dma_start3A_100] : memref<10240x8xf32, #tpu.memory_space<vmem_shared>> -> memref<80x8xf32, #tpu.memory_space<vmem_shared>>
    %dma_start3A_102 = arith.constant 0 : i32
    %dma_start3A_103 = tpu.memref_slice %arg15[%add3A_99, %dma_start3A_102] : memref<10240x8xf32, #tpu.memory_space<vmem_shared>> -> memref<80x8xf32, #tpu.memory_space<vmem_shared>>
    tpu.enqueue_dma source(%arg13 : memref<80x8xf32, #tpu.memory_space<vmem>>) target(%dma_start3A_103 : memref<80x8xf32, #tpu.memory_space<vmem_shared>>) target_semaphore(%arg26 : memref<!tpu.dma_semaphore, #tpu.memory_space<semaphore_mem>>)
    %add3A_104 = arith.constant 400 : i32
    %add3A_105 = arith.addi %mul3A_0, %add3A_104 : i32
    %dma_start3A_106 = arith.constant 0 : i32
    %dma_start3A_107 = arith.constant 0 : i32
    %dma_start3A_108 = arith.constant 0 : i32
    %dma_start3A_109 = tpu.memref_slice %arg12[%dma_start3A_106, %dma_start3A_107, %dma_start3A_108] : memref<5x80x64xf32, #tpu.memory_space<vmem>> -> memref<1x80x64xf32, #tpu.memory_space<vmem>>
    %dma_start3A_110 = tpu.memref_squeeze %dma_start3A_109 : memref<1x80x64xf32, #tpu.memory_space<vmem>> -> memref<80x64xf32, #tpu.memory_space<vmem>>
    %dma_start3A_111 = arith.constant 0 : i32
    %dma_start3A_112 = tpu.memref_slice %arg14[%add3A_105, %dma_start3A_111] : memref<10240x64xf32, #tpu.memory_space<vmem_shared>> -> memref<80x64xf32, #tpu.memory_space<vmem_shared>>
    %dma_start3A_113 = arith.constant 0 : i32
    %dma_start3A_114 = tpu.memref_slice %arg14[%add3A_105, %dma_start3A_113] : memref<10240x64xf32, #tpu.memory_space<vmem_shared>> -> memref<80x64xf32, #tpu.memory_space<vmem_shared>>
    %dma_start3A_115 = arith.constant 0 : i32
    %dma_start3A_116 = arith.constant 0 : i32
    %dma_start3A_117 = tpu.memref_slice %arg12[%dma_start3A_106, %dma_start3A_115, %dma_start3A_116] : memref<5x80x64xf32, #tpu.memory_space<vmem>> -> memref<1x80x64xf32, #tpu.memory_space<vmem>>
    %dma_start3A_118 = tpu.memref_squeeze %dma_start3A_117 : memref<1x80x64xf32, #tpu.memory_space<vmem>> -> memref<80x64xf32, #tpu.memory_space<vmem>>
    tpu.enqueue_dma source(%dma_start3A_118 : memref<80x64xf32, #tpu.memory_space<vmem>>) target(%dma_start3A_114 : memref<80x64xf32, #tpu.memory_space<vmem_shared>>) target_semaphore(%arg16 : memref<!tpu.dma_semaphore, #tpu.memory_space<semaphore_mem>>)
    %add3A_119 = arith.constant 400 : i32
    %add3A_120 = arith.addi %mul3A_0, %add3A_119 : i32
    %dma_start3A_121 = arith.constant 0 : i32
    %dma_start3A_122 = tpu.memref_slice %arg15[%add3A_120, %dma_start3A_121] : memref<10240x8xf32, #tpu.memory_space<vmem_shared>> -> memref<80x8xf32, #tpu.memory_space<vmem_shared>>
    %dma_start3A_123 = arith.constant 0 : i32
    %dma_start3A_124 = tpu.memref_slice %arg15[%add3A_120, %dma_start3A_123] : memref<10240x8xf32, #tpu.memory_space<vmem_shared>> -> memref<80x8xf32, #tpu.memory_space<vmem_shared>>
    tpu.enqueue_dma source(%arg13 : memref<80x8xf32, #tpu.memory_space<vmem>>) target(%dma_start3A_124 : memref<80x8xf32, #tpu.memory_space<vmem_shared>>) target_semaphore(%arg26 : memref<!tpu.dma_semaphore, #tpu.memory_space<semaphore_mem>>)
    %add3A_125 = arith.constant 480 : i32
    %add3A_126 = arith.addi %mul3A_0, %add3A_125 : i32
    %dma_start3A_127 = arith.constant 0 : i32
    %dma_start3A_128 = arith.constant 0 : i32
    %dma_start3A_129 = arith.constant 0 : i32
    %dma_start3A_130 = tpu.memref_slice %arg12[%dma_start3A_127, %dma_start3A_128, %dma_start3A_129] : memref<5x80x64xf32, #tpu.memory_space<vmem>> -> memref<1x80x64xf32, #tpu.memory_space<vmem>>
    %dma_start3A_131 = tpu.memref_squeeze %dma_start3A_130 : memref<1x80x64xf32, #tpu.memory_space<vmem>> -> memref<80x64xf32, #tpu.memory_space<vmem>>
    %dma_start3A_132 = arith.constant 0 : i32
    %dma_start3A_133 = tpu.memref_slice %arg14[%add3A_126, %dma_start3A_132] : memref<10240x64xf32, #tpu.memory_space<vmem_shared>> -> memref<80x64xf32, #tpu.memory_space<vmem_shared>>
    %dma_start3A_134 = arith.constant 0 : i32
    %dma_start3A_135 = tpu.memref_slice %arg14[%add3A_126, %dma_start3A_134] : memref<10240x64xf32, #tpu.memory_space<vmem_shared>> -> memref<80x64xf32, #tpu.memory_space<vmem_shared>>
    %dma_start3A_136 = arith.constant 0 : i32
    %dma_start3A_137 = arith.constant 0 : i32
    %dma_start3A_138 = tpu.memref_slice %arg12[%dma_start3A_127, %dma_start3A_136, %dma_start3A_137] : memref<5x80x64xf32, #tpu.memory_space<vmem>> -> memref<1x80x64xf32, #tpu.memory_space<vmem>>
    %dma_start3A_139 = tpu.memref_squeeze %dma_start3A_138 : memref<1x80x64xf32, #tpu.memory_space<vmem>> -> memref<80x64xf32, #tpu.memory_space<vmem>>
    tpu.enqueue_dma source(%dma_start3A_139 : memref<80x64xf32, #tpu.memory_space<vmem>>) target(%dma_start3A_135 : memref<80x64xf32, #tpu.memory_space<vmem_shared>>) target_semaphore(%arg16 : memref<!tpu.dma_semaphore, #tpu.memory_space<semaphore_mem>>)
    %add3A_140 = arith.constant 480 : i32
    %add3A_141 = arith.addi %mul3A_0, %add3A_140 : i32
    %dma_start3A_142 = arith.constant 0 : i32
    %dma_start3A_143 = tpu.memref_slice %arg15[%add3A_141, %dma_start3A_142] : memref<10240x8xf32, #tpu.memory_space<vmem_shared>> -> memref<80x8xf32, #tpu.memory_space<vmem_shared>>
    %dma_start3A_144 = arith.constant 0 : i32
    %dma_start3A_145 = tpu.memref_slice %arg15[%add3A_141, %dma_start3A_144] : memref<10240x8xf32, #tpu.memory_space<vmem_shared>> -> memref<80x8xf32, #tpu.memory_space<vmem_shared>>
    tpu.enqueue_dma source(%arg13 : memref<80x8xf32, #tpu.memory_space<vmem>>) target(%dma_start3A_145 : memref<80x8xf32, #tpu.memory_space<vmem_shared>>) target_semaphore(%arg26 : memref<!tpu.dma_semaphore, #tpu.memory_space<semaphore_mem>>)
    %add3A_146 = arith.constant 560 : i32
    %add3A_147 = arith.addi %mul3A_0, %add3A_146 : i32
    %dma_start3A_148 = arith.constant 0 : i32
    %dma_start3A_149 = arith.constant 0 : i32
    %dma_start3A_150 = arith.constant 0 : i32
    %dma_start3A_151 = tpu.memref_slice %arg12[%dma_start3A_148, %dma_start3A_149, %dma_start3A_150] : memref<5x80x64xf32, #tpu.memory_space<vmem>> -> memref<1x80x64xf32, #tpu.memory_space<vmem>>
    %dma_start3A_152 = tpu.memref_squeeze %dma_start3A_151 : memref<1x80x64xf32, #tpu.memory_space<vmem>> -> memref<80x64xf32, #tpu.memory_space<vmem>>
    %dma_start3A_153 = arith.constant 0 : i32
    %dma_start3A_154 = tpu.memref_slice %arg14[%add3A_147, %dma_start3A_153] : memref<10240x64xf32, #tpu.memory_space<vmem_shared>> -> memref<80x64xf32, #tpu.memory_space<vmem_shared>>
    %dma_start3A_155 = arith.constant 0 : i32
    %dma_start3A_156 = tpu.memref_slice %arg14[%add3A_147, %dma_start3A_155] : memref<10240x64xf32, #tpu.memory_space<vmem_shared>> -> memref<80x64xf32, #tpu.memory_space<vmem_shared>>
    %dma_start3A_157 = arith.constant 0 : i32
    %dma_start3A_158 = arith.constant 0 : i32
    %dma_start3A_159 = tpu.memref_slice %arg12[%dma_start3A_148, %dma_start3A_157, %dma_start3A_158] : memref<5x80x64xf32, #tpu.memory_space<vmem>> -> memref<1x80x64xf32, #tpu.memory_space<vmem>>
    %dma_start3A_160 = tpu.memref_squeeze %dma_start3A_159 : memref<1x80x64xf32, #tpu.memory_space<vmem>> -> memref<80x64xf32, #tpu.memory_space<vmem>>
    tpu.enqueue_dma source(%dma_start3A_160 : memref<80x64xf32, #tpu.memory_space<vmem>>) target(%dma_start3A_156 : memref<80x64xf32, #tpu.memory_space<vmem_shared>>) target_semaphore(%arg16 : memref<!tpu.dma_semaphore, #tpu.memory_space<semaphore_mem>>)
    %add3A_161 = arith.constant 560 : i32
    %add3A_162 = arith.addi %mul3A_0, %add3A_161 : i32
    %dma_start3A_163 = arith.constant 0 : i32
    %dma_start3A_164 = tpu.memref_slice %arg15[%add3A_162, %dma_start3A_163] : memref<10240x8xf32, #tpu.memory_space<vmem_shared>> -> memref<80x8xf32, #tpu.memory_space<vmem_shared>>
    %dma_start3A_165 = arith.constant 0 : i32
    %dma_start3A_166 = tpu.memref_slice %arg15[%add3A_162, %dma_start3A_165] : memref<10240x8xf32, #tpu.memory_space<vmem_shared>> -> memref<80x8xf32, #tpu.memory_space<vmem_shared>>
    tpu.enqueue_dma source(%arg13 : memref<80x8xf32, #tpu.memory_space<vmem>>) target(%dma_start3A_166 : memref<80x8xf32, #tpu.memory_space<vmem_shared>>) target_semaphore(%arg26 : memref<!tpu.dma_semaphore, #tpu.memory_space<semaphore_mem>>)
    %dma_wait3A = arith.constant 0 : i32
    %dma_wait3A_167 = arith.constant 0 : i32
    %dma_wait3A_168 = arith.constant 0 : i32
    %dma_wait3A_169 = tpu.memref_slice %arg12[%dma_wait3A, %dma_wait3A_167, %dma_wait3A_168] : memref<5x80x64xf32, #tpu.memory_space<vmem>> -> memref<1x80x64xf32, #tpu.memory_space<vmem>>
    %dma_wait3A_170 = tpu.memref_squeeze %dma_wait3A_169 : memref<1x80x64xf32, #tpu.memory_space<vmem>> -> memref<80x64xf32, #tpu.memory_space<vmem>>
    %dma_wait3A_171 = arith.constant 0 : i32
    %dma_wait3A_172 = arith.constant 0 : i32
    %dma_wait3A_173 = tpu.memref_slice %arg12[%dma_wait3A, %dma_wait3A_171, %dma_wait3A_172] : memref<5x80x64xf32, #tpu.memory_space<vmem>> -> memref<1x80x64xf32, #tpu.memory_space<vmem>>
    %dma_wait3A_174 = tpu.memref_squeeze %dma_wait3A_173 : memref<1x80x64xf32, #tpu.memory_space<vmem>> -> memref<80x64xf32, #tpu.memory_space<vmem>>
    tpu.wait_dma2 semaphore(%arg16 : memref<!tpu.dma_semaphore, #tpu.memory_space<semaphore_mem>>) src(%arg5 : memref<80x64xf32, #tpu.memory_space<hbm>>) dst(%dma_wait3A_174 : memref<80x64xf32, #tpu.memory_space<vmem>>)
    tpu.wait_dma2 semaphore(%arg26 : memref<!tpu.dma_semaphore, #tpu.memory_space<semaphore_mem>>) src(%arg6 : memref<80x8xf32, #tpu.memory_space<hbm>>) dst(%arg13 : memref<80x8xf32, #tpu.memory_space<vmem>>)
    %dma_wait3A_175 = arith.constant 0 : i32
    %dma_wait3A_176 = arith.constant 0 : i32
    %dma_wait3A_177 = arith.constant 0 : i32
    %dma_wait3A_178 = tpu.memref_slice %arg12[%dma_wait3A_175, %dma_wait3A_176, %dma_wait3A_177] : memref<5x80x64xf32, #tpu.memory_space<vmem>> -> memref<1x80x64xf32, #tpu.memory_space<vmem>>
    %dma_wait3A_179 = tpu.memref_squeeze %dma_wait3A_178 : memref<1x80x64xf32, #tpu.memory_space<vmem>> -> memref<80x64xf32, #tpu.memory_space<vmem>>
    %dma_wait3A_180 = arith.constant 0 : i32
    %dma_wait3A_181 = arith.constant 0 : i32
    %dma_wait3A_182 = tpu.memref_slice %arg12[%dma_wait3A_175, %dma_wait3A_180, %dma_wait3A_181] : memref<5x80x64xf32, #tpu.memory_space<vmem>> -> memref<1x80x64xf32, #tpu.memory_space<vmem>>
    %dma_wait3A_183 = tpu.memref_squeeze %dma_wait3A_182 : memref<1x80x64xf32, #tpu.memory_space<vmem>> -> memref<80x64xf32, #tpu.memory_space<vmem>>
    tpu.wait_dma2 semaphore(%arg16 : memref<!tpu.dma_semaphore, #tpu.memory_space<semaphore_mem>>) src(%arg5 : memref<80x64xf32, #tpu.memory_space<hbm>>) dst(%dma_wait3A_183 : memref<80x64xf32, #tpu.memory_space<vmem>>)
    tpu.wait_dma2 semaphore(%arg26 : memref<!tpu.dma_semaphore, #tpu.memory_space<semaphore_mem>>) src(%arg6 : memref<80x8xf32, #tpu.memory_space<hbm>>) dst(%arg13 : memref<80x8xf32, #tpu.memory_space<vmem>>)
    %dma_wait3A_184 = arith.constant 0 : i32
    %dma_wait3A_185 = arith.constant 0 : i32
    %dma_wait3A_186 = arith.constant 0 : i32
    %dma_wait3A_187 = tpu.memref_slice %arg12[%dma_wait3A_184, %dma_wait3A_185, %dma_wait3A_186] : memref<5x80x64xf32, #tpu.memory_space<vmem>> -> memref<1x80x64xf32, #tpu.memory_space<vmem>>
    %dma_wait3A_188 = tpu.memref_squeeze %dma_wait3A_187 : memref<1x80x64xf32, #tpu.memory_space<vmem>> -> memref<80x64xf32, #tpu.memory_space<vmem>>
    %dma_wait3A_189 = arith.constant 0 : i32
    %dma_wait3A_190 = arith.constant 0 : i32
    %dma_wait3A_191 = tpu.memref_slice %arg12[%dma_wait3A_184, %dma_wait3A_189, %dma_wait3A_190] : memref<5x80x64xf32, #tpu.memory_space<vmem>> -> memref<1x80x64xf32, #tpu.memory_space<vmem>>
    %dma_wait3A_192 = tpu.memref_squeeze %dma_wait3A_191 : memref<1x80x64xf32, #tpu.memory_space<vmem>> -> memref<80x64xf32, #tpu.memory_space<vmem>>
    tpu.wait_dma2 semaphore(%arg16 : memref<!tpu.dma_semaphore, #tpu.memory_space<semaphore_mem>>) src(%arg5 : memref<80x64xf32, #tpu.memory_space<hbm>>) dst(%dma_wait3A_192 : memref<80x64xf32, #tpu.memory_space<vmem>>)
    tpu.wait_dma2 semaphore(%arg26 : memref<!tpu.dma_semaphore, #tpu.memory_space<semaphore_mem>>) src(%arg6 : memref<80x8xf32, #tpu.memory_space<hbm>>) dst(%arg13 : memref<80x8xf32, #tpu.memory_space<vmem>>)
    %dma_wait3A_193 = arith.constant 0 : i32
    %dma_wait3A_194 = arith.constant 0 : i32
    %dma_wait3A_195 = arith.constant 0 : i32
    %dma_wait3A_196 = tpu.memref_slice %arg12[%dma_wait3A_193, %dma_wait3A_194, %dma_wait3A_195] : memref<5x80x64xf32, #tpu.memory_space<vmem>> -> memref<1x80x64xf32, #tpu.memory_space<vmem>>
    %dma_wait3A_197 = tpu.memref_squeeze %dma_wait3A_196 : memref<1x80x64xf32, #tpu.memory_space<vmem>> -> memref<80x64xf32, #tpu.memory_space<vmem>>
    %dma_wait3A_198 = arith.constant 0 : i32
    %dma_wait3A_199 = arith.constant 0 : i32
    %dma_wait3A_200 = tpu.memref_slice %arg12[%dma_wait3A_193, %dma_wait3A_198, %dma_wait3A_199] : memref<5x80x64xf32, #tpu.memory_space<vmem>> -> memref<1x80x64xf32, #tpu.memory_space<vmem>>
    %dma_wait3A_201 = tpu.memref_squeeze %dma_wait3A_200 : memref<1x80x64xf32, #tpu.memory_space<vmem>> -> memref<80x64xf32, #tpu.memory_space<vmem>>
    tpu.wait_dma2 semaphore(%arg16 : memref<!tpu.dma_semaphore, #tpu.memory_space<semaphore_mem>>) src(%arg5 : memref<80x64xf32, #tpu.memory_space<hbm>>) dst(%dma_wait3A_201 : memref<80x64xf32, #tpu.memory_space<vmem>>)
    tpu.wait_dma2 semaphore(%arg26 : memref<!tpu.dma_semaphore, #tpu.memory_space<semaphore_mem>>) src(%arg6 : memref<80x8xf32, #tpu.memory_space<hbm>>) dst(%arg13 : memref<80x8xf32, #tpu.memory_space<vmem>>)
    %dma_wait3A_202 = arith.constant 0 : i32
    %dma_wait3A_203 = arith.constant 0 : i32
    %dma_wait3A_204 = arith.constant 0 : i32
    %dma_wait3A_205 = tpu.memref_slice %arg12[%dma_wait3A_202, %dma_wait3A_203, %dma_wait3A_204] : memref<5x80x64xf32, #tpu.memory_space<vmem>> -> memref<1x80x64xf32, #tpu.memory_space<vmem>>
    %dma_wait3A_206 = tpu.memref_squeeze %dma_wait3A_205 : memref<1x80x64xf32, #tpu.memory_space<vmem>> -> memref<80x64xf32, #tpu.memory_space<vmem>>
    %dma_wait3A_207 = arith.constant 0 : i32
    %dma_wait3A_208 = arith.constant 0 : i32
    %dma_wait3A_209 = tpu.memref_slice %arg12[%dma_wait3A_202, %dma_wait3A_207, %dma_wait3A_208] : memref<5x80x64xf32, #tpu.memory_space<vmem>> -> memref<1x80x64xf32, #tpu.memory_space<vmem>>
    %dma_wait3A_210 = tpu.memref_squeeze %dma_wait3A_209 : memref<1x80x64xf32, #tpu.memory_space<vmem>> -> memref<80x64xf32, #tpu.memory_space<vmem>>
    tpu.wait_dma2 semaphore(%arg16 : memref<!tpu.dma_semaphore, #tpu.memory_space<semaphore_mem>>) src(%arg5 : memref<80x64xf32, #tpu.memory_space<hbm>>) dst(%dma_wait3A_210 : memref<80x64xf32, #tpu.memory_space<vmem>>)
    tpu.wait_dma2 semaphore(%arg26 : memref<!tpu.dma_semaphore, #tpu.memory_space<semaphore_mem>>) src(%arg6 : memref<80x8xf32, #tpu.memory_space<hbm>>) dst(%arg13 : memref<80x8xf32, #tpu.memory_space<vmem>>)
    %dma_wait3A_211 = arith.constant 0 : i32
    %dma_wait3A_212 = arith.constant 0 : i32
    %dma_wait3A_213 = arith.constant 0 : i32
    %dma_wait3A_214 = tpu.memref_slice %arg12[%dma_wait3A_211, %dma_wait3A_212, %dma_wait3A_213] : memref<5x80x64xf32, #tpu.memory_space<vmem>> -> memref<1x80x64xf32, #tpu.memory_space<vmem>>
    %dma_wait3A_215 = tpu.memref_squeeze %dma_wait3A_214 : memref<1x80x64xf32, #tpu.memory_space<vmem>> -> memref<80x64xf32, #tpu.memory_space<vmem>>
    %dma_wait3A_216 = arith.constant 0 : i32
    %dma_wait3A_217 = arith.constant 0 : i32
    %dma_wait3A_218 = tpu.memref_slice %arg12[%dma_wait3A_211, %dma_wait3A_216, %dma_wait3A_217] : memref<5x80x64xf32, #tpu.memory_space<vmem>> -> memref<1x80x64xf32, #tpu.memory_space<vmem>>
    %dma_wait3A_219 = tpu.memref_squeeze %dma_wait3A_218 : memref<1x80x64xf32, #tpu.memory_space<vmem>> -> memref<80x64xf32, #tpu.memory_space<vmem>>
    tpu.wait_dma2 semaphore(%arg16 : memref<!tpu.dma_semaphore, #tpu.memory_space<semaphore_mem>>) src(%arg5 : memref<80x64xf32, #tpu.memory_space<hbm>>) dst(%dma_wait3A_219 : memref<80x64xf32, #tpu.memory_space<vmem>>)
    tpu.wait_dma2 semaphore(%arg26 : memref<!tpu.dma_semaphore, #tpu.memory_space<semaphore_mem>>) src(%arg6 : memref<80x8xf32, #tpu.memory_space<hbm>>) dst(%arg13 : memref<80x8xf32, #tpu.memory_space<vmem>>)
    %dma_wait3A_220 = arith.constant 0 : i32
    %dma_wait3A_221 = arith.constant 0 : i32
    %dma_wait3A_222 = arith.constant 0 : i32
    %dma_wait3A_223 = tpu.memref_slice %arg12[%dma_wait3A_220, %dma_wait3A_221, %dma_wait3A_222] : memref<5x80x64xf32, #tpu.memory_space<vmem>> -> memref<1x80x64xf32, #tpu.memory_space<vmem>>
    %dma_wait3A_224 = tpu.memref_squeeze %dma_wait3A_223 : memref<1x80x64xf32, #tpu.memory_space<vmem>> -> memref<80x64xf32, #tpu.memory_space<vmem>>
    %dma_wait3A_225 = arith.constant 0 : i32
    %dma_wait3A_226 = arith.constant 0 : i32
    %dma_wait3A_227 = tpu.memref_slice %arg12[%dma_wait3A_220, %dma_wait3A_225, %dma_wait3A_226] : memref<5x80x64xf32, #tpu.memory_space<vmem>> -> memref<1x80x64xf32, #tpu.memory_space<vmem>>
    %dma_wait3A_228 = tpu.memref_squeeze %dma_wait3A_227 : memref<1x80x64xf32, #tpu.memory_space<vmem>> -> memref<80x64xf32, #tpu.memory_space<vmem>>
    tpu.wait_dma2 semaphore(%arg16 : memref<!tpu.dma_semaphore, #tpu.memory_space<semaphore_mem>>) src(%arg5 : memref<80x64xf32, #tpu.memory_space<hbm>>) dst(%dma_wait3A_228 : memref<80x64xf32, #tpu.memory_space<vmem>>)
    tpu.wait_dma2 semaphore(%arg26 : memref<!tpu.dma_semaphore, #tpu.memory_space<semaphore_mem>>) src(%arg6 : memref<80x8xf32, #tpu.memory_space<hbm>>) dst(%arg13 : memref<80x8xf32, #tpu.memory_space<vmem>>)
    %dma_wait3A_229 = arith.constant 0 : i32
    %dma_wait3A_230 = arith.constant 0 : i32
    %dma_wait3A_231 = arith.constant 0 : i32
    %dma_wait3A_232 = tpu.memref_slice %arg12[%dma_wait3A_229, %dma_wait3A_230, %dma_wait3A_231] : memref<5x80x64xf32, #tpu.memory_space<vmem>> -> memref<1x80x64xf32, #tpu.memory_space<vmem>>
    %dma_wait3A_233 = tpu.memref_squeeze %dma_wait3A_232 : memref<1x80x64xf32, #tpu.memory_space<vmem>> -> memref<80x64xf32, #tpu.memory_space<vmem>>
    %dma_wait3A_234 = arith.constant 0 : i32
    %dma_wait3A_235 = arith.constant 0 : i32
    %dma_wait3A_236 = tpu.memref_slice %arg12[%dma_wait3A_229, %dma_wait3A_234, %dma_wait3A_235] : memref<5x80x64xf32, #tpu.memory_space<vmem>> -> memref<1x80x64xf32, #tpu.memory_space<vmem>>
    %dma_wait3A_237 = tpu.memref_squeeze %dma_wait3A_236 : memref<1x80x64xf32, #tpu.memory_space<vmem>> -> memref<80x64xf32, #tpu.memory_space<vmem>>
    tpu.wait_dma2 semaphore(%arg16 : memref<!tpu.dma_semaphore, #tpu.memory_space<semaphore_mem>>) src(%arg5 : memref<80x64xf32, #tpu.memory_space<hbm>>) dst(%dma_wait3A_237 : memref<80x64xf32, #tpu.memory_space<vmem>>)
    tpu.wait_dma2 semaphore(%arg26 : memref<!tpu.dma_semaphore, #tpu.memory_space<semaphore_mem>>) src(%arg6 : memref<80x8xf32, #tpu.memory_space<hbm>>) dst(%arg13 : memref<80x8xf32, #tpu.memory_space<vmem>>)
    "tpu.region"() ({
      %run_scoped3A_766 = tpu.sem_alloc : memref<!tpu.dma_semaphore, #tpu.memory_space<semaphore_mem>>
      tpu.enqueue_dma source(%arg7 : memref<80x8xf32, #tpu.memory_space<hbm>>) target(%arg13 : memref<80x8xf32, #tpu.memory_space<vmem>>) target_semaphore(%run_scoped3A_766 : memref<!tpu.dma_semaphore, #tpu.memory_space<semaphore_mem>>)
      tpu.wait_dma2 semaphore(%run_scoped3A_766 : memref<!tpu.dma_semaphore, #tpu.memory_space<semaphore_mem>>) src(%arg7 : memref<80x8xf32, #tpu.memory_space<hbm>>) dst(%arg13 : memref<80x8xf32, #tpu.memory_space<vmem>>)
      tpu.yield
    }) : () -> ()
    %barrier3A = arith.constant 0 : index
    tpu.barrier barrier_id(%barrier3A)
    %dma_start3A_238 = arith.constant 0 : i32
    %dma_start3A_239 = arith.constant 0 : i32
    %dma_start3A_240 = arith.constant 0 : i32
    %dma_start3A_241 = arith.constant 0 : i32
    %dma_start3A_242 = tpu.memref_slice %arg12[%dma_start3A_239, %dma_start3A_240, %dma_start3A_241] : memref<5x80x64xf32, #tpu.memory_space<vmem>> -> memref<1x80x64xf32, #tpu.memory_space<vmem>>
    %dma_start3A_243 = tpu.memref_squeeze %dma_start3A_242 : memref<1x80x64xf32, #tpu.memory_space<vmem>> -> memref<80x64xf32, #tpu.memory_space<vmem>>
    %dma_start3A_244 = arith.constant 0 : i32
    %dma_start3A_245 = tpu.memref_slice %arg10[%dma_start3A_238, %dma_start3A_244] : memref<250x80xi32, #tpu.memory_space<vmem>> -> memref<1x80xi32, #tpu.memory_space<vmem>>
    %dma_start3A_246 = tpu.memref_squeeze %dma_start3A_245 : memref<1x80xi32, #tpu.memory_space<vmem>> -> memref<80xi32, #tpu.memory_space<vmem>>
    %dma_start3A_247 = arith.constant 0 : i32
    %dma_start3A_248 = arith.constant 0 : i32
    %dma_start3A_249 = tpu.memref_slice %arg2[%dma_start3A_247, %dma_start3A_248] : memref<20000x64xf32, #tpu.memory_space<hbm>> -> memref<20000x64xf32, #tpu.memory_space<hbm>>
    tpu.enqueue_indirect_dma source(%dma_start3A_249 : memref<20000x64xf32, #tpu.memory_space<hbm>>) target(%dma_start3A_243 : memref<80x64xf32, #tpu.memory_space<vmem>>) offsets(%dma_start3A_246 : memref<80xi32, #tpu.memory_space<vmem>>) semaphore(%arg16 : memref<!tpu.dma_semaphore, #tpu.memory_space<semaphore_mem>>)
    %dma_start3A_250 = arith.constant 1 : i32
    %dma_start3A_251 = arith.constant 1 : i32
    %dma_start3A_252 = arith.constant 0 : i32
    %dma_start3A_253 = arith.constant 0 : i32
    %dma_start3A_254 = tpu.memref_slice %arg12[%dma_start3A_251, %dma_start3A_252, %dma_start3A_253] : memref<5x80x64xf32, #tpu.memory_space<vmem>> -> memref<1x80x64xf32, #tpu.memory_space<vmem>>
    %dma_start3A_255 = tpu.memref_squeeze %dma_start3A_254 : memref<1x80x64xf32, #tpu.memory_space<vmem>> -> memref<80x64xf32, #tpu.memory_space<vmem>>
    %dma_start3A_256 = arith.constant 0 : i32
    %dma_start3A_257 = tpu.memref_slice %arg10[%dma_start3A_250, %dma_start3A_256] : memref<250x80xi32, #tpu.memory_space<vmem>> -> memref<1x80xi32, #tpu.memory_space<vmem>>
    %dma_start3A_258 = tpu.memref_squeeze %dma_start3A_257 : memref<1x80xi32, #tpu.memory_space<vmem>> -> memref<80xi32, #tpu.memory_space<vmem>>
    %dma_start3A_259 = arith.constant 0 : i32
    %dma_start3A_260 = arith.constant 0 : i32
    %dma_start3A_261 = tpu.memref_slice %arg2[%dma_start3A_259, %dma_start3A_260] : memref<20000x64xf32, #tpu.memory_space<hbm>> -> memref<20000x64xf32, #tpu.memory_space<hbm>>
    tpu.enqueue_indirect_dma source(%dma_start3A_261 : memref<20000x64xf32, #tpu.memory_space<hbm>>) target(%dma_start3A_255 : memref<80x64xf32, #tpu.memory_space<vmem>>) offsets(%dma_start3A_258 : memref<80xi32, #tpu.memory_space<vmem>>) semaphore(%arg17 : memref<!tpu.dma_semaphore, #tpu.memory_space<semaphore_mem>>)
    %dma_start3A_262 = arith.constant 2 : i32
    %dma_start3A_263 = arith.constant 2 : i32
    %dma_start3A_264 = arith.constant 0 : i32
    %dma_start3A_265 = arith.constant 0 : i32
    %dma_start3A_266 = tpu.memref_slice %arg12[%dma_start3A_263, %dma_start3A_264, %dma_start3A_265] : memref<5x80x64xf32, #tpu.memory_space<vmem>> -> memref<1x80x64xf32, #tpu.memory_space<vmem>>
    %dma_start3A_267 = tpu.memref_squeeze %dma_start3A_266 : memref<1x80x64xf32, #tpu.memory_space<vmem>> -> memref<80x64xf32, #tpu.memory_space<vmem>>
    %dma_start3A_268 = arith.constant 0 : i32
    %dma_start3A_269 = tpu.memref_slice %arg10[%dma_start3A_262, %dma_start3A_268] : memref<250x80xi32, #tpu.memory_space<vmem>> -> memref<1x80xi32, #tpu.memory_space<vmem>>
    %dma_start3A_270 = tpu.memref_squeeze %dma_start3A_269 : memref<1x80xi32, #tpu.memory_space<vmem>> -> memref<80xi32, #tpu.memory_space<vmem>>
    %dma_start3A_271 = arith.constant 0 : i32
    %dma_start3A_272 = arith.constant 0 : i32
    %dma_start3A_273 = tpu.memref_slice %arg2[%dma_start3A_271, %dma_start3A_272] : memref<20000x64xf32, #tpu.memory_space<hbm>> -> memref<20000x64xf32, #tpu.memory_space<hbm>>
    tpu.enqueue_indirect_dma source(%dma_start3A_273 : memref<20000x64xf32, #tpu.memory_space<hbm>>) target(%dma_start3A_267 : memref<80x64xf32, #tpu.memory_space<vmem>>) offsets(%dma_start3A_270 : memref<80xi32, #tpu.memory_space<vmem>>) semaphore(%arg18 : memref<!tpu.dma_semaphore, #tpu.memory_space<semaphore_mem>>)
    %dma_start3A_274 = arith.constant 3 : i32
    %dma_start3A_275 = arith.constant 3 : i32
    %dma_start3A_276 = arith.constant 0 : i32
    %dma_start3A_277 = arith.constant 0 : i32
    %dma_start3A_278 = tpu.memref_slice %arg12[%dma_start3A_275, %dma_start3A_276, %dma_start3A_277] : memref<5x80x64xf32, #tpu.memory_space<vmem>> -> memref<1x80x64xf32, #tpu.memory_space<vmem>>
    %dma_start3A_279 = tpu.memref_squeeze %dma_start3A_278 : memref<1x80x64xf32, #tpu.memory_space<vmem>> -> memref<80x64xf32, #tpu.memory_space<vmem>>
    %dma_start3A_280 = arith.constant 0 : i32
    %dma_start3A_281 = tpu.memref_slice %arg10[%dma_start3A_274, %dma_start3A_280] : memref<250x80xi32, #tpu.memory_space<vmem>> -> memref<1x80xi32, #tpu.memory_space<vmem>>
    %dma_start3A_282 = tpu.memref_squeeze %dma_start3A_281 : memref<1x80xi32, #tpu.memory_space<vmem>> -> memref<80xi32, #tpu.memory_space<vmem>>
    %dma_start3A_283 = arith.constant 0 : i32
    %dma_start3A_284 = arith.constant 0 : i32
    %dma_start3A_285 = tpu.memref_slice %arg2[%dma_start3A_283, %dma_start3A_284] : memref<20000x64xf32, #tpu.memory_space<hbm>> -> memref<20000x64xf32, #tpu.memory_space<hbm>>
    tpu.enqueue_indirect_dma source(%dma_start3A_285 : memref<20000x64xf32, #tpu.memory_space<hbm>>) target(%dma_start3A_279 : memref<80x64xf32, #tpu.memory_space<vmem>>) offsets(%dma_start3A_282 : memref<80xi32, #tpu.memory_space<vmem>>) semaphore(%arg19 : memref<!tpu.dma_semaphore, #tpu.memory_space<semaphore_mem>>)
    %dma_start3A_286 = arith.constant 4 : i32
    %dma_start3A_287 = arith.constant 4 : i32
    %dma_start3A_288 = arith.constant 0 : i32
    %dma_start3A_289 = arith.constant 0 : i32
    %dma_start3A_290 = tpu.memref_slice %arg12[%dma_start3A_287, %dma_start3A_288, %dma_start3A_289] : memref<5x80x64xf32, #tpu.memory_space<vmem>> -> memref<1x80x64xf32, #tpu.memory_space<vmem>>
    %dma_start3A_291 = tpu.memref_squeeze %dma_start3A_290 : memref<1x80x64xf32, #tpu.memory_space<vmem>> -> memref<80x64xf32, #tpu.memory_space<vmem>>
    %dma_start3A_292 = arith.constant 0 : i32
    %dma_start3A_293 = tpu.memref_slice %arg10[%dma_start3A_286, %dma_start3A_292] : memref<250x80xi32, #tpu.memory_space<vmem>> -> memref<1x80xi32, #tpu.memory_space<vmem>>
    %dma_start3A_294 = tpu.memref_squeeze %dma_start3A_293 : memref<1x80xi32, #tpu.memory_space<vmem>> -> memref<80xi32, #tpu.memory_space<vmem>>
    %dma_start3A_295 = arith.constant 0 : i32
    %dma_start3A_296 = arith.constant 0 : i32
    %dma_start3A_297 = tpu.memref_slice %arg2[%dma_start3A_295, %dma_start3A_296] : memref<20000x64xf32, #tpu.memory_space<hbm>> -> memref<20000x64xf32, #tpu.memory_space<hbm>>
    tpu.enqueue_indirect_dma source(%dma_start3A_297 : memref<20000x64xf32, #tpu.memory_space<hbm>>) target(%dma_start3A_291 : memref<80x64xf32, #tpu.memory_space<vmem>>) offsets(%dma_start3A_294 : memref<80xi32, #tpu.memory_space<vmem>>) semaphore(%arg20 : memref<!tpu.dma_semaphore, #tpu.memory_space<semaphore_mem>>)
    %scan3A = arith.constant 0 : i32
    %scan3A_298 = arith.constant 0 : i32
    %scan3A_299 = arith.constant 50 : i32
    %scan3A_300 = arith.addi %scan3A_298, %scan3A_299 : i32
    %scan3A_301 = arith.constant 1 : i32
    scf.for %scan3A_766 = %scan3A_298 to %scan3A_300 step %scan3A_301  : i32 {
      %mul3A_767 = arith.constant 5 : i32
      %mul3A_768 = arith.muli %mul3A_767, %scan3A_766 : i32
      %dma_wait3A_769 = arith.constant 0 : i32
      %dma_wait3A_770 = arith.constant 0 : i32
      %dma_wait3A_771 = arith.constant 0 : i32
      %dma_wait3A_772 = arith.constant 0 : i32
      %dma_wait3A_773 = tpu.memref_slice %arg12[%dma_wait3A_770, %dma_wait3A_771, %dma_wait3A_772] : memref<5x80x64xf32, #tpu.memory_space<vmem>> -> memref<1x80x64xf32, #tpu.memory_space<vmem>>
      %dma_wait3A_774 = tpu.memref_squeeze %dma_wait3A_773 : memref<1x80x64xf32, #tpu.memory_space<vmem>> -> memref<80x64xf32, #tpu.memory_space<vmem>>
      %dma_wait3A_775 = arith.constant 0 : i32
      %dma_wait3A_776 = tpu.memref_slice %arg10[%dma_wait3A_769, %dma_wait3A_775] : memref<250x80xi32, #tpu.memory_space<vmem>> -> memref<1x80xi32, #tpu.memory_space<vmem>>
      %dma_wait3A_777 = tpu.memref_squeeze %dma_wait3A_776 : memref<1x80xi32, #tpu.memory_space<vmem>> -> memref<80xi32, #tpu.memory_space<vmem>>
      %dma_wait3A_778 = arith.constant 0 : i32
      %dma_wait3A_779 = arith.constant 0 : i32
      %dma_wait3A_780 = tpu.memref_slice %arg2[%dma_wait3A_778, %dma_wait3A_779] : memref<20000x64xf32, #tpu.memory_space<hbm>> -> memref<20000x64xf32, #tpu.memory_space<hbm>>
      tpu.wait_indirect_dma semaphore(%arg16 : memref<!tpu.dma_semaphore, #tpu.memory_space<semaphore_mem>>) src(%dma_wait3A_780 : memref<20000x64xf32, #tpu.memory_space<hbm>>) dst(%dma_wait3A_774 : memref<80x64xf32, #tpu.memory_space<vmem>>)
      %add3A_781 = arith.constant 0 : i32
      %add3A_782 = arith.addi %mul3A_768, %add3A_781 : i32
      %dma_start3A_783 = arith.constant 0 : i32
      %dma_start3A_784 = arith.constant 0 : i32
      %dma_start3A_785 = arith.constant 0 : i32
      %dma_start3A_786 = tpu.memref_slice %arg12[%dma_start3A_783, %dma_start3A_784, %dma_start3A_785] : memref<5x80x64xf32, #tpu.memory_space<vmem>> -> memref<1x80x64xf32, #tpu.memory_space<vmem>>
      %dma_start3A_787 = tpu.memref_squeeze %dma_start3A_786 : memref<1x80x64xf32, #tpu.memory_space<vmem>> -> memref<80x64xf32, #tpu.memory_space<vmem>>
      %dma_start3A_788 = arith.constant 0 : i32
      %dma_start3A_789 = tpu.memref_slice %arg11[%add3A_782, %dma_start3A_788] : memref<250x80xi32, #tpu.memory_space<vmem>> -> memref<1x80xi32, #tpu.memory_space<vmem>>
      %dma_start3A_790 = tpu.memref_squeeze %dma_start3A_789 : memref<1x80xi32, #tpu.memory_space<vmem>> -> memref<80xi32, #tpu.memory_space<vmem>>
      %dma_start3A_791 = arith.constant 0 : i32
      %dma_start3A_792 = arith.constant 0 : i32
      %dma_start3A_793 = tpu.memref_slice %arg14[%dma_start3A_791, %dma_start3A_792] : memref<10240x64xf32, #tpu.memory_space<vmem_shared>> -> memref<10240x64xf32, #tpu.memory_space<vmem_shared>>
      tpu.enqueue_indirect_dma source(%dma_start3A_787 : memref<80x64xf32, #tpu.memory_space<vmem>>) target(%dma_start3A_793 : memref<10240x64xf32, #tpu.memory_space<vmem_shared>>) offsets(%dma_start3A_790 : memref<80xi32, #tpu.memory_space<vmem>>) semaphore(%arg21 : memref<!tpu.dma_semaphore, #tpu.memory_space<semaphore_mem>>) {add = true}
      %dma_wait3A_794 = arith.constant 0 : i32
      %dma_wait3A_795 = arith.constant 1 : i32
      %dma_wait3A_796 = arith.constant 0 : i32
      %dma_wait3A_797 = arith.constant 0 : i32
      %dma_wait3A_798 = tpu.memref_slice %arg12[%dma_wait3A_795, %dma_wait3A_796, %dma_wait3A_797] : memref<5x80x64xf32, #tpu.memory_space<vmem>> -> memref<1x80x64xf32, #tpu.memory_space<vmem>>
      %dma_wait3A_799 = tpu.memref_squeeze %dma_wait3A_798 : memref<1x80x64xf32, #tpu.memory_space<vmem>> -> memref<80x64xf32, #tpu.memory_space<vmem>>
      %dma_wait3A_800 = arith.constant 0 : i32
      %dma_wait3A_801 = tpu.memref_slice %arg10[%dma_wait3A_794, %dma_wait3A_800] : memref<250x80xi32, #tpu.memory_space<vmem>> -> memref<1x80xi32, #tpu.memory_space<vmem>>
      %dma_wait3A_802 = tpu.memref_squeeze %dma_wait3A_801 : memref<1x80xi32, #tpu.memory_space<vmem>> -> memref<80xi32, #tpu.memory_space<vmem>>
      %dma_wait3A_803 = arith.constant 0 : i32
      %dma_wait3A_804 = arith.constant 0 : i32
      %dma_wait3A_805 = tpu.memref_slice %arg2[%dma_wait3A_803, %dma_wait3A_804] : memref<20000x64xf32, #tpu.memory_space<hbm>> -> memref<20000x64xf32, #tpu.memory_space<hbm>>
      tpu.wait_indirect_dma semaphore(%arg17 : memref<!tpu.dma_semaphore, #tpu.memory_space<semaphore_mem>>) src(%dma_wait3A_805 : memref<20000x64xf32, #tpu.memory_space<hbm>>) dst(%dma_wait3A_799 : memref<80x64xf32, #tpu.memory_space<vmem>>)
      %add3A_806 = arith.constant 1 : i32
      %add3A_807 = arith.addi %mul3A_768, %add3A_806 : i32
      %dma_start3A_808 = arith.constant 1 : i32
      %dma_start3A_809 = arith.constant 0 : i32
      %dma_start3A_810 = arith.constant 0 : i32
      %dma_start3A_811 = tpu.memref_slice %arg12[%dma_start3A_808, %dma_start3A_809, %dma_start3A_810] : memref<5x80x64xf32, #tpu.memory_space<vmem>> -> memref<1x80x64xf32, #tpu.memory_space<vmem>>
      %dma_start3A_812 = tpu.memref_squeeze %dma_start3A_811 : memref<1x80x64xf32, #tpu.memory_space<vmem>> -> memref<80x64xf32, #tpu.memory_space<vmem>>
      %dma_start3A_813 = arith.constant 0 : i32
      %dma_start3A_814 = tpu.memref_slice %arg11[%add3A_807, %dma_start3A_813] : memref<250x80xi32, #tpu.memory_space<vmem>> -> memref<1x80xi32, #tpu.memory_space<vmem>>
      %dma_start3A_815 = tpu.memref_squeeze %dma_start3A_814 : memref<1x80xi32, #tpu.memory_space<vmem>> -> memref<80xi32, #tpu.memory_space<vmem>>
      %dma_start3A_816 = arith.constant 0 : i32
      %dma_start3A_817 = arith.constant 0 : i32
      %dma_start3A_818 = tpu.memref_slice %arg14[%dma_start3A_816, %dma_start3A_817] : memref<10240x64xf32, #tpu.memory_space<vmem_shared>> -> memref<10240x64xf32, #tpu.memory_space<vmem_shared>>
      tpu.enqueue_indirect_dma source(%dma_start3A_812 : memref<80x64xf32, #tpu.memory_space<vmem>>) target(%dma_start3A_818 : memref<10240x64xf32, #tpu.memory_space<vmem_shared>>) offsets(%dma_start3A_815 : memref<80xi32, #tpu.memory_space<vmem>>) semaphore(%arg22 : memref<!tpu.dma_semaphore, #tpu.memory_space<semaphore_mem>>) {add = true}
      %dma_wait3A_819 = arith.constant 0 : i32
      %dma_wait3A_820 = arith.constant 2 : i32
      %dma_wait3A_821 = arith.constant 0 : i32
      %dma_wait3A_822 = arith.constant 0 : i32
      %dma_wait3A_823 = tpu.memref_slice %arg12[%dma_wait3A_820, %dma_wait3A_821, %dma_wait3A_822] : memref<5x80x64xf32, #tpu.memory_space<vmem>> -> memref<1x80x64xf32, #tpu.memory_space<vmem>>
      %dma_wait3A_824 = tpu.memref_squeeze %dma_wait3A_823 : memref<1x80x64xf32, #tpu.memory_space<vmem>> -> memref<80x64xf32, #tpu.memory_space<vmem>>
      %dma_wait3A_825 = arith.constant 0 : i32
      %dma_wait3A_826 = tpu.memref_slice %arg10[%dma_wait3A_819, %dma_wait3A_825] : memref<250x80xi32, #tpu.memory_space<vmem>> -> memref<1x80xi32, #tpu.memory_space<vmem>>
      %dma_wait3A_827 = tpu.memref_squeeze %dma_wait3A_826 : memref<1x80xi32, #tpu.memory_space<vmem>> -> memref<80xi32, #tpu.memory_space<vmem>>
      %dma_wait3A_828 = arith.constant 0 : i32
      %dma_wait3A_829 = arith.constant 0 : i32
      %dma_wait3A_830 = tpu.memref_slice %arg2[%dma_wait3A_828, %dma_wait3A_829] : memref<20000x64xf32, #tpu.memory_space<hbm>> -> memref<20000x64xf32, #tpu.memory_space<hbm>>
      tpu.wait_indirect_dma semaphore(%arg18 : memref<!tpu.dma_semaphore, #tpu.memory_space<semaphore_mem>>) src(%dma_wait3A_830 : memref<20000x64xf32, #tpu.memory_space<hbm>>) dst(%dma_wait3A_824 : memref<80x64xf32, #tpu.memory_space<vmem>>)
      %add3A_831 = arith.constant 2 : i32
      %add3A_832 = arith.addi %mul3A_768, %add3A_831 : i32
      %dma_start3A_833 = arith.constant 2 : i32
      %dma_start3A_834 = arith.constant 0 : i32
      %dma_start3A_835 = arith.constant 0 : i32
      %dma_start3A_836 = tpu.memref_slice %arg12[%dma_start3A_833, %dma_start3A_834, %dma_start3A_835] : memref<5x80x64xf32, #tpu.memory_space<vmem>> -> memref<1x80x64xf32, #tpu.memory_space<vmem>>
      %dma_start3A_837 = tpu.memref_squeeze %dma_start3A_836 : memref<1x80x64xf32, #tpu.memory_space<vmem>> -> memref<80x64xf32, #tpu.memory_space<vmem>>
      %dma_start3A_838 = arith.constant 0 : i32
      %dma_start3A_839 = tpu.memref_slice %arg11[%add3A_832, %dma_start3A_838] : memref<250x80xi32, #tpu.memory_space<vmem>> -> memref<1x80xi32, #tpu.memory_space<vmem>>
      %dma_start3A_840 = tpu.memref_squeeze %dma_start3A_839 : memref<1x80xi32, #tpu.memory_space<vmem>> -> memref<80xi32, #tpu.memory_space<vmem>>
      %dma_start3A_841 = arith.constant 0 : i32
      %dma_start3A_842 = arith.constant 0 : i32
      %dma_start3A_843 = tpu.memref_slice %arg14[%dma_start3A_841, %dma_start3A_842] : memref<10240x64xf32, #tpu.memory_space<vmem_shared>> -> memref<10240x64xf32, #tpu.memory_space<vmem_shared>>
      tpu.enqueue_indirect_dma source(%dma_start3A_837 : memref<80x64xf32, #tpu.memory_space<vmem>>) target(%dma_start3A_843 : memref<10240x64xf32, #tpu.memory_space<vmem_shared>>) offsets(%dma_start3A_840 : memref<80xi32, #tpu.memory_space<vmem>>) semaphore(%arg23 : memref<!tpu.dma_semaphore, #tpu.memory_space<semaphore_mem>>) {add = true}
      %dma_wait3A_844 = arith.constant 0 : i32
      %dma_wait3A_845 = arith.constant 3 : i32
      %dma_wait3A_846 = arith.constant 0 : i32
      %dma_wait3A_847 = arith.constant 0 : i32
      %dma_wait3A_848 = tpu.memref_slice %arg12[%dma_wait3A_845, %dma_wait3A_846, %dma_wait3A_847] : memref<5x80x64xf32, #tpu.memory_space<vmem>> -> memref<1x80x64xf32, #tpu.memory_space<vmem>>
      %dma_wait3A_849 = tpu.memref_squeeze %dma_wait3A_848 : memref<1x80x64xf32, #tpu.memory_space<vmem>> -> memref<80x64xf32, #tpu.memory_space<vmem>>
      %dma_wait3A_850 = arith.constant 0 : i32
      %dma_wait3A_851 = tpu.memref_slice %arg10[%dma_wait3A_844, %dma_wait3A_850] : memref<250x80xi32, #tpu.memory_space<vmem>> -> memref<1x80xi32, #tpu.memory_space<vmem>>
      %dma_wait3A_852 = tpu.memref_squeeze %dma_wait3A_851 : memref<1x80xi32, #tpu.memory_space<vmem>> -> memref<80xi32, #tpu.memory_space<vmem>>
      %dma_wait3A_853 = arith.constant 0 : i32
      %dma_wait3A_854 = arith.constant 0 : i32
      %dma_wait3A_855 = tpu.memref_slice %arg2[%dma_wait3A_853, %dma_wait3A_854] : memref<20000x64xf32, #tpu.memory_space<hbm>> -> memref<20000x64xf32, #tpu.memory_space<hbm>>
      tpu.wait_indirect_dma semaphore(%arg19 : memref<!tpu.dma_semaphore, #tpu.memory_space<semaphore_mem>>) src(%dma_wait3A_855 : memref<20000x64xf32, #tpu.memory_space<hbm>>) dst(%dma_wait3A_849 : memref<80x64xf32, #tpu.memory_space<vmem>>)
      %add3A_856 = arith.constant 3 : i32
      %add3A_857 = arith.addi %mul3A_768, %add3A_856 : i32
      %dma_start3A_858 = arith.constant 3 : i32
      %dma_start3A_859 = arith.constant 0 : i32
      %dma_start3A_860 = arith.constant 0 : i32
      %dma_start3A_861 = tpu.memref_slice %arg12[%dma_start3A_858, %dma_start3A_859, %dma_start3A_860] : memref<5x80x64xf32, #tpu.memory_space<vmem>> -> memref<1x80x64xf32, #tpu.memory_space<vmem>>
      %dma_start3A_862 = tpu.memref_squeeze %dma_start3A_861 : memref<1x80x64xf32, #tpu.memory_space<vmem>> -> memref<80x64xf32, #tpu.memory_space<vmem>>
      %dma_start3A_863 = arith.constant 0 : i32
      %dma_start3A_864 = tpu.memref_slice %arg11[%add3A_857, %dma_start3A_863] : memref<250x80xi32, #tpu.memory_space<vmem>> -> memref<1x80xi32, #tpu.memory_space<vmem>>
      %dma_start3A_865 = tpu.memref_squeeze %dma_start3A_864 : memref<1x80xi32, #tpu.memory_space<vmem>> -> memref<80xi32, #tpu.memory_space<vmem>>
      %dma_start3A_866 = arith.constant 0 : i32
      %dma_start3A_867 = arith.constant 0 : i32
      %dma_start3A_868 = tpu.memref_slice %arg14[%dma_start3A_866, %dma_start3A_867] : memref<10240x64xf32, #tpu.memory_space<vmem_shared>> -> memref<10240x64xf32, #tpu.memory_space<vmem_shared>>
      tpu.enqueue_indirect_dma source(%dma_start3A_862 : memref<80x64xf32, #tpu.memory_space<vmem>>) target(%dma_start3A_868 : memref<10240x64xf32, #tpu.memory_space<vmem_shared>>) offsets(%dma_start3A_865 : memref<80xi32, #tpu.memory_space<vmem>>) semaphore(%arg24 : memref<!tpu.dma_semaphore, #tpu.memory_space<semaphore_mem>>) {add = true}
      %dma_wait3A_869 = arith.constant 0 : i32
      %dma_wait3A_870 = arith.constant 4 : i32
      %dma_wait3A_871 = arith.constant 0 : i32
      %dma_wait3A_872 = arith.constant 0 : i32
      %dma_wait3A_873 = tpu.memref_slice %arg12[%dma_wait3A_870, %dma_wait3A_871, %dma_wait3A_872] : memref<5x80x64xf32, #tpu.memory_space<vmem>> -> memref<1x80x64xf32, #tpu.memory_space<vmem>>
      %dma_wait3A_874 = tpu.memref_squeeze %dma_wait3A_873 : memref<1x80x64xf32, #tpu.memory_space<vmem>> -> memref<80x64xf32, #tpu.memory_space<vmem>>
      %dma_wait3A_875 = arith.constant 0 : i32
      %dma_wait3A_876 = tpu.memref_slice %arg10[%dma_wait3A_869, %dma_wait3A_875] : memref<250x80xi32, #tpu.memory_space<vmem>> -> memref<1x80xi32, #tpu.memory_space<vmem>>
      %dma_wait3A_877 = tpu.memref_squeeze %dma_wait3A_876 : memref<1x80xi32, #tpu.memory_space<vmem>> -> memref<80xi32, #tpu.memory_space<vmem>>
      %dma_wait3A_878 = arith.constant 0 : i32
      %dma_wait3A_879 = arith.constant 0 : i32
      %dma_wait3A_880 = tpu.memref_slice %arg2[%dma_wait3A_878, %dma_wait3A_879] : memref<20000x64xf32, #tpu.memory_space<hbm>> -> memref<20000x64xf32, #tpu.memory_space<hbm>>
      tpu.wait_indirect_dma semaphore(%arg20 : memref<!tpu.dma_semaphore, #tpu.memory_space<semaphore_mem>>) src(%dma_wait3A_880 : memref<20000x64xf32, #tpu.memory_space<hbm>>) dst(%dma_wait3A_874 : memref<80x64xf32, #tpu.memory_space<vmem>>)
      %add3A_881 = arith.constant 4 : i32
      %add3A_882 = arith.addi %mul3A_768, %add3A_881 : i32
      %dma_start3A_883 = arith.constant 4 : i32
      %dma_start3A_884 = arith.constant 0 : i32
      %dma_start3A_885 = arith.constant 0 : i32
      %dma_start3A_886 = tpu.memref_slice %arg12[%dma_start3A_883, %dma_start3A_884, %dma_start3A_885] : memref<5x80x64xf32, #tpu.memory_space<vmem>> -> memref<1x80x64xf32, #tpu.memory_space<vmem>>
      %dma_start3A_887 = tpu.memref_squeeze %dma_start3A_886 : memref<1x80x64xf32, #tpu.memory_space<vmem>> -> memref<80x64xf32, #tpu.memory_space<vmem>>
      %dma_start3A_888 = arith.constant 0 : i32
      %dma_start3A_889 = tpu.memref_slice %arg11[%add3A_882, %dma_start3A_888] : memref<250x80xi32, #tpu.memory_space<vmem>> -> memref<1x80xi32, #tpu.memory_space<vmem>>
      %dma_start3A_890 = tpu.memref_squeeze %dma_start3A_889 : memref<1x80xi32, #tpu.memory_space<vmem>> -> memref<80xi32, #tpu.memory_space<vmem>>
      %dma_start3A_891 = arith.constant 0 : i32
      %dma_start3A_892 = arith.constant 0 : i32
      %dma_start3A_893 = tpu.memref_slice %arg14[%dma_start3A_891, %dma_start3A_892] : memref<10240x64xf32, #tpu.memory_space<vmem_shared>> -> memref<10240x64xf32, #tpu.memory_space<vmem_shared>>
      tpu.enqueue_indirect_dma source(%dma_start3A_887 : memref<80x64xf32, #tpu.memory_space<vmem>>) target(%dma_start3A_893 : memref<10240x64xf32, #tpu.memory_space<vmem_shared>>) offsets(%dma_start3A_890 : memref<80xi32, #tpu.memory_space<vmem>>) semaphore(%arg25 : memref<!tpu.dma_semaphore, #tpu.memory_space<semaphore_mem>>) {add = true}
      %eq3A_894 = arith.constant 0 : i32
      %eq3A_895 = arith.cmpi eq, %arg0, %eq3A_894 : i32
      %convert_element_type3A_896 = arith.extui %eq3A_895 : i1 to i32
      %cond3A_897 = arith.constant 0 : i32
      %cond3A_898 = arith.cmpi ne, %convert_element_type3A_896, %cond3A_897 : i32
      scf.if %cond3A_898 {
        %add3A_1033 = arith.constant 0 : i32
        %add3A_1034 = arith.addi %mul3A_768, %add3A_1033 : i32
        %dma_start3A_1035 = arith.constant 0 : i32
        %dma_start3A_1036 = tpu.memref_slice %arg11[%add3A_1034, %dma_start3A_1035] : memref<250x80xi32, #tpu.memory_space<vmem>> -> memref<1x80xi32, #tpu.memory_space<vmem>>
        %dma_start3A_1037 = tpu.memref_squeeze %dma_start3A_1036 : memref<1x80xi32, #tpu.memory_space<vmem>> -> memref<80xi32, #tpu.memory_space<vmem>>
        %dma_start3A_1038 = arith.constant 0 : i32
        %dma_start3A_1039 = arith.constant 0 : i32
        %dma_start3A_1040 = tpu.memref_slice %arg15[%dma_start3A_1038, %dma_start3A_1039] : memref<10240x8xf32, #tpu.memory_space<vmem_shared>> -> memref<10240x8xf32, #tpu.memory_space<vmem_shared>>
        tpu.enqueue_indirect_dma source(%arg13 : memref<80x8xf32, #tpu.memory_space<vmem>>) target(%dma_start3A_1040 : memref<10240x8xf32, #tpu.memory_space<vmem_shared>>) offsets(%dma_start3A_1037 : memref<80xi32, #tpu.memory_space<vmem>>) semaphore(%arg26 : memref<!tpu.dma_semaphore, #tpu.memory_space<semaphore_mem>>) {add = true}
        %add3A_1041 = arith.constant 1 : i32
        %add3A_1042 = arith.addi %mul3A_768, %add3A_1041 : i32
        %dma_start3A_1043 = arith.constant 0 : i32
        %dma_start3A_1044 = tpu.memref_slice %arg11[%add3A_1042, %dma_start3A_1043] : memref<250x80xi32, #tpu.memory_space<vmem>> -> memref<1x80xi32, #tpu.memory_space<vmem>>
        %dma_start3A_1045 = tpu.memref_squeeze %dma_start3A_1044 : memref<1x80xi32, #tpu.memory_space<vmem>> -> memref<80xi32, #tpu.memory_space<vmem>>
        %dma_start3A_1046 = arith.constant 0 : i32
        %dma_start3A_1047 = arith.constant 0 : i32
        %dma_start3A_1048 = tpu.memref_slice %arg15[%dma_start3A_1046, %dma_start3A_1047] : memref<10240x8xf32, #tpu.memory_space<vmem_shared>> -> memref<10240x8xf32, #tpu.memory_space<vmem_shared>>
        tpu.enqueue_indirect_dma source(%arg13 : memref<80x8xf32, #tpu.memory_space<vmem>>) target(%dma_start3A_1048 : memref<10240x8xf32, #tpu.memory_space<vmem_shared>>) offsets(%dma_start3A_1045 : memref<80xi32, #tpu.memory_space<vmem>>) semaphore(%arg26 : memref<!tpu.dma_semaphore, #tpu.memory_space<semaphore_mem>>) {add = true}
        %add3A_1049 = arith.constant 2 : i32
        %add3A_1050 = arith.addi %mul3A_768, %add3A_1049 : i32
        %dma_start3A_1051 = arith.constant 0 : i32
        %dma_start3A_1052 = tpu.memref_slice %arg11[%add3A_1050, %dma_start3A_1051] : memref<250x80xi32, #tpu.memory_space<vmem>> -> memref<1x80xi32, #tpu.memory_space<vmem>>
        %dma_start3A_1053 = tpu.memref_squeeze %dma_start3A_1052 : memref<1x80xi32, #tpu.memory_space<vmem>> -> memref<80xi32, #tpu.memory_space<vmem>>
        %dma_start3A_1054 = arith.constant 0 : i32
        %dma_start3A_1055 = arith.constant 0 : i32
        %dma_start3A_1056 = tpu.memref_slice %arg15[%dma_start3A_1054, %dma_start3A_1055] : memref<10240x8xf32, #tpu.memory_space<vmem_shared>> -> memref<10240x8xf32, #tpu.memory_space<vmem_shared>>
        tpu.enqueue_indirect_dma source(%arg13 : memref<80x8xf32, #tpu.memory_space<vmem>>) target(%dma_start3A_1056 : memref<10240x8xf32, #tpu.memory_space<vmem_shared>>) offsets(%dma_start3A_1053 : memref<80xi32, #tpu.memory_space<vmem>>) semaphore(%arg26 : memref<!tpu.dma_semaphore, #tpu.memory_space<semaphore_mem>>) {add = true}
        %add3A_1057 = arith.constant 3 : i32
        %add3A_1058 = arith.addi %mul3A_768, %add3A_1057 : i32
        %dma_start3A_1059 = arith.constant 0 : i32
        %dma_start3A_1060 = tpu.memref_slice %arg11[%add3A_1058, %dma_start3A_1059] : memref<250x80xi32, #tpu.memory_space<vmem>> -> memref<1x80xi32, #tpu.memory_space<vmem>>
        %dma_start3A_1061 = tpu.memref_squeeze %dma_start3A_1060 : memref<1x80xi32, #tpu.memory_space<vmem>> -> memref<80xi32, #tpu.memory_space<vmem>>
        %dma_start3A_1062 = arith.constant 0 : i32
        %dma_start3A_1063 = arith.constant 0 : i32
        %dma_start3A_1064 = tpu.memref_slice %arg15[%dma_start3A_1062, %dma_start3A_1063] : memref<10240x8xf32, #tpu.memory_space<vmem_shared>> -> memref<10240x8xf32, #tpu.memory_space<vmem_shared>>
        tpu.enqueue_indirect_dma source(%arg13 : memref<80x8xf32, #tpu.memory_space<vmem>>) target(%dma_start3A_1064 : memref<10240x8xf32, #tpu.memory_space<vmem_shared>>) offsets(%dma_start3A_1061 : memref<80xi32, #tpu.memory_space<vmem>>) semaphore(%arg26 : memref<!tpu.dma_semaphore, #tpu.memory_space<semaphore_mem>>) {add = true}
        %add3A_1065 = arith.constant 4 : i32
        %add3A_1066 = arith.addi %mul3A_768, %add3A_1065 : i32
        %dma_start3A_1067 = arith.constant 0 : i32
        %dma_start3A_1068 = tpu.memref_slice %arg11[%add3A_1066, %dma_start3A_1067] : memref<250x80xi32, #tpu.memory_space<vmem>> -> memref<1x80xi32, #tpu.memory_space<vmem>>
        %dma_start3A_1069 = tpu.memref_squeeze %dma_start3A_1068 : memref<1x80xi32, #tpu.memory_space<vmem>> -> memref<80xi32, #tpu.memory_space<vmem>>
        %dma_start3A_1070 = arith.constant 0 : i32
        %dma_start3A_1071 = arith.constant 0 : i32
        %dma_start3A_1072 = tpu.memref_slice %arg15[%dma_start3A_1070, %dma_start3A_1071] : memref<10240x8xf32, #tpu.memory_space<vmem_shared>> -> memref<10240x8xf32, #tpu.memory_space<vmem_shared>>
        tpu.enqueue_indirect_dma source(%arg13 : memref<80x8xf32, #tpu.memory_space<vmem>>) target(%dma_start3A_1072 : memref<10240x8xf32, #tpu.memory_space<vmem_shared>>) offsets(%dma_start3A_1069 : memref<80xi32, #tpu.memory_space<vmem>>) semaphore(%arg26 : memref<!tpu.dma_semaphore, #tpu.memory_space<semaphore_mem>>) {add = true}
      } else {
      }
      %dma_wait3A_899 = arith.constant 0 : i32
      %dma_wait3A_900 = arith.constant 0 : i32
      %dma_wait3A_901 = arith.constant 0 : i32
      %dma_wait3A_902 = tpu.memref_slice %arg12[%dma_wait3A_899, %dma_wait3A_900, %dma_wait3A_901] : memref<5x80x64xf32, #tpu.memory_space<vmem>> -> memref<1x80x64xf32, #tpu.memory_space<vmem>>
      %dma_wait3A_903 = tpu.memref_squeeze %dma_wait3A_902 : memref<1x80x64xf32, #tpu.memory_space<vmem>> -> memref<80x64xf32, #tpu.memory_space<vmem>>
      %dma_wait3A_904 = arith.constant 0 : i32
      %dma_wait3A_905 = arith.constant 0 : i32
      %dma_wait3A_906 = tpu.memref_slice %arg12[%dma_wait3A_899, %dma_wait3A_904, %dma_wait3A_905] : memref<5x80x64xf32, #tpu.memory_space<vmem>> -> memref<1x80x64xf32, #tpu.memory_space<vmem>>
      %dma_wait3A_907 = tpu.memref_squeeze %dma_wait3A_906 : memref<1x80x64xf32, #tpu.memory_space<vmem>> -> memref<80x64xf32, #tpu.memory_space<vmem>>
      tpu.wait_dma2 semaphore(%arg21 : memref<!tpu.dma_semaphore, #tpu.memory_space<semaphore_mem>>) src(%arg5 : memref<80x64xf32, #tpu.memory_space<hbm>>) dst(%dma_wait3A_907 : memref<80x64xf32, #tpu.memory_space<vmem>>)
      %add3A_908 = arith.constant 5 : i32
      %add3A_909 = arith.addi %mul3A_768, %add3A_908 : i32
      %add3A_910 = arith.constant 0 : i32
      %add3A_911 = arith.addi %add3A_909, %add3A_910 : i32
      %min3A = arith.constant 249 : i32
      %min3A_912 = arith.minsi %add3A_911, %min3A : i32
      %dma_start3A_913 = arith.constant 0 : i32
      %dma_start3A_914 = arith.constant 0 : i32
      %dma_start3A_915 = arith.constant 0 : i32
      %dma_start3A_916 = tpu.memref_slice %arg12[%dma_start3A_913, %dma_start3A_914, %dma_start3A_915] : memref<5x80x64xf32, #tpu.memory_space<vmem>> -> memref<1x80x64xf32, #tpu.memory_space<vmem>>
      %dma_start3A_917 = tpu.memref_squeeze %dma_start3A_916 : memref<1x80x64xf32, #tpu.memory_space<vmem>> -> memref<80x64xf32, #tpu.memory_space<vmem>>
      %dma_start3A_918 = arith.constant 0 : i32
      %dma_start3A_919 = tpu.memref_slice %arg10[%min3A_912, %dma_start3A_918] : memref<250x80xi32, #tpu.memory_space<vmem>> -> memref<1x80xi32, #tpu.memory_space<vmem>>
      %dma_start3A_920 = tpu.memref_squeeze %dma_start3A_919 : memref<1x80xi32, #tpu.memory_space<vmem>> -> memref<80xi32, #tpu.memory_space<vmem>>
      %dma_start3A_921 = arith.constant 0 : i32
      %dma_start3A_922 = arith.constant 0 : i32
      %dma_start3A_923 = tpu.memref_slice %arg2[%dma_start3A_921, %dma_start3A_922] : memref<20000x64xf32, #tpu.memory_space<hbm>> -> memref<20000x64xf32, #tpu.memory_space<hbm>>
      tpu.enqueue_indirect_dma source(%dma_start3A_923 : memref<20000x64xf32, #tpu.memory_space<hbm>>) target(%dma_start3A_917 : memref<80x64xf32, #tpu.memory_space<vmem>>) offsets(%dma_start3A_920 : memref<80xi32, #tpu.memory_space<vmem>>) semaphore(%arg16 : memref<!tpu.dma_semaphore, #tpu.memory_space<semaphore_mem>>)
      %dma_wait3A_924 = arith.constant 1 : i32
      %dma_wait3A_925 = arith.constant 0 : i32
      %dma_wait3A_926 = arith.constant 0 : i32
      %dma_wait3A_927 = tpu.memref_slice %arg12[%dma_wait3A_924, %dma_wait3A_925, %dma_wait3A_926] : memref<5x80x64xf32, #tpu.memory_space<vmem>> -> memref<1x80x64xf32, #tpu.memory_space<vmem>>
      %dma_wait3A_928 = tpu.memref_squeeze %dma_wait3A_927 : memref<1x80x64xf32, #tpu.memory_space<vmem>> -> memref<80x64xf32, #tpu.memory_space<vmem>>
      %dma_wait3A_929 = arith.constant 0 : i32
      %dma_wait3A_930 = arith.constant 0 : i32
      %dma_wait3A_931 = tpu.memref_slice %arg12[%dma_wait3A_924, %dma_wait3A_929, %dma_wait3A_930] : memref<5x80x64xf32, #tpu.memory_space<vmem>> -> memref<1x80x64xf32, #tpu.memory_space<vmem>>
      %dma_wait3A_932 = tpu.memref_squeeze %dma_wait3A_931 : memref<1x80x64xf32, #tpu.memory_space<vmem>> -> memref<80x64xf32, #tpu.memory_space<vmem>>
      tpu.wait_dma2 semaphore(%arg22 : memref<!tpu.dma_semaphore, #tpu.memory_space<semaphore_mem>>) src(%arg5 : memref<80x64xf32, #tpu.memory_space<hbm>>) dst(%dma_wait3A_932 : memref<80x64xf32, #tpu.memory_space<vmem>>)
      %add3A_933 = arith.constant 5 : i32
      %add3A_934 = arith.addi %mul3A_768, %add3A_933 : i32
      %add3A_935 = arith.constant 1 : i32
      %add3A_936 = arith.addi %add3A_934, %add3A_935 : i32
      %min3A_937 = arith.constant 249 : i32
      %min3A_938 = arith.minsi %add3A_936, %min3A_937 : i32
      %dma_start3A_939 = arith.constant 1 : i32
      %dma_start3A_940 = arith.constant 0 : i32
      %dma_start3A_941 = arith.constant 0 : i32
      %dma_start3A_942 = tpu.memref_slice %arg12[%dma_start3A_939, %dma_start3A_940, %dma_start3A_941] : memref<5x80x64xf32, #tpu.memory_space<vmem>> -> memref<1x80x64xf32, #tpu.memory_space<vmem>>
      %dma_start3A_943 = tpu.memref_squeeze %dma_start3A_942 : memref<1x80x64xf32, #tpu.memory_space<vmem>> -> memref<80x64xf32, #tpu.memory_space<vmem>>
      %dma_start3A_944 = arith.constant 0 : i32
      %dma_start3A_945 = tpu.memref_slice %arg10[%min3A_938, %dma_start3A_944] : memref<250x80xi32, #tpu.memory_space<vmem>> -> memref<1x80xi32, #tpu.memory_space<vmem>>
      %dma_start3A_946 = tpu.memref_squeeze %dma_start3A_945 : memref<1x80xi32, #tpu.memory_space<vmem>> -> memref<80xi32, #tpu.memory_space<vmem>>
      %dma_start3A_947 = arith.constant 0 : i32
      %dma_start3A_948 = arith.constant 0 : i32
      %dma_start3A_949 = tpu.memref_slice %arg2[%dma_start3A_947, %dma_start3A_948] : memref<20000x64xf32, #tpu.memory_space<hbm>> -> memref<20000x64xf32, #tpu.memory_space<hbm>>
      tpu.enqueue_indirect_dma source(%dma_start3A_949 : memref<20000x64xf32, #tpu.memory_space<hbm>>) target(%dma_start3A_943 : memref<80x64xf32, #tpu.memory_space<vmem>>) offsets(%dma_start3A_946 : memref<80xi32, #tpu.memory_space<vmem>>) semaphore(%arg17 : memref<!tpu.dma_semaphore, #tpu.memory_space<semaphore_mem>>)
      %dma_wait3A_950 = arith.constant 2 : i32
      %dma_wait3A_951 = arith.constant 0 : i32
      %dma_wait3A_952 = arith.constant 0 : i32
      %dma_wait3A_953 = tpu.memref_slice %arg12[%dma_wait3A_950, %dma_wait3A_951, %dma_wait3A_952] : memref<5x80x64xf32, #tpu.memory_space<vmem>> -> memref<1x80x64xf32, #tpu.memory_space<vmem>>
      %dma_wait3A_954 = tpu.memref_squeeze %dma_wait3A_953 : memref<1x80x64xf32, #tpu.memory_space<vmem>> -> memref<80x64xf32, #tpu.memory_space<vmem>>
      %dma_wait3A_955 = arith.constant 0 : i32
      %dma_wait3A_956 = arith.constant 0 : i32
      %dma_wait3A_957 = tpu.memref_slice %arg12[%dma_wait3A_950, %dma_wait3A_955, %dma_wait3A_956] : memref<5x80x64xf32, #tpu.memory_space<vmem>> -> memref<1x80x64xf32, #tpu.memory_space<vmem>>
      %dma_wait3A_958 = tpu.memref_squeeze %dma_wait3A_957 : memref<1x80x64xf32, #tpu.memory_space<vmem>> -> memref<80x64xf32, #tpu.memory_space<vmem>>
      tpu.wait_dma2 semaphore(%arg23 : memref<!tpu.dma_semaphore, #tpu.memory_space<semaphore_mem>>) src(%arg5 : memref<80x64xf32, #tpu.memory_space<hbm>>) dst(%dma_wait3A_958 : memref<80x64xf32, #tpu.memory_space<vmem>>)
      %add3A_959 = arith.constant 5 : i32
      %add3A_960 = arith.addi %mul3A_768, %add3A_959 : i32
      %add3A_961 = arith.constant 2 : i32
      %add3A_962 = arith.addi %add3A_960, %add3A_961 : i32
      %min3A_963 = arith.constant 249 : i32
      %min3A_964 = arith.minsi %add3A_962, %min3A_963 : i32
      %dma_start3A_965 = arith.constant 2 : i32
      %dma_start3A_966 = arith.constant 0 : i32
      %dma_start3A_967 = arith.constant 0 : i32
      %dma_start3A_968 = tpu.memref_slice %arg12[%dma_start3A_965, %dma_start3A_966, %dma_start3A_967] : memref<5x80x64xf32, #tpu.memory_space<vmem>> -> memref<1x80x64xf32, #tpu.memory_space<vmem>>
      %dma_start3A_969 = tpu.memref_squeeze %dma_start3A_968 : memref<1x80x64xf32, #tpu.memory_space<vmem>> -> memref<80x64xf32, #tpu.memory_space<vmem>>
      %dma_start3A_970 = arith.constant 0 : i32
      %dma_start3A_971 = tpu.memref_slice %arg10[%min3A_964, %dma_start3A_970] : memref<250x80xi32, #tpu.memory_space<vmem>> -> memref<1x80xi32, #tpu.memory_space<vmem>>
      %dma_start3A_972 = tpu.memref_squeeze %dma_start3A_971 : memref<1x80xi32, #tpu.memory_space<vmem>> -> memref<80xi32, #tpu.memory_space<vmem>>
      %dma_start3A_973 = arith.constant 0 : i32
      %dma_start3A_974 = arith.constant 0 : i32
      %dma_start3A_975 = tpu.memref_slice %arg2[%dma_start3A_973, %dma_start3A_974] : memref<20000x64xf32, #tpu.memory_space<hbm>> -> memref<20000x64xf32, #tpu.memory_space<hbm>>
      tpu.enqueue_indirect_dma source(%dma_start3A_975 : memref<20000x64xf32, #tpu.memory_space<hbm>>) target(%dma_start3A_969 : memref<80x64xf32, #tpu.memory_space<vmem>>) offsets(%dma_start3A_972 : memref<80xi32, #tpu.memory_space<vmem>>) semaphore(%arg18 : memref<!tpu.dma_semaphore, #tpu.memory_space<semaphore_mem>>)
      %dma_wait3A_976 = arith.constant 3 : i32
      %dma_wait3A_977 = arith.constant 0 : i32
      %dma_wait3A_978 = arith.constant 0 : i32
      %dma_wait3A_979 = tpu.memref_slice %arg12[%dma_wait3A_976, %dma_wait3A_977, %dma_wait3A_978] : memref<5x80x64xf32, #tpu.memory_space<vmem>> -> memref<1x80x64xf32, #tpu.memory_space<vmem>>
      %dma_wait3A_980 = tpu.memref_squeeze %dma_wait3A_979 : memref<1x80x64xf32, #tpu.memory_space<vmem>> -> memref<80x64xf32, #tpu.memory_space<vmem>>
      %dma_wait3A_981 = arith.constant 0 : i32
      %dma_wait3A_982 = arith.constant 0 : i32
      %dma_wait3A_983 = tpu.memref_slice %arg12[%dma_wait3A_976, %dma_wait3A_981, %dma_wait3A_982] : memref<5x80x64xf32, #tpu.memory_space<vmem>> -> memref<1x80x64xf32, #tpu.memory_space<vmem>>
      %dma_wait3A_984 = tpu.memref_squeeze %dma_wait3A_983 : memref<1x80x64xf32, #tpu.memory_space<vmem>> -> memref<80x64xf32, #tpu.memory_space<vmem>>
      tpu.wait_dma2 semaphore(%arg24 : memref<!tpu.dma_semaphore, #tpu.memory_space<semaphore_mem>>) src(%arg5 : memref<80x64xf32, #tpu.memory_space<hbm>>) dst(%dma_wait3A_984 : memref<80x64xf32, #tpu.memory_space<vmem>>)
      %add3A_985 = arith.constant 5 : i32
      %add3A_986 = arith.addi %mul3A_768, %add3A_985 : i32
      %add3A_987 = arith.constant 3 : i32
      %add3A_988 = arith.addi %add3A_986, %add3A_987 : i32
      %min3A_989 = arith.constant 249 : i32
      %min3A_990 = arith.minsi %add3A_988, %min3A_989 : i32
      %dma_start3A_991 = arith.constant 3 : i32
      %dma_start3A_992 = arith.constant 0 : i32
      %dma_start3A_993 = arith.constant 0 : i32
      %dma_start3A_994 = tpu.memref_slice %arg12[%dma_start3A_991, %dma_start3A_992, %dma_start3A_993] : memref<5x80x64xf32, #tpu.memory_space<vmem>> -> memref<1x80x64xf32, #tpu.memory_space<vmem>>
      %dma_start3A_995 = tpu.memref_squeeze %dma_start3A_994 : memref<1x80x64xf32, #tpu.memory_space<vmem>> -> memref<80x64xf32, #tpu.memory_space<vmem>>
      %dma_start3A_996 = arith.constant 0 : i32
      %dma_start3A_997 = tpu.memref_slice %arg10[%min3A_990, %dma_start3A_996] : memref<250x80xi32, #tpu.memory_space<vmem>> -> memref<1x80xi32, #tpu.memory_space<vmem>>
      %dma_start3A_998 = tpu.memref_squeeze %dma_start3A_997 : memref<1x80xi32, #tpu.memory_space<vmem>> -> memref<80xi32, #tpu.memory_space<vmem>>
      %dma_start3A_999 = arith.constant 0 : i32
      %dma_start3A_1000 = arith.constant 0 : i32
      %dma_start3A_1001 = tpu.memref_slice %arg2[%dma_start3A_999, %dma_start3A_1000] : memref<20000x64xf32, #tpu.memory_space<hbm>> -> memref<20000x64xf32, #tpu.memory_space<hbm>>
      tpu.enqueue_indirect_dma source(%dma_start3A_1001 : memref<20000x64xf32, #tpu.memory_space<hbm>>) target(%dma_start3A_995 : memref<80x64xf32, #tpu.memory_space<vmem>>) offsets(%dma_start3A_998 : memref<80xi32, #tpu.memory_space<vmem>>) semaphore(%arg19 : memref<!tpu.dma_semaphore, #tpu.memory_space<semaphore_mem>>)
      %dma_wait3A_1002 = arith.constant 4 : i32
      %dma_wait3A_1003 = arith.constant 0 : i32
      %dma_wait3A_1004 = arith.constant 0 : i32
      %dma_wait3A_1005 = tpu.memref_slice %arg12[%dma_wait3A_1002, %dma_wait3A_1003, %dma_wait3A_1004] : memref<5x80x64xf32, #tpu.memory_space<vmem>> -> memref<1x80x64xf32, #tpu.memory_space<vmem>>
      %dma_wait3A_1006 = tpu.memref_squeeze %dma_wait3A_1005 : memref<1x80x64xf32, #tpu.memory_space<vmem>> -> memref<80x64xf32, #tpu.memory_space<vmem>>
      %dma_wait3A_1007 = arith.constant 0 : i32
      %dma_wait3A_1008 = arith.constant 0 : i32
      %dma_wait3A_1009 = tpu.memref_slice %arg12[%dma_wait3A_1002, %dma_wait3A_1007, %dma_wait3A_1008] : memref<5x80x64xf32, #tpu.memory_space<vmem>> -> memref<1x80x64xf32, #tpu.memory_space<vmem>>
      %dma_wait3A_1010 = tpu.memref_squeeze %dma_wait3A_1009 : memref<1x80x64xf32, #tpu.memory_space<vmem>> -> memref<80x64xf32, #tpu.memory_space<vmem>>
      tpu.wait_dma2 semaphore(%arg25 : memref<!tpu.dma_semaphore, #tpu.memory_space<semaphore_mem>>) src(%arg5 : memref<80x64xf32, #tpu.memory_space<hbm>>) dst(%dma_wait3A_1010 : memref<80x64xf32, #tpu.memory_space<vmem>>)
      %add3A_1011 = arith.constant 5 : i32
      %add3A_1012 = arith.addi %mul3A_768, %add3A_1011 : i32
      %add3A_1013 = arith.constant 4 : i32
      %add3A_1014 = arith.addi %add3A_1012, %add3A_1013 : i32
      %min3A_1015 = arith.constant 249 : i32
      %min3A_1016 = arith.minsi %add3A_1014, %min3A_1015 : i32
      %dma_start3A_1017 = arith.constant 4 : i32
      %dma_start3A_1018 = arith.constant 0 : i32
      %dma_start3A_1019 = arith.constant 0 : i32
      %dma_start3A_1020 = tpu.memref_slice %arg12[%dma_start3A_1017, %dma_start3A_1018, %dma_start3A_1019] : memref<5x80x64xf32, #tpu.memory_space<vmem>> -> memref<1x80x64xf32, #tpu.memory_space<vmem>>
      %dma_start3A_1021 = tpu.memref_squeeze %dma_start3A_1020 : memref<1x80x64xf32, #tpu.memory_space<vmem>> -> memref<80x64xf32, #tpu.memory_space<vmem>>
      %dma_start3A_1022 = arith.constant 0 : i32
      %dma_start3A_1023 = tpu.memref_slice %arg10[%min3A_1016, %dma_start3A_1022] : memref<250x80xi32, #tpu.memory_space<vmem>> -> memref<1x80xi32, #tpu.memory_space<vmem>>
      %dma_start3A_1024 = tpu.memref_squeeze %dma_start3A_1023 : memref<1x80xi32, #tpu.memory_space<vmem>> -> memref<80xi32, #tpu.memory_space<vmem>>
      %dma_start3A_1025 = arith.constant 0 : i32
      %dma_start3A_1026 = arith.constant 0 : i32
      %dma_start3A_1027 = tpu.memref_slice %arg2[%dma_start3A_1025, %dma_start3A_1026] : memref<20000x64xf32, #tpu.memory_space<hbm>> -> memref<20000x64xf32, #tpu.memory_space<hbm>>
      tpu.enqueue_indirect_dma source(%dma_start3A_1027 : memref<20000x64xf32, #tpu.memory_space<hbm>>) target(%dma_start3A_1021 : memref<80x64xf32, #tpu.memory_space<vmem>>) offsets(%dma_start3A_1024 : memref<80xi32, #tpu.memory_space<vmem>>) semaphore(%arg20 : memref<!tpu.dma_semaphore, #tpu.memory_space<semaphore_mem>>)
      %eq3A_1028 = arith.constant 0 : i32
      %eq3A_1029 = arith.cmpi eq, %arg0, %eq3A_1028 : i32
      %convert_element_type3A_1030 = arith.extui %eq3A_1029 : i1 to i32
      %cond3A_1031 = arith.constant 0 : i32
      %cond3A_1032 = arith.cmpi ne, %convert_element_type3A_1030, %cond3A_1031 : i32
      scf.if %cond3A_1032 {
        tpu.wait_dma2 semaphore(%arg26 : memref<!tpu.dma_semaphore, #tpu.memory_space<semaphore_mem>>) src(%arg6 : memref<80x8xf32, #tpu.memory_space<hbm>>) dst(%arg13 : memref<80x8xf32, #tpu.memory_space<vmem>>)
        tpu.wait_dma2 semaphore(%arg26 : memref<!tpu.dma_semaphore, #tpu.memory_space<semaphore_mem>>) src(%arg6 : memref<80x8xf32, #tpu.memory_space<hbm>>) dst(%arg13 : memref<80x8xf32, #tpu.memory_space<vmem>>)
        tpu.wait_dma2 semaphore(%arg26 : memref<!tpu.dma_semaphore, #tpu.memory_space<semaphore_mem>>) src(%arg6 : memref<80x8xf32, #tpu.memory_space<hbm>>) dst(%arg13 : memref<80x8xf32, #tpu.memory_space<vmem>>)
        tpu.wait_dma2 semaphore(%arg26 : memref<!tpu.dma_semaphore, #tpu.memory_space<semaphore_mem>>) src(%arg6 : memref<80x8xf32, #tpu.memory_space<hbm>>) dst(%arg13 : memref<80x8xf32, #tpu.memory_space<vmem>>)
        tpu.wait_dma2 semaphore(%arg26 : memref<!tpu.dma_semaphore, #tpu.memory_space<semaphore_mem>>) src(%arg6 : memref<80x8xf32, #tpu.memory_space<hbm>>) dst(%arg13 : memref<80x8xf32, #tpu.memory_space<vmem>>)
      } else {
      }
    }
    %scan3A_302 = arith.constant 50 : i32
    %dma_wait3A_303 = arith.constant 0 : i32
    %dma_wait3A_304 = arith.constant 0 : i32
    %dma_wait3A_305 = arith.constant 0 : i32
    %dma_wait3A_306 = arith.constant 0 : i32
    %dma_wait3A_307 = tpu.memref_slice %arg12[%dma_wait3A_304, %dma_wait3A_305, %dma_wait3A_306] : memref<5x80x64xf32, #tpu.memory_space<vmem>> -> memref<1x80x64xf32, #tpu.memory_space<vmem>>
    %dma_wait3A_308 = tpu.memref_squeeze %dma_wait3A_307 : memref<1x80x64xf32, #tpu.memory_space<vmem>> -> memref<80x64xf32, #tpu.memory_space<vmem>>
    %dma_wait3A_309 = arith.constant 0 : i32
    %dma_wait3A_310 = tpu.memref_slice %arg10[%dma_wait3A_303, %dma_wait3A_309] : memref<250x80xi32, #tpu.memory_space<vmem>> -> memref<1x80xi32, #tpu.memory_space<vmem>>
    %dma_wait3A_311 = tpu.memref_squeeze %dma_wait3A_310 : memref<1x80xi32, #tpu.memory_space<vmem>> -> memref<80xi32, #tpu.memory_space<vmem>>
    %dma_wait3A_312 = arith.constant 0 : i32
    %dma_wait3A_313 = arith.constant 0 : i32
    %dma_wait3A_314 = tpu.memref_slice %arg2[%dma_wait3A_312, %dma_wait3A_313] : memref<20000x64xf32, #tpu.memory_space<hbm>> -> memref<20000x64xf32, #tpu.memory_space<hbm>>
    tpu.wait_indirect_dma semaphore(%arg16 : memref<!tpu.dma_semaphore, #tpu.memory_space<semaphore_mem>>) src(%dma_wait3A_314 : memref<20000x64xf32, #tpu.memory_space<hbm>>) dst(%dma_wait3A_308 : memref<80x64xf32, #tpu.memory_space<vmem>>)
    %dma_wait3A_315 = arith.constant 0 : i32
    %dma_wait3A_316 = arith.constant 1 : i32
    %dma_wait3A_317 = arith.constant 0 : i32
    %dma_wait3A_318 = arith.constant 0 : i32
    %dma_wait3A_319 = tpu.memref_slice %arg12[%dma_wait3A_316, %dma_wait3A_317, %dma_wait3A_318] : memref<5x80x64xf32, #tpu.memory_space<vmem>> -> memref<1x80x64xf32, #tpu.memory_space<vmem>>
    %dma_wait3A_320 = tpu.memref_squeeze %dma_wait3A_319 : memref<1x80x64xf32, #tpu.memory_space<vmem>> -> memref<80x64xf32, #tpu.memory_space<vmem>>
    %dma_wait3A_321 = arith.constant 0 : i32
    %dma_wait3A_322 = tpu.memref_slice %arg10[%dma_wait3A_315, %dma_wait3A_321] : memref<250x80xi32, #tpu.memory_space<vmem>> -> memref<1x80xi32, #tpu.memory_space<vmem>>
    %dma_wait3A_323 = tpu.memref_squeeze %dma_wait3A_322 : memref<1x80xi32, #tpu.memory_space<vmem>> -> memref<80xi32, #tpu.memory_space<vmem>>
    %dma_wait3A_324 = arith.constant 0 : i32
    %dma_wait3A_325 = arith.constant 0 : i32
    %dma_wait3A_326 = tpu.memref_slice %arg2[%dma_wait3A_324, %dma_wait3A_325] : memref<20000x64xf32, #tpu.memory_space<hbm>> -> memref<20000x64xf32, #tpu.memory_space<hbm>>
    tpu.wait_indirect_dma semaphore(%arg17 : memref<!tpu.dma_semaphore, #tpu.memory_space<semaphore_mem>>) src(%dma_wait3A_326 : memref<20000x64xf32, #tpu.memory_space<hbm>>) dst(%dma_wait3A_320 : memref<80x64xf32, #tpu.memory_space<vmem>>)
    %dma_wait3A_327 = arith.constant 0 : i32
    %dma_wait3A_328 = arith.constant 2 : i32
    %dma_wait3A_329 = arith.constant 0 : i32
    %dma_wait3A_330 = arith.constant 0 : i32
    %dma_wait3A_331 = tpu.memref_slice %arg12[%dma_wait3A_328, %dma_wait3A_329, %dma_wait3A_330] : memref<5x80x64xf32, #tpu.memory_space<vmem>> -> memref<1x80x64xf32, #tpu.memory_space<vmem>>
    %dma_wait3A_332 = tpu.memref_squeeze %dma_wait3A_331 : memref<1x80x64xf32, #tpu.memory_space<vmem>> -> memref<80x64xf32, #tpu.memory_space<vmem>>
    %dma_wait3A_333 = arith.constant 0 : i32
    %dma_wait3A_334 = tpu.memref_slice %arg10[%dma_wait3A_327, %dma_wait3A_333] : memref<250x80xi32, #tpu.memory_space<vmem>> -> memref<1x80xi32, #tpu.memory_space<vmem>>
    %dma_wait3A_335 = tpu.memref_squeeze %dma_wait3A_334 : memref<1x80xi32, #tpu.memory_space<vmem>> -> memref<80xi32, #tpu.memory_space<vmem>>
    %dma_wait3A_336 = arith.constant 0 : i32
    %dma_wait3A_337 = arith.constant 0 : i32
    %dma_wait3A_338 = tpu.memref_slice %arg2[%dma_wait3A_336, %dma_wait3A_337] : memref<20000x64xf32, #tpu.memory_space<hbm>> -> memref<20000x64xf32, #tpu.memory_space<hbm>>
    tpu.wait_indirect_dma semaphore(%arg18 : memref<!tpu.dma_semaphore, #tpu.memory_space<semaphore_mem>>) src(%dma_wait3A_338 : memref<20000x64xf32, #tpu.memory_space<hbm>>) dst(%dma_wait3A_332 : memref<80x64xf32, #tpu.memory_space<vmem>>)
    %dma_wait3A_339 = arith.constant 0 : i32
    %dma_wait3A_340 = arith.constant 3 : i32
    %dma_wait3A_341 = arith.constant 0 : i32
    %dma_wait3A_342 = arith.constant 0 : i32
    %dma_wait3A_343 = tpu.memref_slice %arg12[%dma_wait3A_340, %dma_wait3A_341, %dma_wait3A_342] : memref<5x80x64xf32, #tpu.memory_space<vmem>> -> memref<1x80x64xf32, #tpu.memory_space<vmem>>
    %dma_wait3A_344 = tpu.memref_squeeze %dma_wait3A_343 : memref<1x80x64xf32, #tpu.memory_space<vmem>> -> memref<80x64xf32, #tpu.memory_space<vmem>>
    %dma_wait3A_345 = arith.constant 0 : i32
    %dma_wait3A_346 = tpu.memref_slice %arg10[%dma_wait3A_339, %dma_wait3A_345] : memref<250x80xi32, #tpu.memory_space<vmem>> -> memref<1x80xi32, #tpu.memory_space<vmem>>
    %dma_wait3A_347 = tpu.memref_squeeze %dma_wait3A_346 : memref<1x80xi32, #tpu.memory_space<vmem>> -> memref<80xi32, #tpu.memory_space<vmem>>
    %dma_wait3A_348 = arith.constant 0 : i32
    %dma_wait3A_349 = arith.constant 0 : i32
    %dma_wait3A_350 = tpu.memref_slice %arg2[%dma_wait3A_348, %dma_wait3A_349] : memref<20000x64xf32, #tpu.memory_space<hbm>> -> memref<20000x64xf32, #tpu.memory_space<hbm>>
    tpu.wait_indirect_dma semaphore(%arg19 : memref<!tpu.dma_semaphore, #tpu.memory_space<semaphore_mem>>) src(%dma_wait3A_350 : memref<20000x64xf32, #tpu.memory_space<hbm>>) dst(%dma_wait3A_344 : memref<80x64xf32, #tpu.memory_space<vmem>>)
    %dma_wait3A_351 = arith.constant 0 : i32
    %dma_wait3A_352 = arith.constant 4 : i32
    %dma_wait3A_353 = arith.constant 0 : i32
    %dma_wait3A_354 = arith.constant 0 : i32
    %dma_wait3A_355 = tpu.memref_slice %arg12[%dma_wait3A_352, %dma_wait3A_353, %dma_wait3A_354] : memref<5x80x64xf32, #tpu.memory_space<vmem>> -> memref<1x80x64xf32, #tpu.memory_space<vmem>>
    %dma_wait3A_356 = tpu.memref_squeeze %dma_wait3A_355 : memref<1x80x64xf32, #tpu.memory_space<vmem>> -> memref<80x64xf32, #tpu.memory_space<vmem>>
    %dma_wait3A_357 = arith.constant 0 : i32
    %dma_wait3A_358 = tpu.memref_slice %arg10[%dma_wait3A_351, %dma_wait3A_357] : memref<250x80xi32, #tpu.memory_space<vmem>> -> memref<1x80xi32, #tpu.memory_space<vmem>>
    %dma_wait3A_359 = tpu.memref_squeeze %dma_wait3A_358 : memref<1x80xi32, #tpu.memory_space<vmem>> -> memref<80xi32, #tpu.memory_space<vmem>>
    %dma_wait3A_360 = arith.constant 0 : i32
    %dma_wait3A_361 = arith.constant 0 : i32
    %dma_wait3A_362 = tpu.memref_slice %arg2[%dma_wait3A_360, %dma_wait3A_361] : memref<20000x64xf32, #tpu.memory_space<hbm>> -> memref<20000x64xf32, #tpu.memory_space<hbm>>
    tpu.wait_indirect_dma semaphore(%arg20 : memref<!tpu.dma_semaphore, #tpu.memory_space<semaphore_mem>>) src(%dma_wait3A_362 : memref<20000x64xf32, #tpu.memory_space<hbm>>) dst(%dma_wait3A_356 : memref<80x64xf32, #tpu.memory_space<vmem>>)
    %barrier3A_363 = arith.constant 0 : index
    tpu.barrier barrier_id(%barrier3A_363)
    %add3A_364 = arith.constant 0 : i32
    %add3A_365 = arith.addi %mul3A_0, %add3A_364 : i32
    %dma_start3A_366 = arith.constant 0 : i32
    %dma_start3A_367 = arith.constant 0 : i32
    %dma_start3A_368 = arith.constant 0 : i32
    %dma_start3A_369 = tpu.memref_slice %arg12[%dma_start3A_366, %dma_start3A_367, %dma_start3A_368] : memref<5x80x64xf32, #tpu.memory_space<vmem>> -> memref<1x80x64xf32, #tpu.memory_space<vmem>>
    %dma_start3A_370 = tpu.memref_squeeze %dma_start3A_369 : memref<1x80x64xf32, #tpu.memory_space<vmem>> -> memref<80x64xf32, #tpu.memory_space<vmem>>
    %dma_start3A_371 = arith.constant 0 : i32
    %dma_start3A_372 = tpu.memref_slice %arg14[%add3A_365, %dma_start3A_371] : memref<10240x64xf32, #tpu.memory_space<vmem_shared>> -> memref<80x64xf32, #tpu.memory_space<vmem_shared>>
    %dma_start3A_373 = arith.constant 0 : i32
    %dma_start3A_374 = arith.constant 0 : i32
    %dma_start3A_375 = tpu.memref_slice %arg12[%dma_start3A_366, %dma_start3A_373, %dma_start3A_374] : memref<5x80x64xf32, #tpu.memory_space<vmem>> -> memref<1x80x64xf32, #tpu.memory_space<vmem>>
    %dma_start3A_376 = tpu.memref_squeeze %dma_start3A_375 : memref<1x80x64xf32, #tpu.memory_space<vmem>> -> memref<80x64xf32, #tpu.memory_space<vmem>>
    %dma_start3A_377 = arith.constant 0 : i32
    %dma_start3A_378 = tpu.memref_slice %arg14[%add3A_365, %dma_start3A_377] : memref<10240x64xf32, #tpu.memory_space<vmem_shared>> -> memref<80x64xf32, #tpu.memory_space<vmem_shared>>
    tpu.enqueue_dma source(%dma_start3A_378 : memref<80x64xf32, #tpu.memory_space<vmem_shared>>) target(%dma_start3A_376 : memref<80x64xf32, #tpu.memory_space<vmem>>) target_semaphore(%arg16 : memref<!tpu.dma_semaphore, #tpu.memory_space<semaphore_mem>>)
    %add3A_379 = arith.constant 80 : i32
    %add3A_380 = arith.addi %mul3A_0, %add3A_379 : i32
    %dma_start3A_381 = arith.constant 1 : i32
    %dma_start3A_382 = arith.constant 0 : i32
    %dma_start3A_383 = arith.constant 0 : i32
    %dma_start3A_384 = tpu.memref_slice %arg12[%dma_start3A_381, %dma_start3A_382, %dma_start3A_383] : memref<5x80x64xf32, #tpu.memory_space<vmem>> -> memref<1x80x64xf32, #tpu.memory_space<vmem>>
    %dma_start3A_385 = tpu.memref_squeeze %dma_start3A_384 : memref<1x80x64xf32, #tpu.memory_space<vmem>> -> memref<80x64xf32, #tpu.memory_space<vmem>>
    %dma_start3A_386 = arith.constant 0 : i32
    %dma_start3A_387 = tpu.memref_slice %arg14[%add3A_380, %dma_start3A_386] : memref<10240x64xf32, #tpu.memory_space<vmem_shared>> -> memref<80x64xf32, #tpu.memory_space<vmem_shared>>
    %dma_start3A_388 = arith.constant 0 : i32
    %dma_start3A_389 = arith.constant 0 : i32
    %dma_start3A_390 = tpu.memref_slice %arg12[%dma_start3A_381, %dma_start3A_388, %dma_start3A_389] : memref<5x80x64xf32, #tpu.memory_space<vmem>> -> memref<1x80x64xf32, #tpu.memory_space<vmem>>
    %dma_start3A_391 = tpu.memref_squeeze %dma_start3A_390 : memref<1x80x64xf32, #tpu.memory_space<vmem>> -> memref<80x64xf32, #tpu.memory_space<vmem>>
    %dma_start3A_392 = arith.constant 0 : i32
    %dma_start3A_393 = tpu.memref_slice %arg14[%add3A_380, %dma_start3A_392] : memref<10240x64xf32, #tpu.memory_space<vmem_shared>> -> memref<80x64xf32, #tpu.memory_space<vmem_shared>>
    tpu.enqueue_dma source(%dma_start3A_393 : memref<80x64xf32, #tpu.memory_space<vmem_shared>>) target(%dma_start3A_391 : memref<80x64xf32, #tpu.memory_space<vmem>>) target_semaphore(%arg17 : memref<!tpu.dma_semaphore, #tpu.memory_space<semaphore_mem>>)
    %add3A_394 = arith.constant 160 : i32
    %add3A_395 = arith.addi %mul3A_0, %add3A_394 : i32
    %dma_start3A_396 = arith.constant 2 : i32
    %dma_start3A_397 = arith.constant 0 : i32
    %dma_start3A_398 = arith.constant 0 : i32
    %dma_start3A_399 = tpu.memref_slice %arg12[%dma_start3A_396, %dma_start3A_397, %dma_start3A_398] : memref<5x80x64xf32, #tpu.memory_space<vmem>> -> memref<1x80x64xf32, #tpu.memory_space<vmem>>
    %dma_start3A_400 = tpu.memref_squeeze %dma_start3A_399 : memref<1x80x64xf32, #tpu.memory_space<vmem>> -> memref<80x64xf32, #tpu.memory_space<vmem>>
    %dma_start3A_401 = arith.constant 0 : i32
    %dma_start3A_402 = tpu.memref_slice %arg14[%add3A_395, %dma_start3A_401] : memref<10240x64xf32, #tpu.memory_space<vmem_shared>> -> memref<80x64xf32, #tpu.memory_space<vmem_shared>>
    %dma_start3A_403 = arith.constant 0 : i32
    %dma_start3A_404 = arith.constant 0 : i32
    %dma_start3A_405 = tpu.memref_slice %arg12[%dma_start3A_396, %dma_start3A_403, %dma_start3A_404] : memref<5x80x64xf32, #tpu.memory_space<vmem>> -> memref<1x80x64xf32, #tpu.memory_space<vmem>>
    %dma_start3A_406 = tpu.memref_squeeze %dma_start3A_405 : memref<1x80x64xf32, #tpu.memory_space<vmem>> -> memref<80x64xf32, #tpu.memory_space<vmem>>
    %dma_start3A_407 = arith.constant 0 : i32
    %dma_start3A_408 = tpu.memref_slice %arg14[%add3A_395, %dma_start3A_407] : memref<10240x64xf32, #tpu.memory_space<vmem_shared>> -> memref<80x64xf32, #tpu.memory_space<vmem_shared>>
    tpu.enqueue_dma source(%dma_start3A_408 : memref<80x64xf32, #tpu.memory_space<vmem_shared>>) target(%dma_start3A_406 : memref<80x64xf32, #tpu.memory_space<vmem>>) target_semaphore(%arg18 : memref<!tpu.dma_semaphore, #tpu.memory_space<semaphore_mem>>)
    %add3A_409 = arith.constant 240 : i32
    %add3A_410 = arith.addi %mul3A_0, %add3A_409 : i32
    %dma_start3A_411 = arith.constant 3 : i32
    %dma_start3A_412 = arith.constant 0 : i32
    %dma_start3A_413 = arith.constant 0 : i32
    %dma_start3A_414 = tpu.memref_slice %arg12[%dma_start3A_411, %dma_start3A_412, %dma_start3A_413] : memref<5x80x64xf32, #tpu.memory_space<vmem>> -> memref<1x80x64xf32, #tpu.memory_space<vmem>>
    %dma_start3A_415 = tpu.memref_squeeze %dma_start3A_414 : memref<1x80x64xf32, #tpu.memory_space<vmem>> -> memref<80x64xf32, #tpu.memory_space<vmem>>
    %dma_start3A_416 = arith.constant 0 : i32
    %dma_start3A_417 = tpu.memref_slice %arg14[%add3A_410, %dma_start3A_416] : memref<10240x64xf32, #tpu.memory_space<vmem_shared>> -> memref<80x64xf32, #tpu.memory_space<vmem_shared>>
    %dma_start3A_418 = arith.constant 0 : i32
    %dma_start3A_419 = arith.constant 0 : i32
    %dma_start3A_420 = tpu.memref_slice %arg12[%dma_start3A_411, %dma_start3A_418, %dma_start3A_419] : memref<5x80x64xf32, #tpu.memory_space<vmem>> -> memref<1x80x64xf32, #tpu.memory_space<vmem>>
    %dma_start3A_421 = tpu.memref_squeeze %dma_start3A_420 : memref<1x80x64xf32, #tpu.memory_space<vmem>> -> memref<80x64xf32, #tpu.memory_space<vmem>>
    %dma_start3A_422 = arith.constant 0 : i32
    %dma_start3A_423 = tpu.memref_slice %arg14[%add3A_410, %dma_start3A_422] : memref<10240x64xf32, #tpu.memory_space<vmem_shared>> -> memref<80x64xf32, #tpu.memory_space<vmem_shared>>
    tpu.enqueue_dma source(%dma_start3A_423 : memref<80x64xf32, #tpu.memory_space<vmem_shared>>) target(%dma_start3A_421 : memref<80x64xf32, #tpu.memory_space<vmem>>) target_semaphore(%arg19 : memref<!tpu.dma_semaphore, #tpu.memory_space<semaphore_mem>>)
    %add3A_424 = arith.constant 320 : i32
    %add3A_425 = arith.addi %mul3A_0, %add3A_424 : i32
    %dma_start3A_426 = arith.constant 4 : i32
    %dma_start3A_427 = arith.constant 0 : i32
    %dma_start3A_428 = arith.constant 0 : i32
    %dma_start3A_429 = tpu.memref_slice %arg12[%dma_start3A_426, %dma_start3A_427, %dma_start3A_428] : memref<5x80x64xf32, #tpu.memory_space<vmem>> -> memref<1x80x64xf32, #tpu.memory_space<vmem>>
    %dma_start3A_430 = tpu.memref_squeeze %dma_start3A_429 : memref<1x80x64xf32, #tpu.memory_space<vmem>> -> memref<80x64xf32, #tpu.memory_space<vmem>>
    %dma_start3A_431 = arith.constant 0 : i32
    %dma_start3A_432 = tpu.memref_slice %arg14[%add3A_425, %dma_start3A_431] : memref<10240x64xf32, #tpu.memory_space<vmem_shared>> -> memref<80x64xf32, #tpu.memory_space<vmem_shared>>
    %dma_start3A_433 = arith.constant 0 : i32
    %dma_start3A_434 = arith.constant 0 : i32
    %dma_start3A_435 = tpu.memref_slice %arg12[%dma_start3A_426, %dma_start3A_433, %dma_start3A_434] : memref<5x80x64xf32, #tpu.memory_space<vmem>> -> memref<1x80x64xf32, #tpu.memory_space<vmem>>
    %dma_start3A_436 = tpu.memref_squeeze %dma_start3A_435 : memref<1x80x64xf32, #tpu.memory_space<vmem>> -> memref<80x64xf32, #tpu.memory_space<vmem>>
    %dma_start3A_437 = arith.constant 0 : i32
    %dma_start3A_438 = tpu.memref_slice %arg14[%add3A_425, %dma_start3A_437] : memref<10240x64xf32, #tpu.memory_space<vmem_shared>> -> memref<80x64xf32, #tpu.memory_space<vmem_shared>>
    tpu.enqueue_dma source(%dma_start3A_438 : memref<80x64xf32, #tpu.memory_space<vmem_shared>>) target(%dma_start3A_436 : memref<80x64xf32, #tpu.memory_space<vmem>>) target_semaphore(%arg20 : memref<!tpu.dma_semaphore, #tpu.memory_space<semaphore_mem>>)
    %dma_wait3A_439 = arith.constant 0 : i32
    %dma_wait3A_440 = arith.constant 0 : i32
    %dma_wait3A_441 = arith.constant 0 : i32
    %dma_wait3A_442 = tpu.memref_slice %arg12[%dma_wait3A_439, %dma_wait3A_440, %dma_wait3A_441] : memref<5x80x64xf32, #tpu.memory_space<vmem>> -> memref<1x80x64xf32, #tpu.memory_space<vmem>>
    %dma_wait3A_443 = tpu.memref_squeeze %dma_wait3A_442 : memref<1x80x64xf32, #tpu.memory_space<vmem>> -> memref<80x64xf32, #tpu.memory_space<vmem>>
    %dma_wait3A_444 = arith.constant 0 : i32
    %dma_wait3A_445 = arith.constant 0 : i32
    %dma_wait3A_446 = tpu.memref_slice %arg12[%dma_wait3A_439, %dma_wait3A_444, %dma_wait3A_445] : memref<5x80x64xf32, #tpu.memory_space<vmem>> -> memref<1x80x64xf32, #tpu.memory_space<vmem>>
    %dma_wait3A_447 = tpu.memref_squeeze %dma_wait3A_446 : memref<1x80x64xf32, #tpu.memory_space<vmem>> -> memref<80x64xf32, #tpu.memory_space<vmem>>
    tpu.wait_dma2 semaphore(%arg16 : memref<!tpu.dma_semaphore, #tpu.memory_space<semaphore_mem>>) src(%arg5 : memref<80x64xf32, #tpu.memory_space<hbm>>) dst(%dma_wait3A_447 : memref<80x64xf32, #tpu.memory_space<vmem>>)
    %add3A_448 = arith.constant 0 : i32
    %add3A_449 = arith.addi %mul3A_0, %add3A_448 : i32
    %dma_start3A_450 = arith.constant 0 : i32
    %dma_start3A_451 = arith.constant 0 : i32
    %dma_start3A_452 = arith.constant 0 : i32
    %dma_start3A_453 = tpu.memref_slice %arg12[%dma_start3A_450, %dma_start3A_451, %dma_start3A_452] : memref<5x80x64xf32, #tpu.memory_space<vmem>> -> memref<1x80x64xf32, #tpu.memory_space<vmem>>
    %dma_start3A_454 = tpu.memref_squeeze %dma_start3A_453 : memref<1x80x64xf32, #tpu.memory_space<vmem>> -> memref<80x64xf32, #tpu.memory_space<vmem>>
    %dma_start3A_455 = arith.constant 0 : i32
    %dma_start3A_456 = tpu.memref_slice %arg8[%arg0, %add3A_449, %dma_start3A_455] : memref<2x10240x64xf32, #tpu.memory_space<hbm>> -> memref<1x80x64xf32, #tpu.memory_space<hbm>>
    %dma_start3A_457 = tpu.memref_squeeze %dma_start3A_456 : memref<1x80x64xf32, #tpu.memory_space<hbm>> -> memref<80x64xf32, #tpu.memory_space<hbm>>
    %dma_start3A_458 = arith.constant 0 : i32
    %dma_start3A_459 = tpu.memref_slice %arg8[%arg0, %add3A_449, %dma_start3A_458] : memref<2x10240x64xf32, #tpu.memory_space<hbm>> -> memref<1x80x64xf32, #tpu.memory_space<hbm>>
    %dma_start3A_460 = tpu.memref_squeeze %dma_start3A_459 : memref<1x80x64xf32, #tpu.memory_space<hbm>> -> memref<80x64xf32, #tpu.memory_space<hbm>>
    %dma_start3A_461 = arith.constant 0 : i32
    %dma_start3A_462 = arith.constant 0 : i32
    %dma_start3A_463 = tpu.memref_slice %arg12[%dma_start3A_450, %dma_start3A_461, %dma_start3A_462] : memref<5x80x64xf32, #tpu.memory_space<vmem>> -> memref<1x80x64xf32, #tpu.memory_space<vmem>>
    %dma_start3A_464 = tpu.memref_squeeze %dma_start3A_463 : memref<1x80x64xf32, #tpu.memory_space<vmem>> -> memref<80x64xf32, #tpu.memory_space<vmem>>
    tpu.enqueue_dma source(%dma_start3A_464 : memref<80x64xf32, #tpu.memory_space<vmem>>) target(%dma_start3A_460 : memref<80x64xf32, #tpu.memory_space<hbm>>) target_semaphore(%arg21 : memref<!tpu.dma_semaphore, #tpu.memory_space<semaphore_mem>>)
    %dma_wait3A_465 = arith.constant 1 : i32
    %dma_wait3A_466 = arith.constant 0 : i32
    %dma_wait3A_467 = arith.constant 0 : i32
    %dma_wait3A_468 = tpu.memref_slice %arg12[%dma_wait3A_465, %dma_wait3A_466, %dma_wait3A_467] : memref<5x80x64xf32, #tpu.memory_space<vmem>> -> memref<1x80x64xf32, #tpu.memory_space<vmem>>
    %dma_wait3A_469 = tpu.memref_squeeze %dma_wait3A_468 : memref<1x80x64xf32, #tpu.memory_space<vmem>> -> memref<80x64xf32, #tpu.memory_space<vmem>>
    %dma_wait3A_470 = arith.constant 0 : i32
    %dma_wait3A_471 = arith.constant 0 : i32
    %dma_wait3A_472 = tpu.memref_slice %arg12[%dma_wait3A_465, %dma_wait3A_470, %dma_wait3A_471] : memref<5x80x64xf32, #tpu.memory_space<vmem>> -> memref<1x80x64xf32, #tpu.memory_space<vmem>>
    %dma_wait3A_473 = tpu.memref_squeeze %dma_wait3A_472 : memref<1x80x64xf32, #tpu.memory_space<vmem>> -> memref<80x64xf32, #tpu.memory_space<vmem>>
    tpu.wait_dma2 semaphore(%arg17 : memref<!tpu.dma_semaphore, #tpu.memory_space<semaphore_mem>>) src(%arg5 : memref<80x64xf32, #tpu.memory_space<hbm>>) dst(%dma_wait3A_473 : memref<80x64xf32, #tpu.memory_space<vmem>>)
    %add3A_474 = arith.constant 80 : i32
    %add3A_475 = arith.addi %mul3A_0, %add3A_474 : i32
    %dma_start3A_476 = arith.constant 1 : i32
    %dma_start3A_477 = arith.constant 0 : i32
    %dma_start3A_478 = arith.constant 0 : i32
    %dma_start3A_479 = tpu.memref_slice %arg12[%dma_start3A_476, %dma_start3A_477, %dma_start3A_478] : memref<5x80x64xf32, #tpu.memory_space<vmem>> -> memref<1x80x64xf32, #tpu.memory_space<vmem>>
    %dma_start3A_480 = tpu.memref_squeeze %dma_start3A_479 : memref<1x80x64xf32, #tpu.memory_space<vmem>> -> memref<80x64xf32, #tpu.memory_space<vmem>>
    %dma_start3A_481 = arith.constant 0 : i32
    %dma_start3A_482 = tpu.memref_slice %arg8[%arg0, %add3A_475, %dma_start3A_481] : memref<2x10240x64xf32, #tpu.memory_space<hbm>> -> memref<1x80x64xf32, #tpu.memory_space<hbm>>
    %dma_start3A_483 = tpu.memref_squeeze %dma_start3A_482 : memref<1x80x64xf32, #tpu.memory_space<hbm>> -> memref<80x64xf32, #tpu.memory_space<hbm>>
    %dma_start3A_484 = arith.constant 0 : i32
    %dma_start3A_485 = tpu.memref_slice %arg8[%arg0, %add3A_475, %dma_start3A_484] : memref<2x10240x64xf32, #tpu.memory_space<hbm>> -> memref<1x80x64xf32, #tpu.memory_space<hbm>>
    %dma_start3A_486 = tpu.memref_squeeze %dma_start3A_485 : memref<1x80x64xf32, #tpu.memory_space<hbm>> -> memref<80x64xf32, #tpu.memory_space<hbm>>
    %dma_start3A_487 = arith.constant 0 : i32
    %dma_start3A_488 = arith.constant 0 : i32
    %dma_start3A_489 = tpu.memref_slice %arg12[%dma_start3A_476, %dma_start3A_487, %dma_start3A_488] : memref<5x80x64xf32, #tpu.memory_space<vmem>> -> memref<1x80x64xf32, #tpu.memory_space<vmem>>
    %dma_start3A_490 = tpu.memref_squeeze %dma_start3A_489 : memref<1x80x64xf32, #tpu.memory_space<vmem>> -> memref<80x64xf32, #tpu.memory_space<vmem>>
    tpu.enqueue_dma source(%dma_start3A_490 : memref<80x64xf32, #tpu.memory_space<vmem>>) target(%dma_start3A_486 : memref<80x64xf32, #tpu.memory_space<hbm>>) target_semaphore(%arg22 : memref<!tpu.dma_semaphore, #tpu.memory_space<semaphore_mem>>)
    %dma_wait3A_491 = arith.constant 2 : i32
    %dma_wait3A_492 = arith.constant 0 : i32
    %dma_wait3A_493 = arith.constant 0 : i32
    %dma_wait3A_494 = tpu.memref_slice %arg12[%dma_wait3A_491, %dma_wait3A_492, %dma_wait3A_493] : memref<5x80x64xf32, #tpu.memory_space<vmem>> -> memref<1x80x64xf32, #tpu.memory_space<vmem>>
    %dma_wait3A_495 = tpu.memref_squeeze %dma_wait3A_494 : memref<1x80x64xf32, #tpu.memory_space<vmem>> -> memref<80x64xf32, #tpu.memory_space<vmem>>
    %dma_wait3A_496 = arith.constant 0 : i32
    %dma_wait3A_497 = arith.constant 0 : i32
    %dma_wait3A_498 = tpu.memref_slice %arg12[%dma_wait3A_491, %dma_wait3A_496, %dma_wait3A_497] : memref<5x80x64xf32, #tpu.memory_space<vmem>> -> memref<1x80x64xf32, #tpu.memory_space<vmem>>
    %dma_wait3A_499 = tpu.memref_squeeze %dma_wait3A_498 : memref<1x80x64xf32, #tpu.memory_space<vmem>> -> memref<80x64xf32, #tpu.memory_space<vmem>>
    tpu.wait_dma2 semaphore(%arg18 : memref<!tpu.dma_semaphore, #tpu.memory_space<semaphore_mem>>) src(%arg5 : memref<80x64xf32, #tpu.memory_space<hbm>>) dst(%dma_wait3A_499 : memref<80x64xf32, #tpu.memory_space<vmem>>)
    %add3A_500 = arith.constant 160 : i32
    %add3A_501 = arith.addi %mul3A_0, %add3A_500 : i32
    %dma_start3A_502 = arith.constant 2 : i32
    %dma_start3A_503 = arith.constant 0 : i32
    %dma_start3A_504 = arith.constant 0 : i32
    %dma_start3A_505 = tpu.memref_slice %arg12[%dma_start3A_502, %dma_start3A_503, %dma_start3A_504] : memref<5x80x64xf32, #tpu.memory_space<vmem>> -> memref<1x80x64xf32, #tpu.memory_space<vmem>>
    %dma_start3A_506 = tpu.memref_squeeze %dma_start3A_505 : memref<1x80x64xf32, #tpu.memory_space<vmem>> -> memref<80x64xf32, #tpu.memory_space<vmem>>
    %dma_start3A_507 = arith.constant 0 : i32
    %dma_start3A_508 = tpu.memref_slice %arg8[%arg0, %add3A_501, %dma_start3A_507] : memref<2x10240x64xf32, #tpu.memory_space<hbm>> -> memref<1x80x64xf32, #tpu.memory_space<hbm>>
    %dma_start3A_509 = tpu.memref_squeeze %dma_start3A_508 : memref<1x80x64xf32, #tpu.memory_space<hbm>> -> memref<80x64xf32, #tpu.memory_space<hbm>>
    %dma_start3A_510 = arith.constant 0 : i32
    %dma_start3A_511 = tpu.memref_slice %arg8[%arg0, %add3A_501, %dma_start3A_510] : memref<2x10240x64xf32, #tpu.memory_space<hbm>> -> memref<1x80x64xf32, #tpu.memory_space<hbm>>
    %dma_start3A_512 = tpu.memref_squeeze %dma_start3A_511 : memref<1x80x64xf32, #tpu.memory_space<hbm>> -> memref<80x64xf32, #tpu.memory_space<hbm>>
    %dma_start3A_513 = arith.constant 0 : i32
    %dma_start3A_514 = arith.constant 0 : i32
    %dma_start3A_515 = tpu.memref_slice %arg12[%dma_start3A_502, %dma_start3A_513, %dma_start3A_514] : memref<5x80x64xf32, #tpu.memory_space<vmem>> -> memref<1x80x64xf32, #tpu.memory_space<vmem>>
    %dma_start3A_516 = tpu.memref_squeeze %dma_start3A_515 : memref<1x80x64xf32, #tpu.memory_space<vmem>> -> memref<80x64xf32, #tpu.memory_space<vmem>>
    tpu.enqueue_dma source(%dma_start3A_516 : memref<80x64xf32, #tpu.memory_space<vmem>>) target(%dma_start3A_512 : memref<80x64xf32, #tpu.memory_space<hbm>>) target_semaphore(%arg23 : memref<!tpu.dma_semaphore, #tpu.memory_space<semaphore_mem>>)
    %dma_wait3A_517 = arith.constant 3 : i32
    %dma_wait3A_518 = arith.constant 0 : i32
    %dma_wait3A_519 = arith.constant 0 : i32
    %dma_wait3A_520 = tpu.memref_slice %arg12[%dma_wait3A_517, %dma_wait3A_518, %dma_wait3A_519] : memref<5x80x64xf32, #tpu.memory_space<vmem>> -> memref<1x80x64xf32, #tpu.memory_space<vmem>>
    %dma_wait3A_521 = tpu.memref_squeeze %dma_wait3A_520 : memref<1x80x64xf32, #tpu.memory_space<vmem>> -> memref<80x64xf32, #tpu.memory_space<vmem>>
    %dma_wait3A_522 = arith.constant 0 : i32
    %dma_wait3A_523 = arith.constant 0 : i32
    %dma_wait3A_524 = tpu.memref_slice %arg12[%dma_wait3A_517, %dma_wait3A_522, %dma_wait3A_523] : memref<5x80x64xf32, #tpu.memory_space<vmem>> -> memref<1x80x64xf32, #tpu.memory_space<vmem>>
    %dma_wait3A_525 = tpu.memref_squeeze %dma_wait3A_524 : memref<1x80x64xf32, #tpu.memory_space<vmem>> -> memref<80x64xf32, #tpu.memory_space<vmem>>
    tpu.wait_dma2 semaphore(%arg19 : memref<!tpu.dma_semaphore, #tpu.memory_space<semaphore_mem>>) src(%arg5 : memref<80x64xf32, #tpu.memory_space<hbm>>) dst(%dma_wait3A_525 : memref<80x64xf32, #tpu.memory_space<vmem>>)
    %add3A_526 = arith.constant 240 : i32
    %add3A_527 = arith.addi %mul3A_0, %add3A_526 : i32
    %dma_start3A_528 = arith.constant 3 : i32
    %dma_start3A_529 = arith.constant 0 : i32
    %dma_start3A_530 = arith.constant 0 : i32
    %dma_start3A_531 = tpu.memref_slice %arg12[%dma_start3A_528, %dma_start3A_529, %dma_start3A_530] : memref<5x80x64xf32, #tpu.memory_space<vmem>> -> memref<1x80x64xf32, #tpu.memory_space<vmem>>
    %dma_start3A_532 = tpu.memref_squeeze %dma_start3A_531 : memref<1x80x64xf32, #tpu.memory_space<vmem>> -> memref<80x64xf32, #tpu.memory_space<vmem>>
    %dma_start3A_533 = arith.constant 0 : i32
    %dma_start3A_534 = tpu.memref_slice %arg8[%arg0, %add3A_527, %dma_start3A_533] : memref<2x10240x64xf32, #tpu.memory_space<hbm>> -> memref<1x80x64xf32, #tpu.memory_space<hbm>>
    %dma_start3A_535 = tpu.memref_squeeze %dma_start3A_534 : memref<1x80x64xf32, #tpu.memory_space<hbm>> -> memref<80x64xf32, #tpu.memory_space<hbm>>
    %dma_start3A_536 = arith.constant 0 : i32
    %dma_start3A_537 = tpu.memref_slice %arg8[%arg0, %add3A_527, %dma_start3A_536] : memref<2x10240x64xf32, #tpu.memory_space<hbm>> -> memref<1x80x64xf32, #tpu.memory_space<hbm>>
    %dma_start3A_538 = tpu.memref_squeeze %dma_start3A_537 : memref<1x80x64xf32, #tpu.memory_space<hbm>> -> memref<80x64xf32, #tpu.memory_space<hbm>>
    %dma_start3A_539 = arith.constant 0 : i32
    %dma_start3A_540 = arith.constant 0 : i32
    %dma_start3A_541 = tpu.memref_slice %arg12[%dma_start3A_528, %dma_start3A_539, %dma_start3A_540] : memref<5x80x64xf32, #tpu.memory_space<vmem>> -> memref<1x80x64xf32, #tpu.memory_space<vmem>>
    %dma_start3A_542 = tpu.memref_squeeze %dma_start3A_541 : memref<1x80x64xf32, #tpu.memory_space<vmem>> -> memref<80x64xf32, #tpu.memory_space<vmem>>
    tpu.enqueue_dma source(%dma_start3A_542 : memref<80x64xf32, #tpu.memory_space<vmem>>) target(%dma_start3A_538 : memref<80x64xf32, #tpu.memory_space<hbm>>) target_semaphore(%arg24 : memref<!tpu.dma_semaphore, #tpu.memory_space<semaphore_mem>>)
    %dma_wait3A_543 = arith.constant 4 : i32
    %dma_wait3A_544 = arith.constant 0 : i32
    %dma_wait3A_545 = arith.constant 0 : i32
    %dma_wait3A_546 = tpu.memref_slice %arg12[%dma_wait3A_543, %dma_wait3A_544, %dma_wait3A_545] : memref<5x80x64xf32, #tpu.memory_space<vmem>> -> memref<1x80x64xf32, #tpu.memory_space<vmem>>
    %dma_wait3A_547 = tpu.memref_squeeze %dma_wait3A_546 : memref<1x80x64xf32, #tpu.memory_space<vmem>> -> memref<80x64xf32, #tpu.memory_space<vmem>>
    %dma_wait3A_548 = arith.constant 0 : i32
    %dma_wait3A_549 = arith.constant 0 : i32
    %dma_wait3A_550 = tpu.memref_slice %arg12[%dma_wait3A_543, %dma_wait3A_548, %dma_wait3A_549] : memref<5x80x64xf32, #tpu.memory_space<vmem>> -> memref<1x80x64xf32, #tpu.memory_space<vmem>>
    %dma_wait3A_551 = tpu.memref_squeeze %dma_wait3A_550 : memref<1x80x64xf32, #tpu.memory_space<vmem>> -> memref<80x64xf32, #tpu.memory_space<vmem>>
    tpu.wait_dma2 semaphore(%arg20 : memref<!tpu.dma_semaphore, #tpu.memory_space<semaphore_mem>>) src(%arg5 : memref<80x64xf32, #tpu.memory_space<hbm>>) dst(%dma_wait3A_551 : memref<80x64xf32, #tpu.memory_space<vmem>>)
    %add3A_552 = arith.constant 320 : i32
    %add3A_553 = arith.addi %mul3A_0, %add3A_552 : i32
    %dma_start3A_554 = arith.constant 4 : i32
    %dma_start3A_555 = arith.constant 0 : i32
    %dma_start3A_556 = arith.constant 0 : i32
    %dma_start3A_557 = tpu.memref_slice %arg12[%dma_start3A_554, %dma_start3A_555, %dma_start3A_556] : memref<5x80x64xf32, #tpu.memory_space<vmem>> -> memref<1x80x64xf32, #tpu.memory_space<vmem>>
    %dma_start3A_558 = tpu.memref_squeeze %dma_start3A_557 : memref<1x80x64xf32, #tpu.memory_space<vmem>> -> memref<80x64xf32, #tpu.memory_space<vmem>>
    %dma_start3A_559 = arith.constant 0 : i32
    %dma_start3A_560 = tpu.memref_slice %arg8[%arg0, %add3A_553, %dma_start3A_559] : memref<2x10240x64xf32, #tpu.memory_space<hbm>> -> memref<1x80x64xf32, #tpu.memory_space<hbm>>
    %dma_start3A_561 = tpu.memref_squeeze %dma_start3A_560 : memref<1x80x64xf32, #tpu.memory_space<hbm>> -> memref<80x64xf32, #tpu.memory_space<hbm>>
    %dma_start3A_562 = arith.constant 0 : i32
    %dma_start3A_563 = tpu.memref_slice %arg8[%arg0, %add3A_553, %dma_start3A_562] : memref<2x10240x64xf32, #tpu.memory_space<hbm>> -> memref<1x80x64xf32, #tpu.memory_space<hbm>>
    %dma_start3A_564 = tpu.memref_squeeze %dma_start3A_563 : memref<1x80x64xf32, #tpu.memory_space<hbm>> -> memref<80x64xf32, #tpu.memory_space<hbm>>
    %dma_start3A_565 = arith.constant 0 : i32
    %dma_start3A_566 = arith.constant 0 : i32
    %dma_start3A_567 = tpu.memref_slice %arg12[%dma_start3A_554, %dma_start3A_565, %dma_start3A_566] : memref<5x80x64xf32, #tpu.memory_space<vmem>> -> memref<1x80x64xf32, #tpu.memory_space<vmem>>
    %dma_start3A_568 = tpu.memref_squeeze %dma_start3A_567 : memref<1x80x64xf32, #tpu.memory_space<vmem>> -> memref<80x64xf32, #tpu.memory_space<vmem>>
    tpu.enqueue_dma source(%dma_start3A_568 : memref<80x64xf32, #tpu.memory_space<vmem>>) target(%dma_start3A_564 : memref<80x64xf32, #tpu.memory_space<hbm>>) target_semaphore(%arg25 : memref<!tpu.dma_semaphore, #tpu.memory_space<semaphore_mem>>)
    %dma_wait3A_569 = arith.constant 0 : i32
    %dma_wait3A_570 = arith.constant 0 : i32
    %dma_wait3A_571 = arith.constant 0 : i32
    %dma_wait3A_572 = tpu.memref_slice %arg12[%dma_wait3A_569, %dma_wait3A_570, %dma_wait3A_571] : memref<5x80x64xf32, #tpu.memory_space<vmem>> -> memref<1x80x64xf32, #tpu.memory_space<vmem>>
    %dma_wait3A_573 = tpu.memref_squeeze %dma_wait3A_572 : memref<1x80x64xf32, #tpu.memory_space<vmem>> -> memref<80x64xf32, #tpu.memory_space<vmem>>
    %dma_wait3A_574 = arith.constant 0 : i32
    %dma_wait3A_575 = arith.constant 0 : i32
    %dma_wait3A_576 = tpu.memref_slice %arg12[%dma_wait3A_569, %dma_wait3A_574, %dma_wait3A_575] : memref<5x80x64xf32, #tpu.memory_space<vmem>> -> memref<1x80x64xf32, #tpu.memory_space<vmem>>
    %dma_wait3A_577 = tpu.memref_squeeze %dma_wait3A_576 : memref<1x80x64xf32, #tpu.memory_space<vmem>> -> memref<80x64xf32, #tpu.memory_space<vmem>>
    tpu.wait_dma2 semaphore(%arg21 : memref<!tpu.dma_semaphore, #tpu.memory_space<semaphore_mem>>) src(%arg5 : memref<80x64xf32, #tpu.memory_space<hbm>>) dst(%dma_wait3A_577 : memref<80x64xf32, #tpu.memory_space<vmem>>)
    %add3A_578 = arith.constant 400 : i32
    %add3A_579 = arith.addi %mul3A_0, %add3A_578 : i32
    %dma_start3A_580 = arith.constant 0 : i32
    %dma_start3A_581 = arith.constant 0 : i32
    %dma_start3A_582 = arith.constant 0 : i32
    %dma_start3A_583 = tpu.memref_slice %arg12[%dma_start3A_580, %dma_start3A_581, %dma_start3A_582] : memref<5x80x64xf32, #tpu.memory_space<vmem>> -> memref<1x80x64xf32, #tpu.memory_space<vmem>>
    %dma_start3A_584 = tpu.memref_squeeze %dma_start3A_583 : memref<1x80x64xf32, #tpu.memory_space<vmem>> -> memref<80x64xf32, #tpu.memory_space<vmem>>
    %dma_start3A_585 = arith.constant 0 : i32
    %dma_start3A_586 = tpu.memref_slice %arg14[%add3A_579, %dma_start3A_585] : memref<10240x64xf32, #tpu.memory_space<vmem_shared>> -> memref<80x64xf32, #tpu.memory_space<vmem_shared>>
    %dma_start3A_587 = arith.constant 0 : i32
    %dma_start3A_588 = arith.constant 0 : i32
    %dma_start3A_589 = tpu.memref_slice %arg12[%dma_start3A_580, %dma_start3A_587, %dma_start3A_588] : memref<5x80x64xf32, #tpu.memory_space<vmem>> -> memref<1x80x64xf32, #tpu.memory_space<vmem>>
    %dma_start3A_590 = tpu.memref_squeeze %dma_start3A_589 : memref<1x80x64xf32, #tpu.memory_space<vmem>> -> memref<80x64xf32, #tpu.memory_space<vmem>>
    %dma_start3A_591 = arith.constant 0 : i32
    %dma_start3A_592 = tpu.memref_slice %arg14[%add3A_579, %dma_start3A_591] : memref<10240x64xf32, #tpu.memory_space<vmem_shared>> -> memref<80x64xf32, #tpu.memory_space<vmem_shared>>
    tpu.enqueue_dma source(%dma_start3A_592 : memref<80x64xf32, #tpu.memory_space<vmem_shared>>) target(%dma_start3A_590 : memref<80x64xf32, #tpu.memory_space<vmem>>) target_semaphore(%arg16 : memref<!tpu.dma_semaphore, #tpu.memory_space<semaphore_mem>>)
    %dma_wait3A_593 = arith.constant 0 : i32
    %dma_wait3A_594 = arith.constant 0 : i32
    %dma_wait3A_595 = arith.constant 0 : i32
    %dma_wait3A_596 = tpu.memref_slice %arg12[%dma_wait3A_593, %dma_wait3A_594, %dma_wait3A_595] : memref<5x80x64xf32, #tpu.memory_space<vmem>> -> memref<1x80x64xf32, #tpu.memory_space<vmem>>
    %dma_wait3A_597 = tpu.memref_squeeze %dma_wait3A_596 : memref<1x80x64xf32, #tpu.memory_space<vmem>> -> memref<80x64xf32, #tpu.memory_space<vmem>>
    %dma_wait3A_598 = arith.constant 0 : i32
    %dma_wait3A_599 = arith.constant 0 : i32
    %dma_wait3A_600 = tpu.memref_slice %arg12[%dma_wait3A_593, %dma_wait3A_598, %dma_wait3A_599] : memref<5x80x64xf32, #tpu.memory_space<vmem>> -> memref<1x80x64xf32, #tpu.memory_space<vmem>>
    %dma_wait3A_601 = tpu.memref_squeeze %dma_wait3A_600 : memref<1x80x64xf32, #tpu.memory_space<vmem>> -> memref<80x64xf32, #tpu.memory_space<vmem>>
    tpu.wait_dma2 semaphore(%arg16 : memref<!tpu.dma_semaphore, #tpu.memory_space<semaphore_mem>>) src(%arg5 : memref<80x64xf32, #tpu.memory_space<hbm>>) dst(%dma_wait3A_601 : memref<80x64xf32, #tpu.memory_space<vmem>>)
    %add3A_602 = arith.constant 400 : i32
    %add3A_603 = arith.addi %mul3A_0, %add3A_602 : i32
    %dma_start3A_604 = arith.constant 0 : i32
    %dma_start3A_605 = arith.constant 0 : i32
    %dma_start3A_606 = arith.constant 0 : i32
    %dma_start3A_607 = tpu.memref_slice %arg12[%dma_start3A_604, %dma_start3A_605, %dma_start3A_606] : memref<5x80x64xf32, #tpu.memory_space<vmem>> -> memref<1x80x64xf32, #tpu.memory_space<vmem>>
    %dma_start3A_608 = tpu.memref_squeeze %dma_start3A_607 : memref<1x80x64xf32, #tpu.memory_space<vmem>> -> memref<80x64xf32, #tpu.memory_space<vmem>>
    %dma_start3A_609 = arith.constant 0 : i32
    %dma_start3A_610 = tpu.memref_slice %arg8[%arg0, %add3A_603, %dma_start3A_609] : memref<2x10240x64xf32, #tpu.memory_space<hbm>> -> memref<1x80x64xf32, #tpu.memory_space<hbm>>
    %dma_start3A_611 = tpu.memref_squeeze %dma_start3A_610 : memref<1x80x64xf32, #tpu.memory_space<hbm>> -> memref<80x64xf32, #tpu.memory_space<hbm>>
    %dma_start3A_612 = arith.constant 0 : i32
    %dma_start3A_613 = tpu.memref_slice %arg8[%arg0, %add3A_603, %dma_start3A_612] : memref<2x10240x64xf32, #tpu.memory_space<hbm>> -> memref<1x80x64xf32, #tpu.memory_space<hbm>>
    %dma_start3A_614 = tpu.memref_squeeze %dma_start3A_613 : memref<1x80x64xf32, #tpu.memory_space<hbm>> -> memref<80x64xf32, #tpu.memory_space<hbm>>
    %dma_start3A_615 = arith.constant 0 : i32
    %dma_start3A_616 = arith.constant 0 : i32
    %dma_start3A_617 = tpu.memref_slice %arg12[%dma_start3A_604, %dma_start3A_615, %dma_start3A_616] : memref<5x80x64xf32, #tpu.memory_space<vmem>> -> memref<1x80x64xf32, #tpu.memory_space<vmem>>
    %dma_start3A_618 = tpu.memref_squeeze %dma_start3A_617 : memref<1x80x64xf32, #tpu.memory_space<vmem>> -> memref<80x64xf32, #tpu.memory_space<vmem>>
    tpu.enqueue_dma source(%dma_start3A_618 : memref<80x64xf32, #tpu.memory_space<vmem>>) target(%dma_start3A_614 : memref<80x64xf32, #tpu.memory_space<hbm>>) target_semaphore(%arg21 : memref<!tpu.dma_semaphore, #tpu.memory_space<semaphore_mem>>)
    %dma_wait3A_619 = arith.constant 1 : i32
    %dma_wait3A_620 = arith.constant 0 : i32
    %dma_wait3A_621 = arith.constant 0 : i32
    %dma_wait3A_622 = tpu.memref_slice %arg12[%dma_wait3A_619, %dma_wait3A_620, %dma_wait3A_621] : memref<5x80x64xf32, #tpu.memory_space<vmem>> -> memref<1x80x64xf32, #tpu.memory_space<vmem>>
    %dma_wait3A_623 = tpu.memref_squeeze %dma_wait3A_622 : memref<1x80x64xf32, #tpu.memory_space<vmem>> -> memref<80x64xf32, #tpu.memory_space<vmem>>
    %dma_wait3A_624 = arith.constant 0 : i32
    %dma_wait3A_625 = arith.constant 0 : i32
    %dma_wait3A_626 = tpu.memref_slice %arg12[%dma_wait3A_619, %dma_wait3A_624, %dma_wait3A_625] : memref<5x80x64xf32, #tpu.memory_space<vmem>> -> memref<1x80x64xf32, #tpu.memory_space<vmem>>
    %dma_wait3A_627 = tpu.memref_squeeze %dma_wait3A_626 : memref<1x80x64xf32, #tpu.memory_space<vmem>> -> memref<80x64xf32, #tpu.memory_space<vmem>>
    tpu.wait_dma2 semaphore(%arg22 : memref<!tpu.dma_semaphore, #tpu.memory_space<semaphore_mem>>) src(%arg5 : memref<80x64xf32, #tpu.memory_space<hbm>>) dst(%dma_wait3A_627 : memref<80x64xf32, #tpu.memory_space<vmem>>)
    %add3A_628 = arith.constant 480 : i32
    %add3A_629 = arith.addi %mul3A_0, %add3A_628 : i32
    %dma_start3A_630 = arith.constant 1 : i32
    %dma_start3A_631 = arith.constant 0 : i32
    %dma_start3A_632 = arith.constant 0 : i32
    %dma_start3A_633 = tpu.memref_slice %arg12[%dma_start3A_630, %dma_start3A_631, %dma_start3A_632] : memref<5x80x64xf32, #tpu.memory_space<vmem>> -> memref<1x80x64xf32, #tpu.memory_space<vmem>>
    %dma_start3A_634 = tpu.memref_squeeze %dma_start3A_633 : memref<1x80x64xf32, #tpu.memory_space<vmem>> -> memref<80x64xf32, #tpu.memory_space<vmem>>
    %dma_start3A_635 = arith.constant 0 : i32
    %dma_start3A_636 = tpu.memref_slice %arg14[%add3A_629, %dma_start3A_635] : memref<10240x64xf32, #tpu.memory_space<vmem_shared>> -> memref<80x64xf32, #tpu.memory_space<vmem_shared>>
    %dma_start3A_637 = arith.constant 0 : i32
    %dma_start3A_638 = arith.constant 0 : i32
    %dma_start3A_639 = tpu.memref_slice %arg12[%dma_start3A_630, %dma_start3A_637, %dma_start3A_638] : memref<5x80x64xf32, #tpu.memory_space<vmem>> -> memref<1x80x64xf32, #tpu.memory_space<vmem>>
    %dma_start3A_640 = tpu.memref_squeeze %dma_start3A_639 : memref<1x80x64xf32, #tpu.memory_space<vmem>> -> memref<80x64xf32, #tpu.memory_space<vmem>>
    %dma_start3A_641 = arith.constant 0 : i32
    %dma_start3A_642 = tpu.memref_slice %arg14[%add3A_629, %dma_start3A_641] : memref<10240x64xf32, #tpu.memory_space<vmem_shared>> -> memref<80x64xf32, #tpu.memory_space<vmem_shared>>
    tpu.enqueue_dma source(%dma_start3A_642 : memref<80x64xf32, #tpu.memory_space<vmem_shared>>) target(%dma_start3A_640 : memref<80x64xf32, #tpu.memory_space<vmem>>) target_semaphore(%arg17 : memref<!tpu.dma_semaphore, #tpu.memory_space<semaphore_mem>>)
    %dma_wait3A_643 = arith.constant 1 : i32
    %dma_wait3A_644 = arith.constant 0 : i32
    %dma_wait3A_645 = arith.constant 0 : i32
    %dma_wait3A_646 = tpu.memref_slice %arg12[%dma_wait3A_643, %dma_wait3A_644, %dma_wait3A_645] : memref<5x80x64xf32, #tpu.memory_space<vmem>> -> memref<1x80x64xf32, #tpu.memory_space<vmem>>
    %dma_wait3A_647 = tpu.memref_squeeze %dma_wait3A_646 : memref<1x80x64xf32, #tpu.memory_space<vmem>> -> memref<80x64xf32, #tpu.memory_space<vmem>>
    %dma_wait3A_648 = arith.constant 0 : i32
    %dma_wait3A_649 = arith.constant 0 : i32
    %dma_wait3A_650 = tpu.memref_slice %arg12[%dma_wait3A_643, %dma_wait3A_648, %dma_wait3A_649] : memref<5x80x64xf32, #tpu.memory_space<vmem>> -> memref<1x80x64xf32, #tpu.memory_space<vmem>>
    %dma_wait3A_651 = tpu.memref_squeeze %dma_wait3A_650 : memref<1x80x64xf32, #tpu.memory_space<vmem>> -> memref<80x64xf32, #tpu.memory_space<vmem>>
    tpu.wait_dma2 semaphore(%arg17 : memref<!tpu.dma_semaphore, #tpu.memory_space<semaphore_mem>>) src(%arg5 : memref<80x64xf32, #tpu.memory_space<hbm>>) dst(%dma_wait3A_651 : memref<80x64xf32, #tpu.memory_space<vmem>>)
    %add3A_652 = arith.constant 480 : i32
    %add3A_653 = arith.addi %mul3A_0, %add3A_652 : i32
    %dma_start3A_654 = arith.constant 1 : i32
    %dma_start3A_655 = arith.constant 0 : i32
    %dma_start3A_656 = arith.constant 0 : i32
    %dma_start3A_657 = tpu.memref_slice %arg12[%dma_start3A_654, %dma_start3A_655, %dma_start3A_656] : memref<5x80x64xf32, #tpu.memory_space<vmem>> -> memref<1x80x64xf32, #tpu.memory_space<vmem>>
    %dma_start3A_658 = tpu.memref_squeeze %dma_start3A_657 : memref<1x80x64xf32, #tpu.memory_space<vmem>> -> memref<80x64xf32, #tpu.memory_space<vmem>>
    %dma_start3A_659 = arith.constant 0 : i32
    %dma_start3A_660 = tpu.memref_slice %arg8[%arg0, %add3A_653, %dma_start3A_659] : memref<2x10240x64xf32, #tpu.memory_space<hbm>> -> memref<1x80x64xf32, #tpu.memory_space<hbm>>
    %dma_start3A_661 = tpu.memref_squeeze %dma_start3A_660 : memref<1x80x64xf32, #tpu.memory_space<hbm>> -> memref<80x64xf32, #tpu.memory_space<hbm>>
    %dma_start3A_662 = arith.constant 0 : i32
    %dma_start3A_663 = tpu.memref_slice %arg8[%arg0, %add3A_653, %dma_start3A_662] : memref<2x10240x64xf32, #tpu.memory_space<hbm>> -> memref<1x80x64xf32, #tpu.memory_space<hbm>>
    %dma_start3A_664 = tpu.memref_squeeze %dma_start3A_663 : memref<1x80x64xf32, #tpu.memory_space<hbm>> -> memref<80x64xf32, #tpu.memory_space<hbm>>
    %dma_start3A_665 = arith.constant 0 : i32
    %dma_start3A_666 = arith.constant 0 : i32
    %dma_start3A_667 = tpu.memref_slice %arg12[%dma_start3A_654, %dma_start3A_665, %dma_start3A_666] : memref<5x80x64xf32, #tpu.memory_space<vmem>> -> memref<1x80x64xf32, #tpu.memory_space<vmem>>
    %dma_start3A_668 = tpu.memref_squeeze %dma_start3A_667 : memref<1x80x64xf32, #tpu.memory_space<vmem>> -> memref<80x64xf32, #tpu.memory_space<vmem>>
    tpu.enqueue_dma source(%dma_start3A_668 : memref<80x64xf32, #tpu.memory_space<vmem>>) target(%dma_start3A_664 : memref<80x64xf32, #tpu.memory_space<hbm>>) target_semaphore(%arg22 : memref<!tpu.dma_semaphore, #tpu.memory_space<semaphore_mem>>)
    %dma_wait3A_669 = arith.constant 2 : i32
    %dma_wait3A_670 = arith.constant 0 : i32
    %dma_wait3A_671 = arith.constant 0 : i32
    %dma_wait3A_672 = tpu.memref_slice %arg12[%dma_wait3A_669, %dma_wait3A_670, %dma_wait3A_671] : memref<5x80x64xf32, #tpu.memory_space<vmem>> -> memref<1x80x64xf32, #tpu.memory_space<vmem>>
    %dma_wait3A_673 = tpu.memref_squeeze %dma_wait3A_672 : memref<1x80x64xf32, #tpu.memory_space<vmem>> -> memref<80x64xf32, #tpu.memory_space<vmem>>
    %dma_wait3A_674 = arith.constant 0 : i32
    %dma_wait3A_675 = arith.constant 0 : i32
    %dma_wait3A_676 = tpu.memref_slice %arg12[%dma_wait3A_669, %dma_wait3A_674, %dma_wait3A_675] : memref<5x80x64xf32, #tpu.memory_space<vmem>> -> memref<1x80x64xf32, #tpu.memory_space<vmem>>
    %dma_wait3A_677 = tpu.memref_squeeze %dma_wait3A_676 : memref<1x80x64xf32, #tpu.memory_space<vmem>> -> memref<80x64xf32, #tpu.memory_space<vmem>>
    tpu.wait_dma2 semaphore(%arg23 : memref<!tpu.dma_semaphore, #tpu.memory_space<semaphore_mem>>) src(%arg5 : memref<80x64xf32, #tpu.memory_space<hbm>>) dst(%dma_wait3A_677 : memref<80x64xf32, #tpu.memory_space<vmem>>)
    %add3A_678 = arith.constant 560 : i32
    %add3A_679 = arith.addi %mul3A_0, %add3A_678 : i32
    %dma_start3A_680 = arith.constant 2 : i32
    %dma_start3A_681 = arith.constant 0 : i32
    %dma_start3A_682 = arith.constant 0 : i32
    %dma_start3A_683 = tpu.memref_slice %arg12[%dma_start3A_680, %dma_start3A_681, %dma_start3A_682] : memref<5x80x64xf32, #tpu.memory_space<vmem>> -> memref<1x80x64xf32, #tpu.memory_space<vmem>>
    %dma_start3A_684 = tpu.memref_squeeze %dma_start3A_683 : memref<1x80x64xf32, #tpu.memory_space<vmem>> -> memref<80x64xf32, #tpu.memory_space<vmem>>
    %dma_start3A_685 = arith.constant 0 : i32
    %dma_start3A_686 = tpu.memref_slice %arg14[%add3A_679, %dma_start3A_685] : memref<10240x64xf32, #tpu.memory_space<vmem_shared>> -> memref<80x64xf32, #tpu.memory_space<vmem_shared>>
    %dma_start3A_687 = arith.constant 0 : i32
    %dma_start3A_688 = arith.constant 0 : i32
    %dma_start3A_689 = tpu.memref_slice %arg12[%dma_start3A_680, %dma_start3A_687, %dma_start3A_688] : memref<5x80x64xf32, #tpu.memory_space<vmem>> -> memref<1x80x64xf32, #tpu.memory_space<vmem>>
    %dma_start3A_690 = tpu.memref_squeeze %dma_start3A_689 : memref<1x80x64xf32, #tpu.memory_space<vmem>> -> memref<80x64xf32, #tpu.memory_space<vmem>>
    %dma_start3A_691 = arith.constant 0 : i32
    %dma_start3A_692 = tpu.memref_slice %arg14[%add3A_679, %dma_start3A_691] : memref<10240x64xf32, #tpu.memory_space<vmem_shared>> -> memref<80x64xf32, #tpu.memory_space<vmem_shared>>
    tpu.enqueue_dma source(%dma_start3A_692 : memref<80x64xf32, #tpu.memory_space<vmem_shared>>) target(%dma_start3A_690 : memref<80x64xf32, #tpu.memory_space<vmem>>) target_semaphore(%arg18 : memref<!tpu.dma_semaphore, #tpu.memory_space<semaphore_mem>>)
    %dma_wait3A_693 = arith.constant 2 : i32
    %dma_wait3A_694 = arith.constant 0 : i32
    %dma_wait3A_695 = arith.constant 0 : i32
    %dma_wait3A_696 = tpu.memref_slice %arg12[%dma_wait3A_693, %dma_wait3A_694, %dma_wait3A_695] : memref<5x80x64xf32, #tpu.memory_space<vmem>> -> memref<1x80x64xf32, #tpu.memory_space<vmem>>
    %dma_wait3A_697 = tpu.memref_squeeze %dma_wait3A_696 : memref<1x80x64xf32, #tpu.memory_space<vmem>> -> memref<80x64xf32, #tpu.memory_space<vmem>>
    %dma_wait3A_698 = arith.constant 0 : i32
    %dma_wait3A_699 = arith.constant 0 : i32
    %dma_wait3A_700 = tpu.memref_slice %arg12[%dma_wait3A_693, %dma_wait3A_698, %dma_wait3A_699] : memref<5x80x64xf32, #tpu.memory_space<vmem>> -> memref<1x80x64xf32, #tpu.memory_space<vmem>>
    %dma_wait3A_701 = tpu.memref_squeeze %dma_wait3A_700 : memref<1x80x64xf32, #tpu.memory_space<vmem>> -> memref<80x64xf32, #tpu.memory_space<vmem>>
    tpu.wait_dma2 semaphore(%arg18 : memref<!tpu.dma_semaphore, #tpu.memory_space<semaphore_mem>>) src(%arg5 : memref<80x64xf32, #tpu.memory_space<hbm>>) dst(%dma_wait3A_701 : memref<80x64xf32, #tpu.memory_space<vmem>>)
    %add3A_702 = arith.constant 560 : i32
    %add3A_703 = arith.addi %mul3A_0, %add3A_702 : i32
    %dma_start3A_704 = arith.constant 2 : i32
    %dma_start3A_705 = arith.constant 0 : i32
    %dma_start3A_706 = arith.constant 0 : i32
    %dma_start3A_707 = tpu.memref_slice %arg12[%dma_start3A_704, %dma_start3A_705, %dma_start3A_706] : memref<5x80x64xf32, #tpu.memory_space<vmem>> -> memref<1x80x64xf32, #tpu.memory_space<vmem>>
    %dma_start3A_708 = tpu.memref_squeeze %dma_start3A_707 : memref<1x80x64xf32, #tpu.memory_space<vmem>> -> memref<80x64xf32, #tpu.memory_space<vmem>>
    %dma_start3A_709 = arith.constant 0 : i32
    %dma_start3A_710 = tpu.memref_slice %arg8[%arg0, %add3A_703, %dma_start3A_709] : memref<2x10240x64xf32, #tpu.memory_space<hbm>> -> memref<1x80x64xf32, #tpu.memory_space<hbm>>
    %dma_start3A_711 = tpu.memref_squeeze %dma_start3A_710 : memref<1x80x64xf32, #tpu.memory_space<hbm>> -> memref<80x64xf32, #tpu.memory_space<hbm>>
    %dma_start3A_712 = arith.constant 0 : i32
    %dma_start3A_713 = tpu.memref_slice %arg8[%arg0, %add3A_703, %dma_start3A_712] : memref<2x10240x64xf32, #tpu.memory_space<hbm>> -> memref<1x80x64xf32, #tpu.memory_space<hbm>>
    %dma_start3A_714 = tpu.memref_squeeze %dma_start3A_713 : memref<1x80x64xf32, #tpu.memory_space<hbm>> -> memref<80x64xf32, #tpu.memory_space<hbm>>
    %dma_start3A_715 = arith.constant 0 : i32
    %dma_start3A_716 = arith.constant 0 : i32
    %dma_start3A_717 = tpu.memref_slice %arg12[%dma_start3A_704, %dma_start3A_715, %dma_start3A_716] : memref<5x80x64xf32, #tpu.memory_space<vmem>> -> memref<1x80x64xf32, #tpu.memory_space<vmem>>
    %dma_start3A_718 = tpu.memref_squeeze %dma_start3A_717 : memref<1x80x64xf32, #tpu.memory_space<vmem>> -> memref<80x64xf32, #tpu.memory_space<vmem>>
    tpu.enqueue_dma source(%dma_start3A_718 : memref<80x64xf32, #tpu.memory_space<vmem>>) target(%dma_start3A_714 : memref<80x64xf32, #tpu.memory_space<hbm>>) target_semaphore(%arg23 : memref<!tpu.dma_semaphore, #tpu.memory_space<semaphore_mem>>)
    %dma_wait3A_719 = arith.constant 0 : i32
    %dma_wait3A_720 = arith.constant 0 : i32
    %dma_wait3A_721 = arith.constant 0 : i32
    %dma_wait3A_722 = tpu.memref_slice %arg12[%dma_wait3A_719, %dma_wait3A_720, %dma_wait3A_721] : memref<5x80x64xf32, #tpu.memory_space<vmem>> -> memref<1x80x64xf32, #tpu.memory_space<vmem>>
    %dma_wait3A_723 = tpu.memref_squeeze %dma_wait3A_722 : memref<1x80x64xf32, #tpu.memory_space<vmem>> -> memref<80x64xf32, #tpu.memory_space<vmem>>
    %dma_wait3A_724 = arith.constant 0 : i32
    %dma_wait3A_725 = arith.constant 0 : i32
    %dma_wait3A_726 = tpu.memref_slice %arg12[%dma_wait3A_719, %dma_wait3A_724, %dma_wait3A_725] : memref<5x80x64xf32, #tpu.memory_space<vmem>> -> memref<1x80x64xf32, #tpu.memory_space<vmem>>
    %dma_wait3A_727 = tpu.memref_squeeze %dma_wait3A_726 : memref<1x80x64xf32, #tpu.memory_space<vmem>> -> memref<80x64xf32, #tpu.memory_space<vmem>>
    tpu.wait_dma2 semaphore(%arg21 : memref<!tpu.dma_semaphore, #tpu.memory_space<semaphore_mem>>) src(%arg5 : memref<80x64xf32, #tpu.memory_space<hbm>>) dst(%dma_wait3A_727 : memref<80x64xf32, #tpu.memory_space<vmem>>)
    %dma_wait3A_728 = arith.constant 1 : i32
    %dma_wait3A_729 = arith.constant 0 : i32
    %dma_wait3A_730 = arith.constant 0 : i32
    %dma_wait3A_731 = tpu.memref_slice %arg12[%dma_wait3A_728, %dma_wait3A_729, %dma_wait3A_730] : memref<5x80x64xf32, #tpu.memory_space<vmem>> -> memref<1x80x64xf32, #tpu.memory_space<vmem>>
    %dma_wait3A_732 = tpu.memref_squeeze %dma_wait3A_731 : memref<1x80x64xf32, #tpu.memory_space<vmem>> -> memref<80x64xf32, #tpu.memory_space<vmem>>
    %dma_wait3A_733 = arith.constant 0 : i32
    %dma_wait3A_734 = arith.constant 0 : i32
    %dma_wait3A_735 = tpu.memref_slice %arg12[%dma_wait3A_728, %dma_wait3A_733, %dma_wait3A_734] : memref<5x80x64xf32, #tpu.memory_space<vmem>> -> memref<1x80x64xf32, #tpu.memory_space<vmem>>
    %dma_wait3A_736 = tpu.memref_squeeze %dma_wait3A_735 : memref<1x80x64xf32, #tpu.memory_space<vmem>> -> memref<80x64xf32, #tpu.memory_space<vmem>>
    tpu.wait_dma2 semaphore(%arg22 : memref<!tpu.dma_semaphore, #tpu.memory_space<semaphore_mem>>) src(%arg5 : memref<80x64xf32, #tpu.memory_space<hbm>>) dst(%dma_wait3A_736 : memref<80x64xf32, #tpu.memory_space<vmem>>)
    %dma_wait3A_737 = arith.constant 2 : i32
    %dma_wait3A_738 = arith.constant 0 : i32
    %dma_wait3A_739 = arith.constant 0 : i32
    %dma_wait3A_740 = tpu.memref_slice %arg12[%dma_wait3A_737, %dma_wait3A_738, %dma_wait3A_739] : memref<5x80x64xf32, #tpu.memory_space<vmem>> -> memref<1x80x64xf32, #tpu.memory_space<vmem>>
    %dma_wait3A_741 = tpu.memref_squeeze %dma_wait3A_740 : memref<1x80x64xf32, #tpu.memory_space<vmem>> -> memref<80x64xf32, #tpu.memory_space<vmem>>
    %dma_wait3A_742 = arith.constant 0 : i32
    %dma_wait3A_743 = arith.constant 0 : i32
    %dma_wait3A_744 = tpu.memref_slice %arg12[%dma_wait3A_737, %dma_wait3A_742, %dma_wait3A_743] : memref<5x80x64xf32, #tpu.memory_space<vmem>> -> memref<1x80x64xf32, #tpu.memory_space<vmem>>
    %dma_wait3A_745 = tpu.memref_squeeze %dma_wait3A_744 : memref<1x80x64xf32, #tpu.memory_space<vmem>> -> memref<80x64xf32, #tpu.memory_space<vmem>>
    tpu.wait_dma2 semaphore(%arg23 : memref<!tpu.dma_semaphore, #tpu.memory_space<semaphore_mem>>) src(%arg5 : memref<80x64xf32, #tpu.memory_space<hbm>>) dst(%dma_wait3A_745 : memref<80x64xf32, #tpu.memory_space<vmem>>)
    %dma_wait3A_746 = arith.constant 3 : i32
    %dma_wait3A_747 = arith.constant 0 : i32
    %dma_wait3A_748 = arith.constant 0 : i32
    %dma_wait3A_749 = tpu.memref_slice %arg12[%dma_wait3A_746, %dma_wait3A_747, %dma_wait3A_748] : memref<5x80x64xf32, #tpu.memory_space<vmem>> -> memref<1x80x64xf32, #tpu.memory_space<vmem>>
    %dma_wait3A_750 = tpu.memref_squeeze %dma_wait3A_749 : memref<1x80x64xf32, #tpu.memory_space<vmem>> -> memref<80x64xf32, #tpu.memory_space<vmem>>
    %dma_wait3A_751 = arith.constant 0 : i32
    %dma_wait3A_752 = arith.constant 0 : i32
    %dma_wait3A_753 = tpu.memref_slice %arg12[%dma_wait3A_746, %dma_wait3A_751, %dma_wait3A_752] : memref<5x80x64xf32, #tpu.memory_space<vmem>> -> memref<1x80x64xf32, #tpu.memory_space<vmem>>
    %dma_wait3A_754 = tpu.memref_squeeze %dma_wait3A_753 : memref<1x80x64xf32, #tpu.memory_space<vmem>> -> memref<80x64xf32, #tpu.memory_space<vmem>>
    tpu.wait_dma2 semaphore(%arg24 : memref<!tpu.dma_semaphore, #tpu.memory_space<semaphore_mem>>) src(%arg5 : memref<80x64xf32, #tpu.memory_space<hbm>>) dst(%dma_wait3A_754 : memref<80x64xf32, #tpu.memory_space<vmem>>)
    %dma_wait3A_755 = arith.constant 4 : i32
    %dma_wait3A_756 = arith.constant 0 : i32
    %dma_wait3A_757 = arith.constant 0 : i32
    %dma_wait3A_758 = tpu.memref_slice %arg12[%dma_wait3A_755, %dma_wait3A_756, %dma_wait3A_757] : memref<5x80x64xf32, #tpu.memory_space<vmem>> -> memref<1x80x64xf32, #tpu.memory_space<vmem>>
    %dma_wait3A_759 = tpu.memref_squeeze %dma_wait3A_758 : memref<1x80x64xf32, #tpu.memory_space<vmem>> -> memref<80x64xf32, #tpu.memory_space<vmem>>
    %dma_wait3A_760 = arith.constant 0 : i32
    %dma_wait3A_761 = arith.constant 0 : i32
    %dma_wait3A_762 = tpu.memref_slice %arg12[%dma_wait3A_755, %dma_wait3A_760, %dma_wait3A_761] : memref<5x80x64xf32, #tpu.memory_space<vmem>> -> memref<1x80x64xf32, #tpu.memory_space<vmem>>
    %dma_wait3A_763 = tpu.memref_squeeze %dma_wait3A_762 : memref<1x80x64xf32, #tpu.memory_space<vmem>> -> memref<80x64xf32, #tpu.memory_space<vmem>>
    tpu.wait_dma2 semaphore(%arg25 : memref<!tpu.dma_semaphore, #tpu.memory_space<semaphore_mem>>) src(%arg5 : memref<80x64xf32, #tpu.memory_space<hbm>>) dst(%dma_wait3A_763 : memref<80x64xf32, #tpu.memory_space<vmem>>)
    %eq3A = arith.constant 0 : i32
    %eq3A_764 = arith.cmpi eq, %arg0, %eq3A : i32
    %convert_element_type3A = arith.extui %eq3A_764 : i1 to i32
    %cond3A = arith.constant 0 : i32
    %cond3A_765 = arith.cmpi ne, %convert_element_type3A, %cond3A : i32
    scf.if %cond3A_765 {
      %add3A_766 = arith.constant 0 : i32
      %add3A_767 = arith.addi %mul3A_0, %add3A_766 : i32
      "tpu.region"() ({
        %run_scoped3A_798 = tpu.sem_alloc : memref<!tpu.dma_semaphore, #tpu.memory_space<semaphore_mem>>
        %dma_start3A_799 = arith.constant 0 : i32
        %dma_start3A_800 = tpu.memref_slice %arg15[%add3A_767, %dma_start3A_799] : memref<10240x8xf32, #tpu.memory_space<vmem_shared>> -> memref<80x8xf32, #tpu.memory_space<vmem_shared>>
        %dma_start3A_801 = arith.constant 0 : i32
        %dma_start3A_802 = tpu.memref_slice %arg15[%add3A_767, %dma_start3A_801] : memref<10240x8xf32, #tpu.memory_space<vmem_shared>> -> memref<80x8xf32, #tpu.memory_space<vmem_shared>>
        tpu.enqueue_dma source(%dma_start3A_802 : memref<80x8xf32, #tpu.memory_space<vmem_shared>>) target(%arg13 : memref<80x8xf32, #tpu.memory_space<vmem>>) target_semaphore(%run_scoped3A_798 : memref<!tpu.dma_semaphore, #tpu.memory_space<semaphore_mem>>)
        %dma_wait3A_803 = arith.constant 0 : i32
        %dma_wait3A_804 = tpu.memref_slice %arg15[%add3A_767, %dma_wait3A_803] : memref<10240x8xf32, #tpu.memory_space<vmem_shared>> -> memref<80x8xf32, #tpu.memory_space<vmem_shared>>
        %dma_wait3A_805 = arith.constant 0 : i32
        %dma_wait3A_806 = tpu.memref_slice %arg15[%add3A_767, %dma_wait3A_805] : memref<10240x8xf32, #tpu.memory_space<vmem_shared>> -> memref<80x8xf32, #tpu.memory_space<vmem_shared>>
        tpu.wait_dma2 semaphore(%run_scoped3A_798 : memref<!tpu.dma_semaphore, #tpu.memory_space<semaphore_mem>>) src(%dma_wait3A_806 : memref<80x8xf32, #tpu.memory_space<vmem_shared>>) dst(%arg13 : memref<80x8xf32, #tpu.memory_space<vmem>>)
        tpu.yield
      }) : () -> ()
      %add3A_768 = arith.constant 0 : i32
      %add3A_769 = arith.addi %mul3A_0, %add3A_768 : i32
      "tpu.region"() ({
        %run_scoped3A_798 = tpu.sem_alloc : memref<!tpu.dma_semaphore, #tpu.memory_space<semaphore_mem>>
        %dma_start3A_799 = arith.constant 0 : i32
        %dma_start3A_800 = tpu.memref_slice %arg9[%add3A_769, %dma_start3A_799] : memref<10240x8xf32, #tpu.memory_space<hbm>> -> memref<80x8xf32, #tpu.memory_space<hbm>>
        %dma_start3A_801 = arith.constant 0 : i32
        %dma_start3A_802 = tpu.memref_slice %arg9[%add3A_769, %dma_start3A_801] : memref<10240x8xf32, #tpu.memory_space<hbm>> -> memref<80x8xf32, #tpu.memory_space<hbm>>
        tpu.enqueue_dma source(%arg13 : memref<80x8xf32, #tpu.memory_space<vmem>>) target(%dma_start3A_802 : memref<80x8xf32, #tpu.memory_space<hbm>>) target_semaphore(%run_scoped3A_798 : memref<!tpu.dma_semaphore, #tpu.memory_space<semaphore_mem>>)
        %dma_wait3A_803 = arith.constant 0 : i32
        %dma_wait3A_804 = tpu.memref_slice %arg9[%add3A_769, %dma_wait3A_803] : memref<10240x8xf32, #tpu.memory_space<hbm>> -> memref<80x8xf32, #tpu.memory_space<hbm>>
        %dma_wait3A_805 = arith.constant 0 : i32
        %dma_wait3A_806 = tpu.memref_slice %arg9[%add3A_769, %dma_wait3A_805] : memref<10240x8xf32, #tpu.memory_space<hbm>> -> memref<80x8xf32, #tpu.memory_space<hbm>>
        tpu.wait_dma2 semaphore(%run_scoped3A_798 : memref<!tpu.dma_semaphore, #tpu.memory_space<semaphore_mem>>) src(%arg13 : memref<80x8xf32, #tpu.memory_space<vmem>>) dst(%dma_wait3A_806 : memref<80x8xf32, #tpu.memory_space<hbm>>)
        tpu.yield
      }) : () -> ()
      %add3A_770 = arith.constant 80 : i32
      %add3A_771 = arith.addi %mul3A_0, %add3A_770 : i32
      "tpu.region"() ({
        %run_scoped3A_798 = tpu.sem_alloc : memref<!tpu.dma_semaphore, #tpu.memory_space<semaphore_mem>>
        %dma_start3A_799 = arith.constant 0 : i32
        %dma_start3A_800 = tpu.memref_slice %arg15[%add3A_771, %dma_start3A_799] : memref<10240x8xf32, #tpu.memory_space<vmem_shared>> -> memref<80x8xf32, #tpu.memory_space<vmem_shared>>
        %dma_start3A_801 = arith.constant 0 : i32
        %dma_start3A_802 = tpu.memref_slice %arg15[%add3A_771, %dma_start3A_801] : memref<10240x8xf32, #tpu.memory_space<vmem_shared>> -> memref<80x8xf32, #tpu.memory_space<vmem_shared>>
        tpu.enqueue_dma source(%dma_start3A_802 : memref<80x8xf32, #tpu.memory_space<vmem_shared>>) target(%arg13 : memref<80x8xf32, #tpu.memory_space<vmem>>) target_semaphore(%run_scoped3A_798 : memref<!tpu.dma_semaphore, #tpu.memory_space<semaphore_mem>>)
        %dma_wait3A_803 = arith.constant 0 : i32
        %dma_wait3A_804 = tpu.memref_slice %arg15[%add3A_771, %dma_wait3A_803] : memref<10240x8xf32, #tpu.memory_space<vmem_shared>> -> memref<80x8xf32, #tpu.memory_space<vmem_shared>>
        %dma_wait3A_805 = arith.constant 0 : i32
        %dma_wait3A_806 = tpu.memref_slice %arg15[%add3A_771, %dma_wait3A_805] : memref<10240x8xf32, #tpu.memory_space<vmem_shared>> -> memref<80x8xf32, #tpu.memory_space<vmem_shared>>
        tpu.wait_dma2 semaphore(%run_scoped3A_798 : memref<!tpu.dma_semaphore, #tpu.memory_space<semaphore_mem>>) src(%dma_wait3A_806 : memref<80x8xf32, #tpu.memory_space<vmem_shared>>) dst(%arg13 : memref<80x8xf32, #tpu.memory_space<vmem>>)
        tpu.yield
      }) : () -> ()
      %add3A_772 = arith.constant 80 : i32
      %add3A_773 = arith.addi %mul3A_0, %add3A_772 : i32
      "tpu.region"() ({
        %run_scoped3A_798 = tpu.sem_alloc : memref<!tpu.dma_semaphore, #tpu.memory_space<semaphore_mem>>
        %dma_start3A_799 = arith.constant 0 : i32
        %dma_start3A_800 = tpu.memref_slice %arg9[%add3A_773, %dma_start3A_799] : memref<10240x8xf32, #tpu.memory_space<hbm>> -> memref<80x8xf32, #tpu.memory_space<hbm>>
        %dma_start3A_801 = arith.constant 0 : i32
        %dma_start3A_802 = tpu.memref_slice %arg9[%add3A_773, %dma_start3A_801] : memref<10240x8xf32, #tpu.memory_space<hbm>> -> memref<80x8xf32, #tpu.memory_space<hbm>>
        tpu.enqueue_dma source(%arg13 : memref<80x8xf32, #tpu.memory_space<vmem>>) target(%dma_start3A_802 : memref<80x8xf32, #tpu.memory_space<hbm>>) target_semaphore(%run_scoped3A_798 : memref<!tpu.dma_semaphore, #tpu.memory_space<semaphore_mem>>)
        %dma_wait3A_803 = arith.constant 0 : i32
        %dma_wait3A_804 = tpu.memref_slice %arg9[%add3A_773, %dma_wait3A_803] : memref<10240x8xf32, #tpu.memory_space<hbm>> -> memref<80x8xf32, #tpu.memory_space<hbm>>
        %dma_wait3A_805 = arith.constant 0 : i32
        %dma_wait3A_806 = tpu.memref_slice %arg9[%add3A_773, %dma_wait3A_805] : memref<10240x8xf32, #tpu.memory_space<hbm>> -> memref<80x8xf32, #tpu.memory_space<hbm>>
        tpu.wait_dma2 semaphore(%run_scoped3A_798 : memref<!tpu.dma_semaphore, #tpu.memory_space<semaphore_mem>>) src(%arg13 : memref<80x8xf32, #tpu.memory_space<vmem>>) dst(%dma_wait3A_806 : memref<80x8xf32, #tpu.memory_space<hbm>>)
        tpu.yield
      }) : () -> ()
      %add3A_774 = arith.constant 160 : i32
      %add3A_775 = arith.addi %mul3A_0, %add3A_774 : i32
      "tpu.region"() ({
        %run_scoped3A_798 = tpu.sem_alloc : memref<!tpu.dma_semaphore, #tpu.memory_space<semaphore_mem>>
        %dma_start3A_799 = arith.constant 0 : i32
        %dma_start3A_800 = tpu.memref_slice %arg15[%add3A_775, %dma_start3A_799] : memref<10240x8xf32, #tpu.memory_space<vmem_shared>> -> memref<80x8xf32, #tpu.memory_space<vmem_shared>>
        %dma_start3A_801 = arith.constant 0 : i32
        %dma_start3A_802 = tpu.memref_slice %arg15[%add3A_775, %dma_start3A_801] : memref<10240x8xf32, #tpu.memory_space<vmem_shared>> -> memref<80x8xf32, #tpu.memory_space<vmem_shared>>
        tpu.enqueue_dma source(%dma_start3A_802 : memref<80x8xf32, #tpu.memory_space<vmem_shared>>) target(%arg13 : memref<80x8xf32, #tpu.memory_space<vmem>>) target_semaphore(%run_scoped3A_798 : memref<!tpu.dma_semaphore, #tpu.memory_space<semaphore_mem>>)
        %dma_wait3A_803 = arith.constant 0 : i32
        %dma_wait3A_804 = tpu.memref_slice %arg15[%add3A_775, %dma_wait3A_803] : memref<10240x8xf32, #tpu.memory_space<vmem_shared>> -> memref<80x8xf32, #tpu.memory_space<vmem_shared>>
        %dma_wait3A_805 = arith.constant 0 : i32
        %dma_wait3A_806 = tpu.memref_slice %arg15[%add3A_775, %dma_wait3A_805] : memref<10240x8xf32, #tpu.memory_space<vmem_shared>> -> memref<80x8xf32, #tpu.memory_space<vmem_shared>>
        tpu.wait_dma2 semaphore(%run_scoped3A_798 : memref<!tpu.dma_semaphore, #tpu.memory_space<semaphore_mem>>) src(%dma_wait3A_806 : memref<80x8xf32, #tpu.memory_space<vmem_shared>>) dst(%arg13 : memref<80x8xf32, #tpu.memory_space<vmem>>)
        tpu.yield
      }) : () -> ()
      %add3A_776 = arith.constant 160 : i32
      %add3A_777 = arith.addi %mul3A_0, %add3A_776 : i32
      "tpu.region"() ({
        %run_scoped3A_798 = tpu.sem_alloc : memref<!tpu.dma_semaphore, #tpu.memory_space<semaphore_mem>>
        %dma_start3A_799 = arith.constant 0 : i32
        %dma_start3A_800 = tpu.memref_slice %arg9[%add3A_777, %dma_start3A_799] : memref<10240x8xf32, #tpu.memory_space<hbm>> -> memref<80x8xf32, #tpu.memory_space<hbm>>
        %dma_start3A_801 = arith.constant 0 : i32
        %dma_start3A_802 = tpu.memref_slice %arg9[%add3A_777, %dma_start3A_801] : memref<10240x8xf32, #tpu.memory_space<hbm>> -> memref<80x8xf32, #tpu.memory_space<hbm>>
        tpu.enqueue_dma source(%arg13 : memref<80x8xf32, #tpu.memory_space<vmem>>) target(%dma_start3A_802 : memref<80x8xf32, #tpu.memory_space<hbm>>) target_semaphore(%run_scoped3A_798 : memref<!tpu.dma_semaphore, #tpu.memory_space<semaphore_mem>>)
        %dma_wait3A_803 = arith.constant 0 : i32
        %dma_wait3A_804 = tpu.memref_slice %arg9[%add3A_777, %dma_wait3A_803] : memref<10240x8xf32, #tpu.memory_space<hbm>> -> memref<80x8xf32, #tpu.memory_space<hbm>>
        %dma_wait3A_805 = arith.constant 0 : i32
        %dma_wait3A_806 = tpu.memref_slice %arg9[%add3A_777, %dma_wait3A_805] : memref<10240x8xf32, #tpu.memory_space<hbm>> -> memref<80x8xf32, #tpu.memory_space<hbm>>
        tpu.wait_dma2 semaphore(%run_scoped3A_798 : memref<!tpu.dma_semaphore, #tpu.memory_space<semaphore_mem>>) src(%arg13 : memref<80x8xf32, #tpu.memory_space<vmem>>) dst(%dma_wait3A_806 : memref<80x8xf32, #tpu.memory_space<hbm>>)
        tpu.yield
      }) : () -> ()
      %add3A_778 = arith.constant 240 : i32
      %add3A_779 = arith.addi %mul3A_0, %add3A_778 : i32
      "tpu.region"() ({
        %run_scoped3A_798 = tpu.sem_alloc : memref<!tpu.dma_semaphore, #tpu.memory_space<semaphore_mem>>
        %dma_start3A_799 = arith.constant 0 : i32
        %dma_start3A_800 = tpu.memref_slice %arg15[%add3A_779, %dma_start3A_799] : memref<10240x8xf32, #tpu.memory_space<vmem_shared>> -> memref<80x8xf32, #tpu.memory_space<vmem_shared>>
        %dma_start3A_801 = arith.constant 0 : i32
        %dma_start3A_802 = tpu.memref_slice %arg15[%add3A_779, %dma_start3A_801] : memref<10240x8xf32, #tpu.memory_space<vmem_shared>> -> memref<80x8xf32, #tpu.memory_space<vmem_shared>>
        tpu.enqueue_dma source(%dma_start3A_802 : memref<80x8xf32, #tpu.memory_space<vmem_shared>>) target(%arg13 : memref<80x8xf32, #tpu.memory_space<vmem>>) target_semaphore(%run_scoped3A_798 : memref<!tpu.dma_semaphore, #tpu.memory_space<semaphore_mem>>)
        %dma_wait3A_803 = arith.constant 0 : i32
        %dma_wait3A_804 = tpu.memref_slice %arg15[%add3A_779, %dma_wait3A_803] : memref<10240x8xf32, #tpu.memory_space<vmem_shared>> -> memref<80x8xf32, #tpu.memory_space<vmem_shared>>
        %dma_wait3A_805 = arith.constant 0 : i32
        %dma_wait3A_806 = tpu.memref_slice %arg15[%add3A_779, %dma_wait3A_805] : memref<10240x8xf32, #tpu.memory_space<vmem_shared>> -> memref<80x8xf32, #tpu.memory_space<vmem_shared>>
        tpu.wait_dma2 semaphore(%run_scoped3A_798 : memref<!tpu.dma_semaphore, #tpu.memory_space<semaphore_mem>>) src(%dma_wait3A_806 : memref<80x8xf32, #tpu.memory_space<vmem_shared>>) dst(%arg13 : memref<80x8xf32, #tpu.memory_space<vmem>>)
        tpu.yield
      }) : () -> ()
      %add3A_780 = arith.constant 240 : i32
      %add3A_781 = arith.addi %mul3A_0, %add3A_780 : i32
      "tpu.region"() ({
        %run_scoped3A_798 = tpu.sem_alloc : memref<!tpu.dma_semaphore, #tpu.memory_space<semaphore_mem>>
        %dma_start3A_799 = arith.constant 0 : i32
        %dma_start3A_800 = tpu.memref_slice %arg9[%add3A_781, %dma_start3A_799] : memref<10240x8xf32, #tpu.memory_space<hbm>> -> memref<80x8xf32, #tpu.memory_space<hbm>>
        %dma_start3A_801 = arith.constant 0 : i32
        %dma_start3A_802 = tpu.memref_slice %arg9[%add3A_781, %dma_start3A_801] : memref<10240x8xf32, #tpu.memory_space<hbm>> -> memref<80x8xf32, #tpu.memory_space<hbm>>
        tpu.enqueue_dma source(%arg13 : memref<80x8xf32, #tpu.memory_space<vmem>>) target(%dma_start3A_802 : memref<80x8xf32, #tpu.memory_space<hbm>>) target_semaphore(%run_scoped3A_798 : memref<!tpu.dma_semaphore, #tpu.memory_space<semaphore_mem>>)
        %dma_wait3A_803 = arith.constant 0 : i32
        %dma_wait3A_804 = tpu.memref_slice %arg9[%add3A_781, %dma_wait3A_803] : memref<10240x8xf32, #tpu.memory_space<hbm>> -> memref<80x8xf32, #tpu.memory_space<hbm>>
        %dma_wait3A_805 = arith.constant 0 : i32
        %dma_wait3A_806 = tpu.memref_slice %arg9[%add3A_781, %dma_wait3A_805] : memref<10240x8xf32, #tpu.memory_space<hbm>> -> memref<80x8xf32, #tpu.memory_space<hbm>>
        tpu.wait_dma2 semaphore(%run_scoped3A_798 : memref<!tpu.dma_semaphore, #tpu.memory_space<semaphore_mem>>) src(%arg13 : memref<80x8xf32, #tpu.memory_space<vmem>>) dst(%dma_wait3A_806 : memref<80x8xf32, #tpu.memory_space<hbm>>)
        tpu.yield
      }) : () -> ()
      %add3A_782 = arith.constant 320 : i32
      %add3A_783 = arith.addi %mul3A_0, %add3A_782 : i32
      "tpu.region"() ({
        %run_scoped3A_798 = tpu.sem_alloc : memref<!tpu.dma_semaphore, #tpu.memory_space<semaphore_mem>>
        %dma_start3A_799 = arith.constant 0 : i32
        %dma_start3A_800 = tpu.memref_slice %arg15[%add3A_783, %dma_start3A_799] : memref<10240x8xf32, #tpu.memory_space<vmem_shared>> -> memref<80x8xf32, #tpu.memory_space<vmem_shared>>
        %dma_start3A_801 = arith.constant 0 : i32
        %dma_start3A_802 = tpu.memref_slice %arg15[%add3A_783, %dma_start3A_801] : memref<10240x8xf32, #tpu.memory_space<vmem_shared>> -> memref<80x8xf32, #tpu.memory_space<vmem_shared>>
        tpu.enqueue_dma source(%dma_start3A_802 : memref<80x8xf32, #tpu.memory_space<vmem_shared>>) target(%arg13 : memref<80x8xf32, #tpu.memory_space<vmem>>) target_semaphore(%run_scoped3A_798 : memref<!tpu.dma_semaphore, #tpu.memory_space<semaphore_mem>>)
        %dma_wait3A_803 = arith.constant 0 : i32
        %dma_wait3A_804 = tpu.memref_slice %arg15[%add3A_783, %dma_wait3A_803] : memref<10240x8xf32, #tpu.memory_space<vmem_shared>> -> memref<80x8xf32, #tpu.memory_space<vmem_shared>>
        %dma_wait3A_805 = arith.constant 0 : i32
        %dma_wait3A_806 = tpu.memref_slice %arg15[%add3A_783, %dma_wait3A_805] : memref<10240x8xf32, #tpu.memory_space<vmem_shared>> -> memref<80x8xf32, #tpu.memory_space<vmem_shared>>
        tpu.wait_dma2 semaphore(%run_scoped3A_798 : memref<!tpu.dma_semaphore, #tpu.memory_space<semaphore_mem>>) src(%dma_wait3A_806 : memref<80x8xf32, #tpu.memory_space<vmem_shared>>) dst(%arg13 : memref<80x8xf32, #tpu.memory_space<vmem>>)
        tpu.yield
      }) : () -> ()
      %add3A_784 = arith.constant 320 : i32
      %add3A_785 = arith.addi %mul3A_0, %add3A_784 : i32
      "tpu.region"() ({
        %run_scoped3A_798 = tpu.sem_alloc : memref<!tpu.dma_semaphore, #tpu.memory_space<semaphore_mem>>
        %dma_start3A_799 = arith.constant 0 : i32
        %dma_start3A_800 = tpu.memref_slice %arg9[%add3A_785, %dma_start3A_799] : memref<10240x8xf32, #tpu.memory_space<hbm>> -> memref<80x8xf32, #tpu.memory_space<hbm>>
        %dma_start3A_801 = arith.constant 0 : i32
        %dma_start3A_802 = tpu.memref_slice %arg9[%add3A_785, %dma_start3A_801] : memref<10240x8xf32, #tpu.memory_space<hbm>> -> memref<80x8xf32, #tpu.memory_space<hbm>>
        tpu.enqueue_dma source(%arg13 : memref<80x8xf32, #tpu.memory_space<vmem>>) target(%dma_start3A_802 : memref<80x8xf32, #tpu.memory_space<hbm>>) target_semaphore(%run_scoped3A_798 : memref<!tpu.dma_semaphore, #tpu.memory_space<semaphore_mem>>)
        %dma_wait3A_803 = arith.constant 0 : i32
        %dma_wait3A_804 = tpu.memref_slice %arg9[%add3A_785, %dma_wait3A_803] : memref<10240x8xf32, #tpu.memory_space<hbm>> -> memref<80x8xf32, #tpu.memory_space<hbm>>
        %dma_wait3A_805 = arith.constant 0 : i32
        %dma_wait3A_806 = tpu.memref_slice %arg9[%add3A_785, %dma_wait3A_805] : memref<10240x8xf32, #tpu.memory_space<hbm>> -> memref<80x8xf32, #tpu.memory_space<hbm>>
        tpu.wait_dma2 semaphore(%run_scoped3A_798 : memref<!tpu.dma_semaphore, #tpu.memory_space<semaphore_mem>>) src(%arg13 : memref<80x8xf32, #tpu.memory_space<vmem>>) dst(%dma_wait3A_806 : memref<80x8xf32, #tpu.memory_space<hbm>>)
        tpu.yield
      }) : () -> ()
      %add3A_786 = arith.constant 400 : i32
      %add3A_787 = arith.addi %mul3A_0, %add3A_786 : i32
      "tpu.region"() ({
        %run_scoped3A_798 = tpu.sem_alloc : memref<!tpu.dma_semaphore, #tpu.memory_space<semaphore_mem>>
        %dma_start3A_799 = arith.constant 0 : i32
        %dma_start3A_800 = tpu.memref_slice %arg15[%add3A_787, %dma_start3A_799] : memref<10240x8xf32, #tpu.memory_space<vmem_shared>> -> memref<80x8xf32, #tpu.memory_space<vmem_shared>>
        %dma_start3A_801 = arith.constant 0 : i32
        %dma_start3A_802 = tpu.memref_slice %arg15[%add3A_787, %dma_start3A_801] : memref<10240x8xf32, #tpu.memory_space<vmem_shared>> -> memref<80x8xf32, #tpu.memory_space<vmem_shared>>
        tpu.enqueue_dma source(%dma_start3A_802 : memref<80x8xf32, #tpu.memory_space<vmem_shared>>) target(%arg13 : memref<80x8xf32, #tpu.memory_space<vmem>>) target_semaphore(%run_scoped3A_798 : memref<!tpu.dma_semaphore, #tpu.memory_space<semaphore_mem>>)
        %dma_wait3A_803 = arith.constant 0 : i32
        %dma_wait3A_804 = tpu.memref_slice %arg15[%add3A_787, %dma_wait3A_803] : memref<10240x8xf32, #tpu.memory_space<vmem_shared>> -> memref<80x8xf32, #tpu.memory_space<vmem_shared>>
        %dma_wait3A_805 = arith.constant 0 : i32
        %dma_wait3A_806 = tpu.memref_slice %arg15[%add3A_787, %dma_wait3A_805] : memref<10240x8xf32, #tpu.memory_space<vmem_shared>> -> memref<80x8xf32, #tpu.memory_space<vmem_shared>>
        tpu.wait_dma2 semaphore(%run_scoped3A_798 : memref<!tpu.dma_semaphore, #tpu.memory_space<semaphore_mem>>) src(%dma_wait3A_806 : memref<80x8xf32, #tpu.memory_space<vmem_shared>>) dst(%arg13 : memref<80x8xf32, #tpu.memory_space<vmem>>)
        tpu.yield
      }) : () -> ()
      %add3A_788 = arith.constant 400 : i32
      %add3A_789 = arith.addi %mul3A_0, %add3A_788 : i32
      "tpu.region"() ({
        %run_scoped3A_798 = tpu.sem_alloc : memref<!tpu.dma_semaphore, #tpu.memory_space<semaphore_mem>>
        %dma_start3A_799 = arith.constant 0 : i32
        %dma_start3A_800 = tpu.memref_slice %arg9[%add3A_789, %dma_start3A_799] : memref<10240x8xf32, #tpu.memory_space<hbm>> -> memref<80x8xf32, #tpu.memory_space<hbm>>
        %dma_start3A_801 = arith.constant 0 : i32
        %dma_start3A_802 = tpu.memref_slice %arg9[%add3A_789, %dma_start3A_801] : memref<10240x8xf32, #tpu.memory_space<hbm>> -> memref<80x8xf32, #tpu.memory_space<hbm>>
        tpu.enqueue_dma source(%arg13 : memref<80x8xf32, #tpu.memory_space<vmem>>) target(%dma_start3A_802 : memref<80x8xf32, #tpu.memory_space<hbm>>) target_semaphore(%run_scoped3A_798 : memref<!tpu.dma_semaphore, #tpu.memory_space<semaphore_mem>>)
        %dma_wait3A_803 = arith.constant 0 : i32
        %dma_wait3A_804 = tpu.memref_slice %arg9[%add3A_789, %dma_wait3A_803] : memref<10240x8xf32, #tpu.memory_space<hbm>> -> memref<80x8xf32, #tpu.memory_space<hbm>>
        %dma_wait3A_805 = arith.constant 0 : i32
        %dma_wait3A_806 = tpu.memref_slice %arg9[%add3A_789, %dma_wait3A_805] : memref<10240x8xf32, #tpu.memory_space<hbm>> -> memref<80x8xf32, #tpu.memory_space<hbm>>
        tpu.wait_dma2 semaphore(%run_scoped3A_798 : memref<!tpu.dma_semaphore, #tpu.memory_space<semaphore_mem>>) src(%arg13 : memref<80x8xf32, #tpu.memory_space<vmem>>) dst(%dma_wait3A_806 : memref<80x8xf32, #tpu.memory_space<hbm>>)
        tpu.yield
      }) : () -> ()
      %add3A_790 = arith.constant 480 : i32
      %add3A_791 = arith.addi %mul3A_0, %add3A_790 : i32
      "tpu.region"() ({
        %run_scoped3A_798 = tpu.sem_alloc : memref<!tpu.dma_semaphore, #tpu.memory_space<semaphore_mem>>
        %dma_start3A_799 = arith.constant 0 : i32
        %dma_start3A_800 = tpu.memref_slice %arg15[%add3A_791, %dma_start3A_799] : memref<10240x8xf32, #tpu.memory_space<vmem_shared>> -> memref<80x8xf32, #tpu.memory_space<vmem_shared>>
        %dma_start3A_801 = arith.constant 0 : i32
        %dma_start3A_802 = tpu.memref_slice %arg15[%add3A_791, %dma_start3A_801] : memref<10240x8xf32, #tpu.memory_space<vmem_shared>> -> memref<80x8xf32, #tpu.memory_space<vmem_shared>>
        tpu.enqueue_dma source(%dma_start3A_802 : memref<80x8xf32, #tpu.memory_space<vmem_shared>>) target(%arg13 : memref<80x8xf32, #tpu.memory_space<vmem>>) target_semaphore(%run_scoped3A_798 : memref<!tpu.dma_semaphore, #tpu.memory_space<semaphore_mem>>)
        %dma_wait3A_803 = arith.constant 0 : i32
        %dma_wait3A_804 = tpu.memref_slice %arg15[%add3A_791, %dma_wait3A_803] : memref<10240x8xf32, #tpu.memory_space<vmem_shared>> -> memref<80x8xf32, #tpu.memory_space<vmem_shared>>
        %dma_wait3A_805 = arith.constant 0 : i32
        %dma_wait3A_806 = tpu.memref_slice %arg15[%add3A_791, %dma_wait3A_805] : memref<10240x8xf32, #tpu.memory_space<vmem_shared>> -> memref<80x8xf32, #tpu.memory_space<vmem_shared>>
        tpu.wait_dma2 semaphore(%run_scoped3A_798 : memref<!tpu.dma_semaphore, #tpu.memory_space<semaphore_mem>>) src(%dma_wait3A_806 : memref<80x8xf32, #tpu.memory_space<vmem_shared>>) dst(%arg13 : memref<80x8xf32, #tpu.memory_space<vmem>>)
        tpu.yield
      }) : () -> ()
      %add3A_792 = arith.constant 480 : i32
      %add3A_793 = arith.addi %mul3A_0, %add3A_792 : i32
      "tpu.region"() ({
        %run_scoped3A_798 = tpu.sem_alloc : memref<!tpu.dma_semaphore, #tpu.memory_space<semaphore_mem>>
        %dma_start3A_799 = arith.constant 0 : i32
        %dma_start3A_800 = tpu.memref_slice %arg9[%add3A_793, %dma_start3A_799] : memref<10240x8xf32, #tpu.memory_space<hbm>> -> memref<80x8xf32, #tpu.memory_space<hbm>>
        %dma_start3A_801 = arith.constant 0 : i32
        %dma_start3A_802 = tpu.memref_slice %arg9[%add3A_793, %dma_start3A_801] : memref<10240x8xf32, #tpu.memory_space<hbm>> -> memref<80x8xf32, #tpu.memory_space<hbm>>
        tpu.enqueue_dma source(%arg13 : memref<80x8xf32, #tpu.memory_space<vmem>>) target(%dma_start3A_802 : memref<80x8xf32, #tpu.memory_space<hbm>>) target_semaphore(%run_scoped3A_798 : memref<!tpu.dma_semaphore, #tpu.memory_space<semaphore_mem>>)
        %dma_wait3A_803 = arith.constant 0 : i32
        %dma_wait3A_804 = tpu.memref_slice %arg9[%add3A_793, %dma_wait3A_803] : memref<10240x8xf32, #tpu.memory_space<hbm>> -> memref<80x8xf32, #tpu.memory_space<hbm>>
        %dma_wait3A_805 = arith.constant 0 : i32
        %dma_wait3A_806 = tpu.memref_slice %arg9[%add3A_793, %dma_wait3A_805] : memref<10240x8xf32, #tpu.memory_space<hbm>> -> memref<80x8xf32, #tpu.memory_space<hbm>>
        tpu.wait_dma2 semaphore(%run_scoped3A_798 : memref<!tpu.dma_semaphore, #tpu.memory_space<semaphore_mem>>) src(%arg13 : memref<80x8xf32, #tpu.memory_space<vmem>>) dst(%dma_wait3A_806 : memref<80x8xf32, #tpu.memory_space<hbm>>)
        tpu.yield
      }) : () -> ()
      %add3A_794 = arith.constant 560 : i32
      %add3A_795 = arith.addi %mul3A_0, %add3A_794 : i32
      "tpu.region"() ({
        %run_scoped3A_798 = tpu.sem_alloc : memref<!tpu.dma_semaphore, #tpu.memory_space<semaphore_mem>>
        %dma_start3A_799 = arith.constant 0 : i32
        %dma_start3A_800 = tpu.memref_slice %arg15[%add3A_795, %dma_start3A_799] : memref<10240x8xf32, #tpu.memory_space<vmem_shared>> -> memref<80x8xf32, #tpu.memory_space<vmem_shared>>
        %dma_start3A_801 = arith.constant 0 : i32
        %dma_start3A_802 = tpu.memref_slice %arg15[%add3A_795, %dma_start3A_801] : memref<10240x8xf32, #tpu.memory_space<vmem_shared>> -> memref<80x8xf32, #tpu.memory_space<vmem_shared>>
        tpu.enqueue_dma source(%dma_start3A_802 : memref<80x8xf32, #tpu.memory_space<vmem_shared>>) target(%arg13 : memref<80x8xf32, #tpu.memory_space<vmem>>) target_semaphore(%run_scoped3A_798 : memref<!tpu.dma_semaphore, #tpu.memory_space<semaphore_mem>>)
        %dma_wait3A_803 = arith.constant 0 : i32
        %dma_wait3A_804 = tpu.memref_slice %arg15[%add3A_795, %dma_wait3A_803] : memref<10240x8xf32, #tpu.memory_space<vmem_shared>> -> memref<80x8xf32, #tpu.memory_space<vmem_shared>>
        %dma_wait3A_805 = arith.constant 0 : i32
        %dma_wait3A_806 = tpu.memref_slice %arg15[%add3A_795, %dma_wait3A_805] : memref<10240x8xf32, #tpu.memory_space<vmem_shared>> -> memref<80x8xf32, #tpu.memory_space<vmem_shared>>
        tpu.wait_dma2 semaphore(%run_scoped3A_798 : memref<!tpu.dma_semaphore, #tpu.memory_space<semaphore_mem>>) src(%dma_wait3A_806 : memref<80x8xf32, #tpu.memory_space<vmem_shared>>) dst(%arg13 : memref<80x8xf32, #tpu.memory_space<vmem>>)
        tpu.yield
      }) : () -> ()
      %add3A_796 = arith.constant 560 : i32
      %add3A_797 = arith.addi %mul3A_0, %add3A_796 : i32
      "tpu.region"() ({
        %run_scoped3A_798 = tpu.sem_alloc : memref<!tpu.dma_semaphore, #tpu.memory_space<semaphore_mem>>
        %dma_start3A_799 = arith.constant 0 : i32
        %dma_start3A_800 = tpu.memref_slice %arg9[%add3A_797, %dma_start3A_799] : memref<10240x8xf32, #tpu.memory_space<hbm>> -> memref<80x8xf32, #tpu.memory_space<hbm>>
        %dma_start3A_801 = arith.constant 0 : i32
        %dma_start3A_802 = tpu.memref_slice %arg9[%add3A_797, %dma_start3A_801] : memref<10240x8xf32, #tpu.memory_space<hbm>> -> memref<80x8xf32, #tpu.memory_space<hbm>>
        tpu.enqueue_dma source(%arg13 : memref<80x8xf32, #tpu.memory_space<vmem>>) target(%dma_start3A_802 : memref<80x8xf32, #tpu.memory_space<hbm>>) target_semaphore(%run_scoped3A_798 : memref<!tpu.dma_semaphore, #tpu.memory_space<semaphore_mem>>)
        %dma_wait3A_803 = arith.constant 0 : i32
        %dma_wait3A_804 = tpu.memref_slice %arg9[%add3A_797, %dma_wait3A_803] : memref<10240x8xf32, #tpu.memory_space<hbm>> -> memref<80x8xf32, #tpu.memory_space<hbm>>
        %dma_wait3A_805 = arith.constant 0 : i32
        %dma_wait3A_806 = tpu.memref_slice %arg9[%add3A_797, %dma_wait3A_805] : memref<10240x8xf32, #tpu.memory_space<hbm>> -> memref<80x8xf32, #tpu.memory_space<hbm>>
        tpu.wait_dma2 semaphore(%run_scoped3A_798 : memref<!tpu.dma_semaphore, #tpu.memory_space<semaphore_mem>>) src(%arg13 : memref<80x8xf32, #tpu.memory_space<vmem>>) dst(%dma_wait3A_806 : memref<80x8xf32, #tpu.memory_space<hbm>>)
        tpu.yield
      }) : () -> ()
    } else {
    }
    return
  }
}

module attributes {stable_mosaic.version = 14 : i64} {
  func.func @_head_kernel(%arg0: i32, %arg1: memref<1000x128xf32, #tpu.memory_space<vmem>>, %arg2: memref<2x1000x64xf32, #tpu.memory_space<vmem>>, %arg3: memref<1000x8xf32, #tpu.memory_space<vmem>>, %arg4: memref<128x128xf32, #tpu.memory_space<vmem>>, %arg5: memref<1x128xf32, #tpu.memory_space<vmem>>, %arg6: memref<128x128xf32, #tpu.memory_space<vmem>>, %arg7: memref<64x128xf32, #tpu.memory_space<vmem>>, %arg8: memref<1x64xf32, #tpu.memory_space<vmem>>, %arg9: memref<1000x64xf32, #tpu.memory_space<vmem>>) attributes {dimension_semantics = [#tpu.dimension_semantics<arbitrary>], iteration_bounds = array<i64: 10>, scalar_prefetch = 0 : i64, scratch_operands = 0 : i64, tpu.core_type = #tpu.core_type<tc>, window_params = [{transform_indices = @transform_0, window_bounds = array<i64: 1000, 128>}, {transform_indices = @transform_1, window_bounds = array<i64: 2, 1000, 64>}, {transform_indices = @transform_2, window_bounds = array<i64: 1000, 8>}, {pipeline_mode = #tpu.pipeline_mode<synchronous>, transform_indices = @transform_3, window_bounds = array<i64: 128, 128>}, {pipeline_mode = #tpu.pipeline_mode<synchronous>, transform_indices = @transform_4, window_bounds = array<i64: 1, 128>}, {pipeline_mode = #tpu.pipeline_mode<synchronous>, transform_indices = @transform_5, window_bounds = array<i64: 128, 128>}, {pipeline_mode = #tpu.pipeline_mode<synchronous>, transform_indices = @transform_6, window_bounds = array<i64: 64, 128>}, {pipeline_mode = #tpu.pipeline_mode<synchronous>, transform_indices = @transform_7, window_bounds = array<i64: 1, 64>}, {transform_indices = @transform_8, window_bounds = array<i64: 1000, 64>}]} {
    %get3A = arith.constant 0 : index
    %get3A_0 = arith.constant 0 : index
    %get3A_1 = vector.load %arg3[%get3A, %get3A_0] : memref<1000x8xf32, #tpu.memory_space<vmem>>, vector<1000x1xf32>
    %get3A_2 = vector.shape_cast %get3A_1 : vector<1000x1xf32> to vector<1000xf32>
    %max3A = arith.constant 1.000000e+00 : f32
    %max3A_3 = vector.broadcast %max3A : f32 to vector<1000xf32>
    %max3A_4 = arith.maximumf %get3A_2, %max3A_3 : vector<1000xf32>
    %div3A = arith.constant 1.000000e+00 : f32
    %div3A_5 = vector.broadcast %div3A : f32 to vector<1000xf32>
    %div3A_6 = arith.divf %div3A_5, %max3A_4 : vector<1000xf32>
    %get3A_7 = arith.constant 0 : index
    %get3A_8 = arith.constant 0 : index
    %get3A_9 = arith.constant 0 : index
    %get3A_10 = vector.load %arg2[%get3A_7, %get3A_8, %get3A_9] : memref<2x1000x64xf32, #tpu.memory_space<vmem>>, vector<1x1000x64xf32>
    %get3A_11 = vector.shape_cast %get3A_10 : vector<1x1000x64xf32> to vector<1000x64xf32>
    %broadcast_in_dim3A = vector.shape_cast %div3A_6 : vector<1000xf32> to vector<1000x1xf32>
    %mul3A = vector.broadcast %broadcast_in_dim3A : vector<1000x1xf32> to vector<1000x64xf32>
    %mul3A_12 = arith.mulf %get3A_11, %mul3A : vector<1000x64xf32>
    %get3A_13 = arith.constant 1 : index
    %get3A_14 = arith.constant 0 : index
    %get3A_15 = arith.constant 0 : index
    %get3A_16 = vector.load %arg2[%get3A_13, %get3A_14, %get3A_15] : memref<2x1000x64xf32, #tpu.memory_space<vmem>>, vector<1x1000x64xf32>
    %get3A_17 = vector.shape_cast %get3A_16 : vector<1x1000x64xf32> to vector<1000x64xf32>
    %broadcast_in_dim3A_18 = vector.shape_cast %div3A_6 : vector<1000xf32> to vector<1000x1xf32>
    %mul3A_19 = vector.broadcast %broadcast_in_dim3A_18 : vector<1000x1xf32> to vector<1000x64xf32>
    %mul3A_20 = arith.mulf %get3A_17, %mul3A_19 : vector<1000x64xf32>
    %get3A_21 = arith.constant 0 : index
    %get3A_22 = arith.constant 0 : index
    %get3A_23 = vector.load %arg4[%get3A_21, %get3A_22] : memref<128x128xf32, #tpu.memory_space<vmem>>, vector<128x128xf32>
    %slice3A = vector.extract_strided_slice %get3A_23 {offsets = [0, 0], sizes = [128, 64], strides = [1, 1]} : vector<128x128xf32> to vector<128x64xf32>
    %dot_general3A = arith.constant dense<0.000000e+00> : vector<1000x128xf32>
    %dot_general3A_24 = tpu.matmul %mul3A_12, %slice3A, %dot_general3A {dimension_numbers = #tpu.dot_dimension_numbers<[1], [1], [0], [0], [0, 0, 1, 0], [], []>, transpose_lhs_hint = false} : vector<1000x64xf32>, vector<128x64xf32>, vector<1000x128xf32> -> vector<1000x128xf32>
    %slice3A_25 = vector.extract_strided_slice %get3A_23 {offsets = [0, 64], sizes = [128, 64], strides = [1, 1]} : vector<128x128xf32> to vector<128x64xf32>
    %dot_general3A_26 = arith.constant dense<0.000000e+00> : vector<1000x128xf32>
    %dot_general3A_27 = tpu.matmul %mul3A_20, %slice3A_25, %dot_general3A_26 {dimension_numbers = #tpu.dot_dimension_numbers<[1], [1], [0], [0], [0, 0, 1, 0], [], []>, transpose_lhs_hint = false} : vector<1000x64xf32>, vector<128x64xf32>, vector<1000x128xf32> -> vector<1000x128xf32>
    %add3A = arith.addf %dot_general3A_24, %dot_general3A_27 : vector<1000x128xf32>
    %get3A_28 = arith.constant 0 : index
    %get3A_29 = arith.constant 0 : index
    %get3A_30 = vector.load %arg1[%get3A_28, %get3A_29] : memref<1000x128xf32, #tpu.memory_space<vmem>>, vector<1000x128xf32>
    %get3A_31 = arith.constant 0 : index
    %get3A_32 = arith.constant 0 : index
    %get3A_33 = vector.load %arg6[%get3A_31, %get3A_32] : memref<128x128xf32, #tpu.memory_space<vmem>>, vector<128x128xf32>
    %dot_general3A_34 = arith.constant dense<0.000000e+00> : vector<1000x128xf32>
    %dot_general3A_35 = tpu.matmul %get3A_30, %get3A_33, %dot_general3A_34 {dimension_numbers = #tpu.dot_dimension_numbers<[1], [1], [0], [0], [0, 0, 1, 0], [], []>, transpose_lhs_hint = false} : vector<1000x128xf32>, vector<128x128xf32>, vector<1000x128xf32> -> vector<1000x128xf32>
    %add3A_36 = arith.addf %add3A, %dot_general3A_35 : vector<1000x128xf32>
    %get3A_37 = arith.constant 0 : index
    %get3A_38 = arith.constant 0 : index
    %get3A_39 = vector.load %arg5[%get3A_37, %get3A_38] : memref<1x128xf32, #tpu.memory_space<vmem>>, vector<1x128xf32>
    %add3A_40 = vector.broadcast %get3A_39 : vector<1x128xf32> to vector<1000x128xf32>
    %add3A_41 = arith.addf %add3A_36, %add3A_40 : vector<1000x128xf32>
    %max3A_42 = arith.constant 0.000000e+00 : f32
    %max3A_43 = vector.broadcast %max3A_42 : f32 to vector<1000x128xf32>
    %max3A_44 = arith.maximumf %add3A_41, %max3A_43 : vector<1000x128xf32>
    %get3A_45 = arith.constant 0 : index
    %get3A_46 = arith.constant 0 : index
    %get3A_47 = vector.load %arg7[%get3A_45, %get3A_46] : memref<64x128xf32, #tpu.memory_space<vmem>>, vector<64x128xf32>
    %dot_general3A_48 = arith.constant dense<0.000000e+00> : vector<1000x64xf32>
    %dot_general3A_49 = tpu.matmul %max3A_44, %get3A_47, %dot_general3A_48 {dimension_numbers = #tpu.dot_dimension_numbers<[1], [1], [0], [0], [0, 0, 1, 0], [], []>, transpose_lhs_hint = false} : vector<1000x128xf32>, vector<64x128xf32>, vector<1000x64xf32> -> vector<1000x64xf32>
    %get3A_50 = arith.constant 0 : index
    %get3A_51 = arith.constant 0 : index
    %get3A_52 = vector.load %arg8[%get3A_50, %get3A_51] : memref<1x64xf32, #tpu.memory_space<vmem>>, vector<1x64xf32>
    %add3A_53 = vector.broadcast %get3A_52 : vector<1x64xf32> to vector<1000x64xf32>
    %add3A_54 = arith.addf %dot_general3A_49, %add3A_53 : vector<1000x64xf32>
    %swap3A = arith.constant 0 : index
    %swap3A_55 = arith.constant 0 : index
    %swap3A_56 = vector.load %arg9[%swap3A, %swap3A_55] : memref<1000x64xf32, #tpu.memory_space<vmem>>, vector<1000x64xf32>
    tpu.vector_store %arg9[%swap3A, %swap3A_55], %add3A_54 {strides = array<i32>} : memref<1000x64xf32, #tpu.memory_space<vmem>>, vector<1000x64xf32>,
    return
  }
  func.func @transform_0(%arg0: i32) -> (i32, i32) {
    %c0_i32 = arith.constant 0 : i32
    %c0_i32_0 = arith.constant 0 : i32
    return %arg0, %c0_i32 : i32, i32
  }
  func.func @transform_1(%arg0: i32) -> (i32, i32, i32) {
    %c0_i32 = arith.constant 0 : i32
    %c0_i32_0 = arith.constant 0 : i32
    %c0_i32_1 = arith.constant 0 : i32
    return %c0_i32, %arg0, %c0_i32_0 : i32, i32, i32
  }
  func.func @transform_2(%arg0: i32) -> (i32, i32) {
    %c0_i32 = arith.constant 0 : i32
    %c0_i32_0 = arith.constant 0 : i32
    return %arg0, %c0_i32 : i32, i32
  }
  func.func @transform_3(%arg0: i32) -> (i32, i32) {
    %c0_i32 = arith.constant 0 : i32
    %c0_i32_0 = arith.constant 0 : i32
    %c0_i32_1 = arith.constant 0 : i32
    return %c0_i32, %c0_i32_0 : i32, i32
  }
  func.func @transform_4(%arg0: i32) -> (i32, i32) {
    %c0_i32 = arith.constant 0 : i32
    %c0_i32_0 = arith.constant 0 : i32
    %c0_i32_1 = arith.constant 0 : i32
    return %c0_i32, %c0_i32_0 : i32, i32
  }
  func.func @transform_5(%arg0: i32) -> (i32, i32) {
    %c0_i32 = arith.constant 0 : i32
    %c0_i32_0 = arith.constant 0 : i32
    %c0_i32_1 = arith.constant 0 : i32
    return %c0_i32, %c0_i32_0 : i32, i32
  }
  func.func @transform_6(%arg0: i32) -> (i32, i32) {
    %c0_i32 = arith.constant 0 : i32
    %c0_i32_0 = arith.constant 0 : i32
    %c0_i32_1 = arith.constant 0 : i32
    return %c0_i32, %c0_i32_0 : i32, i32
  }
  func.func @transform_7(%arg0: i32) -> (i32, i32) {
    %c0_i32 = arith.constant 0 : i32
    %c0_i32_0 = arith.constant 0 : i32
    %c0_i32_1 = arith.constant 0 : i32
    return %c0_i32, %c0_i32_0 : i32, i32
  }
  func.func @transform_8(%arg0: i32) -> (i32, i32) {
    %c0_i32 = arith.constant 0 : i32
    %c0_i32_0 = arith.constant 0 : i32
    return %arg0, %c0_i32 : i32, i32
  }
}

</mosaic_0001>

<sc_bundles>
// kernel: kernel.4.cloned.1.call-start
scs
__scs_entry_jumppad:
0x0: {  	(pc) =	sbr.rel $0x88, $3  }
0x1: {  	(tag) =	ssettag $0x0;
	lr =	simm.s32 $0x1  }
0x2: {  	[smem:$0x3F9A] =	sst lr;
	_ =	strace $0xD0000000  }
0x3: {  	_ = 	snop  }
0x4: {  	_ = 	snop  }
0x5: {  	_ = 	snop  }
0x6: {  	_ = 	snop  }
0x7: {  	_ = 	snop  }
__scs_overlays_trampoline_lowered:
0x8: {  	[smem:$0x3FA9] =	sst s0  }
0x9: {  	[smem:$0x3FAA] =	sst s1  }
0xa: {  	[smem:$0x3FAB] =	sst s2  }
0xb: {  	[smem:$0x3FAC] =	sst s3  }
0xc: {  	[smem:$0x3FAD] =	sst s4  }
0xd: {  	[smem:$0x3FAE] =	sst s5  }
0xe: {  	[smem:$0x3FAF] =	sst s6  }
0xf: {  	[smem:$0x3FB0] =	sst s7  }
0x10: {  	[smem:$0x3FB1] =	sst s8  }
0x11: {  	[smem:$0x3FB2] =	sst s9;
	s0 =	simm.s32 @!p0 $0x0  }
0x12: {  	s1 =	sld [smem:$0x3F98];
	s0 =	simm.s32 @p0 $0x1  }
0x13: {  	[smem:$0x3FB3] =	sst s0;
	s0 =	simm.s32 @!p1 $0x0  }
0x14: {  	s2 =	sld [smem:$0x3F97];
	s0 =	simm.s32 @p1 $0x1  }
0x15: {  	[smem:$0x3FB4] =	sst s0;
	s0 =	simm.s32 @!p2 $0x0  }
0x16: {  	s3 =	sld [smem:$0x3FDB];
	s0 =	simm.s32 @p2 $0x1  }
0x17: {  	s4 =	simm.s32 $0x1BF5;
	[smem:$0x3FB6] =	sst s0  }
0x18: {  	s0 =	sld [smem:$0x3F99];
	_ =	swait.ge [sflag:s4], $0x0  }
0x19: {  	s7 =	sld [smem:$0x3F9A]  }
0x1a: {  	s8 =	sadd.s32 $0xFFFFE003, lr  }
0x1b: {  	s9 =	sadd.s32 $0xFFFFFEF7, lr;
	s5 =	simm.s32 $0xFFFFFFFF;
	p2 =	slt.u32 s8, $0xFFFFF086  }
0x1c: {  	p1 =	slt.u32 s9, $0xF7A;
	s5 =	simm.s32 @!p2 $0x0  }
0x1d: {  	s5 =	simm.s32 @p1 $0x1;
	p0 =	seq.s32 s7, s2  }
0x1e: {  	s7 =	smul.u32 @!p0 $0xF7A, s2;
	p2 =	seq.s32 @!p0 s5, $0x0  }
0x1f: {  	s9 =	smul.u32 $0xF7A, s1;
	s8 =	simm.s32 @!p0 $0x1BF5;
	p2 =	por !p2, p0  }
0x20: {  	[sflag:s8] =	ssyncset.s32 @!p0 $0xFFFFF086;
	s6 =	sadd.s32 @!p0 s3, s7;
	s7 =	simm.s32 @!p0 $0x108  }
0x21: {  	s3 =	sadd.s32 s3, s9;
	s6 =	sadd.s32 @!p0 $0x88, s6;
	s7 =	simm.s32 @p2 $0x1082  }
0x22: {  	[simem:s7], [sflag:s8] =	dma.local @!p0 [hbm:s6], $0xF7A  }
0x23: {  	s9 =	sor.u32 $0xD0000000, s2;
	s6 =	simm.s32 $0x108;
	_ =	swait.ge @!p0 [sflag:s8], $0x0  }
0x24: {  	s3 =	sadd.s32 $0x88, s3;
	s6 =	simm.s32 @!p1 $0x1082;
	[sflag:s4] =	ssyncset.s32 $0xFFFFF086  }
0x25: {  	[simem:s6], [sflag:s4] =	dma.local [hbm:s3], $0xF7A  }
0x26: {  	[smem:$0x3F9A] =	sst s1;
	(tag) =	ssettag s2;
	_ =	strace s9  }
0x27: {  	s1 =	sld [smem:$0x3FAA]  }
0x28: {  	s2 =	sld [smem:$0x3FAB]  }
0x29: {  	s4 =	sld [smem:$0x3FAD]  }
0x2a: {  	p0 =	seq.s32 s5, $0x0;
	s5 =	sld [smem:$0x3FAE]  }
0x2b: {  	s6 =	sld [smem:$0x3FAF]  }
0x2c: {  	s7 =	sld [smem:$0x3FB0]  }
0x2d: {  	s3 =	simm.s32 $0x108;
	s8 =	sld [smem:$0x3FB1]  }
0x2e: {  	s3 =	simm.s32 @!p0 $0x1082;
	s9 =	sld [smem:$0x3FB2]  }
0x2f: {  	lr =	sadd.s32 s0, s3;
	s0 =	sld [smem:$0x3FA9]  }
0x30: {  	s3 =	sld [smem:$0x3FAC]  }
0x31: {  	[smem:$0x3FB5] =	sst s10  }
0x32: {  	s10 =	sld [smem:$0x3FB3];
	_ =	sdelay $0x3  }
0x33: {  	p0 =	seq.s32 s10, $0x1;
	s10 =	sld [smem:$0x3FB5];
	_ =	sdelay $0x3  }
0x34: {  	[smem:$0x3FB5] =	sst s10  }
0x35: {  	s10 =	sld [smem:$0x3FB4];
	_ =	sdelay $0x3  }
0x36: {  	p1 =	seq.s32 s10, $0x1;
	s10 =	sld [smem:$0x3FB5];
	_ =	sdelay $0x3  }
0x37: {  	[smem:$0x3FB5] =	sst s10  }
0x38: {  	s10 =	sld [smem:$0x3FB6]  }
0x39: {  	_ = 	snop;
	(pc) =	sbr.ind lr, $3  }
0x3a: {  	_ = 	snop  }
0x3b: {  	_ = 	snop  }
0x3c: {  	p2 =	seq.s32 s10, $0x1;
	s10 =	sld [smem:$0x3FB5]  }
0x3d: {  	_ =	shalt  }
0x3e: {  	_ =	shalt  }
0x3f: {  	_ =	shalt  }
0x40: {  	_ =	shalt  }
0x41: {  	_ =	shalt  }
0x42: {  	_ =	shalt  }
0x43: {  	_ =	shalt  }
0x44: {  	_ =	shalt  }
0x45: {  	_ =	shalt  }
0x46: {  	_ =	shalt  }
0x47: {  	_ =	shalt  }
0x48: {  	_ =	shalt  }
0x49: {  	_ =	shalt  }
0x4a: {  	_ =	shalt  }
0x4b: {  	_ =	shalt  }
0x4c: {  	_ =	shalt  }
0x4d: {  	_ =	shalt  }
0x4e: {  	_ =	shalt  }
0x4f: {  	_ =	shalt  }
0x50: {  	_ =	shalt  }
0x51: {  	_ =	shalt  }
0x52: {  	_ =	shalt  }
0x53: {  	_ =	shalt  }
0x54: {  	_ =	shalt  }
0x55: {  	_ =	shalt  }
0x56: {  	_ =	shalt  }
0x57: {  	_ =	shalt  }
0x58: {  	_ =	shalt  }
0x59: {  	_ =	shalt  }
0x5a: {  	_ =	shalt  }
0x5b: {  	_ =	shalt  }
0x5c: {  	_ =	shalt  }
0x5d: {  	_ =	shalt  }
0x5e: {  	_ =	shalt  }
0x5f: {  	_ =	shalt  }
0x60: {  	_ =	shalt  }
0x61: {  	_ =	shalt  }
0x62: {  	_ =	shalt  }
0x63: {  	_ =	shalt  }
0x64: {  	_ =	shalt  }
0x65: {  	_ =	shalt  }
0x66: {  	_ =	shalt  }
0x67: {  	_ =	shalt  }
0x68: {  	_ =	shalt  }
0x69: {  	_ =	shalt  }
0x6a: {  	_ =	shalt  }
0x6b: {  	_ =	shalt  }
0x6c: {  	_ =	shalt  }
0x6d: {  	_ =	shalt  }
0x6e: {  	_ =	shalt  }
0x6f: {  	_ =	shalt  }
0x70: {  	_ =	shalt  }
0x71: {  	_ =	shalt  }
0x72: {  	_ =	shalt  }
0x73: {  	_ =	shalt  }
0x74: {  	_ =	shalt  }
0x75: {  	_ =	shalt  }
0x76: {  	_ =	shalt  }
0x77: {  	_ =	shalt  }
0x78: {  	_ =	shalt  }
0x79: {  	_ =	shalt  }
0x7a: {  	_ =	shalt  }
0x7b: {  	_ =	shalt  }
0x7c: {  	_ =	shalt  }
0x7d: {  	_ =	shalt  }
0x7e: {  	_ =	shalt  }
0x7f: {  	_ =	shalt  }
0x80: {  	_ =	shalt  }
0x81: {  	_ =	shalt  }
0x82: {  	_ =	shalt  }
0x83: {  	_ =	shalt  }
0x84: {  	_ =	shalt  }
0x85: {  	_ =	shalt  }
0x86: {  	_ =	shalt  }
0x87: {  	_ =	shalt  }
.Lfunc_end0:
.L_simem_size_0:
called_computation_lowered:
.L_overlay_start_0:
0x88: {  	s2 =	sld [smem:$0x3FD9]  }
0x89: {  	s3 =	sld [smem:$0x3FFE];
	_ =	sdelay $0x1  }
0x8a: {  	s1 =	srdreg.scid  }
0x8b: {  	s0 =	sand.u32 $0x1, s1  }
0x8c: {  	s17 =	sshll.u32 s0, $0xA;
	s2 =	sadd.s32 s3, s2  }
0x8d: {  	s2 =	sadd.s32 s2, s17  }
0x8e: {  	[smem:$0x3FC1] =	sst s2  }
0x8f: {  	_ = 	snop  }
0x90: {  	s2 =	sld [smem:$0x3FD0];
	(tm) =	ssettm $0x1  }
0x91: {  	s18 =	sld [smem:$0x3FFB];
	_ =	sdelay $0x3  }
0x92: {  	_ =	strace s18  }
0x93: {  	s3 =	sld [smem:$0x3FFC];
	_ =	sdelay $0x3  }
0x94: {  	_ =	strace s3  }
0x95: {  	s3 =	sld [smem:$0x3FFD];
	_ =	sdelay $0x3  }
0x96: {  	_ =	strace s3  }
0x97: {  	_ =	strace $0x8FFFFFFF  }
0x98: {  	s19 =	sld [smem:$0x3FDB];
	_ =	sdelay $0x1  }
0x99: {  	s4 =	simm.s32 $_scs_section_size  }
0x9a: {  	s5 =	simm.s32 $_size__tile_overlayer_lowered;
	s6 =	simm.s32 $_tile_overlayer_lowered  }
0x9b: {  	s22 =	simm.s32 $0x1BFF;
	s21 =	sshll.u32 s6, $0x1;
	s3 =	sadd.s32 s4, s19  }
0x9c: {  	s7 =	simm.s32 $0x0;
	s20 =	sshll.u32 s5, $0x1;
	s5 =	sadd.s32 s21, s3  }
0x9d: {  	[timem:s7], [sflag:s22] =	dma.local [hbm:s5], s20  }
0x9e: {  	_ =	swait.ge [sflag:s22], s20  }
0x9f: {  	s4 =	ssub.s32 $0x0, s20;
	[sflag:s22] =	ssyncset.done $0x0  }
0xa0: {  	[sflag:s22] =	ssyncadd.s32 s4;
	_ =	sdelay $0x1  }
0xa1: {  	s23 =	simm.s32 $0x1B8B  }
0xa2: {  	_ =	swait.ge [sflag:s23], $0x1  }
0xa3: {  	[sflag:s23] =	ssyncset.done $0x0  }
0xa4: {  	s25 =	simm.s32 $0x1B8E;
	s24 =	sld [smem:$0x3FFE];
	[sflag:s23] =	ssyncadd.s32 $0xFFFFFFFF  }
0xa5: {  	s26 =	simm.s32 $execute0_lowered;
	[smem:$0x3FD2] =	sst s25  }
0xa6: {  	s5 =	sshll.u32 s26, $0x1;
	_ =	strace $0x80000046;
	[dreg:$0x1] =	wrdreg $0xFFFFFFFF  }
0xa7: {  	s28 =	simm.s32 $_size_execute0_lowered;
	s3 =	sadd.s32 s3, s5;
	[dreg:$0x0] =	wrdreg $0x0  }
0xa8: {  	s5 =	sshll.u32 s28, $0x1;
	[dreg:$0x2] =	wrdreg s3  }
0xa9: {  	[dreg:$0x3] =	wrdreg s5  }
0xaa: {  	[dreg:$0x4] =	wrdreg $0xC0  }
0xab: {  	_ =	task [dreg:s7], $0x5FFFF  }
0xac: {  	[dreg:$0x1] =	wrdreg $0xFFFFFFFF  }
0xad: {  	[dreg:$0x0] =	wrdreg $0x60  }
0xae: {  	[dreg:$0x2] =	wrdreg s24  }
0xaf: {  	[dreg:$0x3] =	wrdreg s2  }
0xb0: {  	[dreg:$0x4] =	wrdreg $0x102C00  }
0xb1: {  	[dreg:$0x5] =	wrdreg $0x1A2C00  }
0xb2: {  	[dreg:$0x6] =	wrdreg $0x9  }
0xb3: {  	_ =	task.clear_ibuf [dreg:s7], $0x7FFFF;
	_ =	strace $0x90000046  }
0xb4: {  	s29 =	simm.s32 $0x9;
	_ =	strace $0x80000048  }
0xb5: {  	_ =	swait.ge [sflag:s29], $0x1  }
0xb6: {  	[sflag:s29] =	ssyncadd.s32 $0xFFFFFFFF  }
0xb7: {  	_ =	strace $0x90000048  }
0xb8: {  	_ =	sfence  }
0xb9: {  	s30 =	sld [smem:$0x0];
	_ =	sdelay $0x2  }
0xba: {  	s31 =	sshll.u32 s1, $0xD;
	s1 =	sshrl.u32 s1, $0x2  }
0xbb: {  	s3 =	sand.u32 $0x4000, s31;
	s1 =	sadd.s32 s1, s30  }
0xbc: {  	s0 =	sor.u32 s3, s0;
	s1 =	sshll.u32 s1, $0x11  }
0xbd: {  	s0 =	sor.u32 s1, s0  }
0xbe: {  	s0 =	sadd.s32 $0x8F2B, s0  }
0xbf: {  	[sflag:s0] =	ssyncadd.remote.s32 $0x1  }
0xc0: {  	_ =	sfence.sel $0xFFFF  }
0xc1: {  	[dreg:$0x0] =	wrdreg $0xFFFFFFFF;
	(pc) =	sbr.abs _section_cstart, $3  }
0xc2: {  	[dreg:$0x1] =	wrdreg $0xFFFFFFFF  }
0xc3: {  	_ =	task.clear_ibuf [dreg:s7], $0x2FFFF;
	_ =	strace $0x9FFFFFFF  }
0xc4: {  	(tm) =	ssettm $0x7FFFFFFF  }
0xc5: {  	_ =	shalt  }
tec
execute0_lowered:
.L_overlay_start_1:
0x0: {  	(tag) =	ssettag $0x1  }
0x1: {  	s1 =	stileid.u32;
	s0 =	srdreg.scid  }
0x2: {  	s9 =	rddreg [dreg:$0x0];
	s11 =	smul.u32 $0x4E20, s1  }
0x3: {  	s2 =	rddreg [dreg:$0x1];
	s3 =	simm.s32 $0x0;
	s6 =	smul.u32 $0x280, s1  }
0x4: {  	s12 =	sand.u32 $0x1, s0;
	[smem:$0x7FF] =	sst s3;
	s15 =	smul.u32 $0xA000, s1  }
0x5: {  	s13 =	sadd.s32 $0x33000, s9;
	s0 =	smul.u32 $0x4E200, s12;
	s22 =	ssub.s32 $0x2, s12  }
0x6: {  	s10 =	smul.u32 $0xA0000, s12;
	s4 =	sshrl.u32 s22, $0x1;
	s3 =	sadd.s32 $0xA0, s6  }
0x7: {  	s7 =	sadd.s32 $0x190, s6;
	s8 =	sadd.s32 $0x1E0, s6;
	s0 =	sadd.s32 s11, s0  }
0x8: {  	s17 =	sshll.u32 s3, $0x6;
	s14 =	sadd.s32 s15, s10;
	s5 =	sshrl.u32 s0, $0x3  }
0x9: {  	s0 =	ssub.s32 s22, s4;
	s4 =	sadd.s32 $0xF0, s6;
	s14 =	sshrl.u32 s14, $0x3  }
0xa: {  	s21 =	sadd.s32 s10, s17;
	s2 =	sadd.s32 s2, s5;
	s18 =	sshll.u32 s4, $0x6  }
0xb: {  	s5 =	sadd.s32 $0x140, s6;
	s14 =	sadd.s32 s13, s14;
	s24 =	sshrl.u32 s21, $0x3  }
0xc: {  	s21 =	sshll.u32 s7, $0x6;
	[dreg:$0x5] =	wrdreg s2;
	s2 =	sor.u32 $0x50, s6  }
0xd: {  	s19 =	sshll.u32 s5, $0x6;
	s6 =	sadd.s32 $0x230, s6;
	[dreg:$0x6] =	wrdreg s14  }
0xe: {  	s14 =	sadd.s32 s13, s24;
	s25 =	sadd.s32 s10, s18;
	s16 =	sshll.u32 s2, $0x6  }
0xf: {  	s22 =	sadd.s32 s10, s21;
	[dreg:$0x8] =	wrdreg s14;
	s20 =	sadd.s32 s10, s16  }
0x10: {  	s26 =	sadd.s32 s10, s19;
	s14 =	sshrl.u32 s25, $0x3;
	s20 =	sshrl.u32 s20, $0x3  }
0x11: {  	s14 =	sadd.s32 s13, s14;
	s23 =	sadd.s32 s13, s20;
	s20 =	sshrl.u32 s26, $0x3  }
0x12: {  	[dreg:$0x9] =	wrdreg s14;
	s14 =	sshrl.u32 s22, $0x3;
	s20 =	sadd.s32 s13, s20  }
0x13: {  	s22 =	sshll.u32 s6, $0x6;
	[dreg:$0xa] =	wrdreg s20;
	s20 =	sshll.u32 s8, $0x6  }
0x14: {  	s14 =	sadd.s32 s13, s14;
	[dreg:$0x7] =	wrdreg s23;
	s23 =	sadd.s32 s10, s20  }
0x15: {  	[dreg:$0xb] =	wrdreg s14;
	s10 =	sadd.s32 s10, s22;
	s14 =	sshrl.u32 s23, $0x3  }
0x16: {  	s23 =	sshrl.u32 s10, $0x3;
	s10 =	rddreg [dreg:$0x2];
	s14 =	sadd.s32 s13, s14  }
0x17: {  	s13 =	sadd.s32 s13, s23;
	[dreg:$0xc] =	wrdreg s14  }
0x18: {  	[dreg:$0xd] =	wrdreg s13  }
0x19: {  	s11 =	sshrl.u32 s11, $0x3;
	s24 =	sadd.s32 $0x32800, s9;
	s13 =	rddreg [dreg:$0x3]  }
0x1a: {  	s25 =	sadd.s32 $0x32C00, s9;
	_ =	strace $0x80000047;
	[dreg:$0xe] =	wrdreg s24  }
0x1b: {  	s11 =	sadd.s32 s11, s9;
	s26 =	sadd.s32 $0x32E00, s9;
	[dreg:$0xf] =	wrdreg s25  }
0x1c: {  	s11 =	sadd.s32 $0x28A00, s11;
	[dreg:$0x10] =	wrdreg s26  }
0x1d: {  	s28 =	simm.s32 $0x6;
	s23 =	sadd.s32 s15, s10;
	[dreg:$0x11] =	wrdreg s11  }
0x1e: {  	s31 =	sadd.s32 s18, s10;
	s18 =	sadd.s32 s21, s10;
	[dreg:$0x12] =	wrdreg s23  }
0x1f: {  	s30 =	simm.s32 $0x7;
	s0 =	smax.u32 s0, $0x1;
	[dreg:$0x1b] =	wrdreg s18  }
0x20: {  	p0 =	sne.s32 s12, $0x0;
	s29 =	sadd.s32 s17, s10;
	[smem:$0x7FC] =	sst s0  }
0x21: {  	s15 =	sshll.u32 s4, $0x3;
	s19 =	sadd.s32 s19, s10;
	[dreg:$0x15] =	wrdreg s29  }
0x22: {  	s21 =	smul.u32 $0x1400, s1;
	s20 =	sadd.s32 s20, s10;
	[dreg:$0x17] =	wrdreg s31  }
0x23: {  	s14 =	sadd.s32 $0x1800, s9;
	s9 =	sadd.s32 $0x5B000, s9;
	[dreg:$0x19] =	wrdreg s19  }
0x24: {  	s24 =	sshll.u32 s2, $0x3;
	s2 =	sadd.s32 s9, s2;
	[dreg:$0x1d] =	wrdreg s20  }
0x25: {  	s1 =	simm.s32 $0x0;
	s18 =	sadd.s32 s9, s7;
	[smem:$0x7F4] =	sst s2  }
0x26: {  	s26 =	sadd.s32 s16, s10;
	s25 =	sshll.u32 s3, $0x3;
	[smem:$0x7F8] =	sst s18  }
0x27: {  	s23 =	sshll.u32 s7, $0x3;
	s7 =	sadd.s32 s22, s10;
	[dreg:$0x13] =	wrdreg s26  }
0x28: {  	s16 =	sshll.u32 s5, $0x3;
	s11 =	sadd.s32 s24, s13;
	[smem:$0x7FD] =	sst s7  }
0x29: {  	s0 =	simm.s32 $0x9;
	s12 =	sadd.s32 s25, s13;
	[dreg:$0x14] =	wrdreg s11  }
0x2a: {  	s17 =	sadd.s32 s16, s13;
	s24 =	sshll.u32 s8, $0x3;
	[dreg:$0x16] =	wrdreg s12  }
0x2b: {  	s25 =	sadd.s32 s21, s13;
	s16 =	sadd.s32 s9, s4;
	[dreg:$0x1a] =	wrdreg s17  }
0x2c: {  	s18 =	simm.s32 $0xEC40;
	s4 =	simm.s32 $0x2;
	[dreg:$0x1f] =	wrdreg s25  }
0x2d: {  	s11 =	sadd.s32 s15, s13;
	s12 =	sadd.s32 s23, s13;
	[smem:$0x7F6] =	sst s16  }
0x2e: {  	s15 =	sadd.s32 s9, s3;
	s17 =	sadd.s32 s9, s5;
	[dreg:$0x18] =	wrdreg s11  }
0x2f: {  	s23 =	sadd.s32 s9, s6;
	s5 =	simm.s32 $0xC;
	[dreg:$0x1c] =	wrdreg s12  }
0x30: {  	s16 =	simm.s32 $0xC440;
	s3 =	simm.s32 $0xA;
	[smem:$0x7F5] =	sst s15  }
0x31: {  	s12 =	sadd.s32 s24, s13;
	s11 =	sshrl.u32 s21, $0x3;
	[smem:$0x7F7] =	sst s17  }
0x32: {  	s21 =	sadd.s32 s9, s8;
	[smem:$0x7FA] =	sst s23;
	s24 =	sshll.u32 s6, $0x3  }
0x33: {  	s6 =	simm.s32 $0x9C40;
	s8 =	simm.s32 $0x1;
	s15 =	simm.s32 $0xB040  }
.Ltmp0:
0x34: {  	s17 =	simm.s32 $0xD840;
	[dreg:$0x1e] =	wrdreg s12;
	(pc) =	sbr.rel .LBB2_1-.Ltmp0, $4  }
0x35: {  	s23 =	simm.s32 $0x4;
	s11 =	sadd.s32 s9, s11;
	[smem:$0x7F9] =	sst s21  }
0x36: {  	s25 =	sadd.s32 s24, s13;
	s12 =	simm.s32 $0x50;
	s21 =	simm.s32 $0x3  }
0x37: {  	s9 =	simm.s32 $0x8;
	s24 =	simm.s32 $0x0;
	[smem:$0x7F3] =	sst s11  }
0x38: {  	[smem:$0x7FB] =	sst s25;
	s11 =	simm.s32 $0xB;
	s25 =	simm.s32 $0x5  }
.LBB2_5:
0x39: {  	s2 =	sld [smem:$0x7FC];
	_ =	sdelay $0x1  }
0x3a: {  	s24 =	sadd.s32 $0x1, s24  }
0x3b: {  	p1 =	sne.s32 s24, s2  }
.Ltmp1:
0x3c: {  	_ = 	snop;
	(pc) =	sbr.rel @!p1 .LBB2_6-.Ltmp1, $1  }
0x3d: {  	_ =	sdelay $0x3  }
.LBB2_1:
0x3e: {  	[smem:$0x7F2] =	sst s24  }
0x3f: {  	s2 =	rddreg [dreg:$0x5]  }
0x40: {  	[tilespmem:s1], [sflag:$0xC] =	stream.linear.gather [hbm4b:s2+s1], $0x4E20, $0x38;
	[tilespmem:$0x1B6C0] =	vst v63  }
0x41: {  	_ =	swait.ge [sflag:s5], $0x4E20  }
0x42: {  	[sflag:s5] =	ssyncset.done $0x0  }
0x43: {  	s22 =	simm.s32 $0x4E20;
	s24 =	rddreg [dreg:$0x11];
	[sflag:s5] =	ssyncadd.s32 $0xFFFFB1E0  }
0x44: {  	[tilespmem:s22], [sflag:$0xC] =	stream.linear.gather [hbm4b:s24+s1], $0x4E20, $0x38;
	[tilespmem:$0x1B6C0] =	vst v63  }
0x45: {  	_ =	swait.ge [sflag:s5], $0x4E20  }
0x46: {  	[sflag:s5] =	ssyncset.done $0x0  }
0x47: {  	s22 =	rddreg [dreg:$0xe];
	[sflag:s5] =	ssyncadd.s32 $0xFFFFB1E0  }
0x48: {  	[tilespmem:s6], [sflag:$0xC] =	stream.linear.gather [hbm4b:s22+s1], $0x1400, $0x38;
	[tilespmem:$0x1B6C0] =	vst v63  }
0x49: {  	_ =	swait.ge [sflag:s5], $0x1400  }
0x4a: {  	[sflag:s5] =	ssyncset.done $0x0  }
0x4b: {  	s22 =	simm.s32 $0x10040;
	s24 =	rddreg [dreg:$0xf];
	[sflag:s5] =	ssyncadd.s32 $0xFFFFEC00  }
0x4c: {  	[tilespmem:s22], [sflag:$0xC] =	stream.linear.gather [hbm4b:s24+s1], $0x280, $0x38;
	[tilespmem:$0x1B6C0] =	vst v63  }
0x4d: {  	_ =	swait.ge [sflag:s5], $0x280  }
0x4e: {  	[sflag:s5] =	ssyncset.done $0x0  }
0x4f: {  	s24 =	rddreg [dreg:$0x12];
	[sflag:s5] =	ssyncadd.s32 $0xFFFFFD80  }
0x50: {  	[spmem:s24] =	stream.linear.scatter [tilespmem:s6], [sflag:$0x1], $0x1400, $0x38;
	[tilespmem:$0x1B6C0] =	vst v63  }
0x51: {  	s24 =	rddreg [dreg:$0x1f]  }
0x52: {  	[spmem:s24] =	stream.linear.scatter [tilespmem:s22], [sflag:$0xB], $0x280, $0x38;
	[tilespmem:$0x1B6C0] =	vst v63  }
0x53: {  	_ = 	snop  }
0x54: {  	[spmem:s26] =	stream.linear.scatter [tilespmem:s6], [sflag:$0x1], $0x1400, $0x38;
	[tilespmem:$0x1B6C0] =	vst v63  }
0x55: {  	s24 =	rddreg [dreg:$0x14]  }
0x56: {  	[spmem:s24] =	stream.linear.scatter [tilespmem:s22], [sflag:$0xB], $0x280, $0x38;
	[tilespmem:$0x1B6C0] =	vst v63  }
0x57: {  	_ = 	snop  }
0x58: {  	[spmem:s29] =	stream.linear.scatter [tilespmem:s6], [sflag:$0x1], $0x1400, $0x38;
	[tilespmem:$0x1B6C0] =	vst v63  }
0x59: {  	s26 =	rddreg [dreg:$0x16]  }
0x5a: {  	[spmem:s26] =	stream.linear.scatter [tilespmem:s22], [sflag:$0xB], $0x280, $0x38;
	[tilespmem:$0x1B6C0] =	vst v63  }
0x5b: {  	_ = 	snop  }
0x5c: {  	[spmem:s31] =	stream.linear.scatter [tilespmem:s6], [sflag:$0x1], $0x1400, $0x38;
	[tilespmem:$0x1B6C0] =	vst v63  }
0x5d: {  	s31 =	rddreg [dreg:$0x18]  }
0x5e: {  	[spmem:s31] =	stream.linear.scatter [tilespmem:s22], [sflag:$0xB], $0x280, $0x38;
	[tilespmem:$0x1B6C0] =	vst v63  }
0x5f: {  	_ = 	snop  }
0x60: {  	[spmem:s19] =	stream.linear.scatter [tilespmem:s6], [sflag:$0x1], $0x1400, $0x38;
	[tilespmem:$0x1B6C0] =	vst v63  }
0x61: {  	s19 =	rddreg [dreg:$0x1a]  }
0x62: {  	[spmem:s19] =	stream.linear.scatter [tilespmem:s22], [sflag:$0xB], $0x280, $0x38;
	[tilespmem:$0x1B6C0] =	vst v63  }
0x63: {  	s24 =	rddreg [dreg:$0x1b]  }
0x64: {  	[spmem:s24] =	stream.linear.scatter [tilespmem:s6], [sflag:$0x1], $0x1400, $0x38;
	[tilespmem:$0x1B6C0] =	vst v63  }
0x65: {  	s26 =	rddreg [dreg:$0x1c]  }
0x66: {  	[spmem:s26] =	stream.linear.scatter [tilespmem:s22], [sflag:$0xB], $0x280, $0x38;
	[tilespmem:$0x1B6C0] =	vst v63  }
0x67: {  	_ = 	snop  }
0x68: {  	[spmem:s20] =	stream.linear.scatter [tilespmem:s6], [sflag:$0x1], $0x1400, $0x38;
	[tilespmem:$0x1B6C0] =	vst v63  }
0x69: {  	s31 =	rddreg [dreg:$0x1e]  }
0x6a: {  	[spmem:s31] =	stream.linear.scatter [tilespmem:s22], [sflag:$0xB], $0x280, $0x38;
	[tilespmem:$0x1B6C0] =	vst v63  }
0x6b: {  	s19 =	sld [smem:$0x7FB]  }
0x6c: {  	[spmem:s7] =	stream.linear.scatter [tilespmem:s6], [sflag:$0x1], $0x1400, $0x38;
	[tilespmem:$0x1B6C0] =	vst v63  }
0x6d: {  	_ = 	snop  }
0x6e: {  	[spmem:s19] =	stream.linear.scatter [tilespmem:s22], [sflag:$0xB], $0x280, $0x38;
	[tilespmem:$0x1B6C0] =	vst v63  }
0x6f: {  	_ =	swait.ge [sflag:s8], $0x1400  }
0x70: {  	[sflag:s8] =	ssyncset.done $0x0  }
0x71: {  	[sflag:s8] =	ssyncadd.s32 $0xFFFFEC00  }
0x72: {  	_ =	swait.ge [sflag:s11], $0x280  }
0x73: {  	[sflag:s11] =	ssyncset.done $0x0  }
0x74: {  	[sflag:s11] =	ssyncadd.s32 $0xFFFFFD80  }
0x75: {  	_ =	swait.ge [sflag:s8], $0x1400  }
0x76: {  	[sflag:s8] =	ssyncset.done $0x0  }
0x77: {  	[sflag:s8] =	ssyncadd.s32 $0xFFFFEC00  }
0x78: {  	_ =	swait.ge [sflag:s11], $0x280  }
0x79: {  	[sflag:s11] =	ssyncset.done $0x0  }
0x7a: {  	[sflag:s11] =	ssyncadd.s32 $0xFFFFFD80  }
0x7b: {  	_ =	swait.ge [sflag:s8], $0x1400  }
0x7c: {  	[sflag:s8] =	ssyncset.done $0x0  }
0x7d: {  	[sflag:s8] =	ssyncadd.s32 $0xFFFFEC00  }
0x7e: {  	_ =	swait.ge [sflag:s11], $0x280  }
0x7f: {  	[sflag:s11] =	ssyncset.done $0x0  }
0x80: {  	[sflag:s11] =	ssyncadd.s32 $0xFFFFFD80  }
0x81: {  	_ =	swait.ge [sflag:s8], $0x1400  }
0x82: {  	[sflag:s8] =	ssyncset.done $0x0  }
0x83: {  	[sflag:s8] =	ssyncadd.s32 $0xFFFFEC00  }
0x84: {  	_ =	swait.ge [sflag:s11], $0x280  }
0x85: {  	[sflag:s11] =	ssyncset.done $0x0  }
0x86: {  	[sflag:s11] =	ssyncadd.s32 $0xFFFFFD80  }
0x87: {  	_ =	swait.ge [sflag:s8], $0x1400  }
0x88: {  	[sflag:s8] =	ssyncset.done $0x0  }
0x89: {  	[sflag:s8] =	ssyncadd.s32 $0xFFFFEC00  }
0x8a: {  	_ =	swait.ge [sflag:s11], $0x280  }
0x8b: {  	[sflag:s11] =	ssyncset.done $0x0  }
0x8c: {  	[sflag:s11] =	ssyncadd.s32 $0xFFFFFD80  }
0x8d: {  	_ =	swait.ge [sflag:s8], $0x1400  }
0x8e: {  	[sflag:s8] =	ssyncset.done $0x0  }
0x8f: {  	[sflag:s8] =	ssyncadd.s32 $0xFFFFEC00  }
0x90: {  	_ =	swait.ge [sflag:s11], $0x280  }
0x91: {  	[sflag:s11] =	ssyncset.done $0x0  }
0x92: {  	[sflag:s11] =	ssyncadd.s32 $0xFFFFFD80  }
0x93: {  	_ =	swait.ge [sflag:s8], $0x1400  }
0x94: {  	[sflag:s8] =	ssyncset.done $0x0  }
0x95: {  	[sflag:s8] =	ssyncadd.s32 $0xFFFFEC00  }
0x96: {  	_ =	swait.ge [sflag:s11], $0x280  }
0x97: {  	[sflag:s11] =	ssyncset.done $0x0  }
0x98: {  	[sflag:s11] =	ssyncadd.s32 $0xFFFFFD80  }
0x99: {  	_ =	swait.ge [sflag:s8], $0x1400  }
0x9a: {  	[sflag:s8] =	ssyncset.done $0x0  }
0x9b: {  	[sflag:s8] =	ssyncadd.s32 $0xFFFFEC00  }
0x9c: {  	_ =	swait.ge [sflag:s11], $0x280  }
0x9d: {  	[sflag:s11] =	ssyncset.done $0x0  }
0x9e: {  	s20 =	rddreg [dreg:$0x10];
	[sflag:s11] =	ssyncadd.s32 $0xFFFFFD80  }
0x9f: {  	[tilespmem:s22], [sflag:$0xC] =	stream.linear.gather [hbm4b:s20+s1], $0x280, $0x38;
	[tilespmem:$0x1B6C0] =	vst v63  }
0xa0: {  	_ =	swait.ge [sflag:s5], $0x280  }
0xa1: {  	[sflag:s5] =	ssyncset.done $0x0  }
0xa2: {  	[sflag:s5] =	ssyncadd.s32 $0xFFFFFD80  }
0xa3: {  	[bflag:$0x0] =	sbarrier.arrive $0xFFFF  }
0xa4: {  	[tilespmem:s6], [sflag:$0x1] =	stream.indirect.gather [hbm4b:s14+s12], $0x40, s1, s12, $0xb8;
	[tilespmem:$0x1B6C0] =	vst v63  }
0xa5: {  	_ = 	snop  }
0xa6: {  	[tilespmem:s15], [sflag:$0x2] =	stream.indirect.gather [hbm4b:s14+s12], $0x40, s12, s12, $0xb8;
	[tilespmem:$0x1B6C0] =	vst v63  }
0xa7: {  	s24 =	simm.s32 $0xA0  }
0xa8: {  	[tilespmem:s16], [sflag:$0x3] =	stream.indirect.gather [hbm4b:s14+s12], $0x40, s24, s12, $0xb8;
	[tilespmem:$0x1B6C0] =	vst v63  }
0xa9: {  	s26 =	simm.s32 $0xF0  }
0xaa: {  	[tilespmem:s17], [sflag:$0x4] =	stream.indirect.gather [hbm4b:s14+s12], $0x40, s26, s12, $0xb8;
	[tilespmem:$0x1B6C0] =	vst v63  }
0xab: {  	s31 =	simm.s32 $0x140  }
0xac: {  	[tilespmem:s18], [sflag:$0x5] =	stream.indirect.gather [hbm4b:s14+s12], $0x40, s31, s12, $0xb8;
	[tilespmem:$0x1B6C0] =	vst v63  }
0xad: {  	_ =	swait.ge [sflag:s8], $0x1400  }
0xae: {  	[sflag:s8] =	ssyncset.done $0x0  }
0xaf: {  	s24 =	simm.s32 $0x4E20;
	[sflag:s8] =	ssyncadd.s32 $0xFFFFEC00  }
0xb0: {  	[spmem:s10] =	stream.indirect.scatter.add.f32 [tilespmem:s6], [sflag:$0x6], $0x40, s24, s12, $0xb8;
	[tilespmem:$0x1B6C0] =	vst v63  }
0xb1: {  	_ =	swait.ge [sflag:s4], $0x1400  }
0xb2: {  	[sflag:s4] =	ssyncset.done $0x0  }
0xb3: {  	s26 =	simm.s32 $0x4E70;
	[sflag:s4] =	ssyncadd.s32 $0xFFFFEC00  }
0xb4: {  	[spmem:s10] =	stream.indirect.scatter.add.f32 [tilespmem:s15], [sflag:$0x7], $0x40, s26, s12, $0xb8;
	[tilespmem:$0x1B6C0] =	vst v63  }
0xb5: {  	_ =	swait.ge [sflag:s21], $0x1400  }
0xb6: {  	[sflag:s21] =	ssyncset.done $0x0  }
0xb7: {  	s29 =	simm.s32 $0x4EC0;
	[sflag:s21] =	ssyncadd.s32 $0xFFFFEC00  }
0xb8: {  	[spmem:s10] =	stream.indirect.scatter.add.f32 [tilespmem:s16], [sflag:$0x8], $0x40, s29, s12, $0xb8;
	[tilespmem:$0x1B6C0] =	vst v63  }
0xb9: {  	_ =	swait.ge [sflag:s23], $0x1400  }
0xba: {  	[sflag:s23] =	ssyncset.done $0x0  }
0xbb: {  	s31 =	simm.s32 $0x4F10;
	[sflag:s23] =	ssyncadd.s32 $0xFFFFEC00  }
0xbc: {  	[spmem:s10] =	stream.indirect.scatter.add.f32 [tilespmem:s17], [sflag:$0x9], $0x40, s31, s12, $0xb8;
	[tilespmem:$0x1B6C0] =	vst v63  }
0xbd: {  	_ =	swait.ge [sflag:s25], $0x1400  }
0xbe: {  	[sflag:s25] =	ssyncset.done $0x0  }
0xbf: {  	s2 =	simm.s32 $0x4F60;
	[sflag:s25] =	ssyncadd.s32 $0xFFFFEC00  }
0xc0: {  	[spmem:s10] =	stream.indirect.scatter.add.f32 [tilespmem:s18], [sflag:$0xA], $0x40, s2, s12, $0xb8;
	[tilespmem:$0x1B6C0] =	vst v63  }
0xc1: {  	s20 =	simm.s32 @!p0 $0x50;
	s22 =	simm.s32 @!p0 $0x10040  }
0xc2: {  	[spmem:s13] =	stream.indirect.scatter.add.f32 @!p0 [tilespmem:s22], [sflag:$0xB], $0x8, s24, s20, $0xb8;
	[tilespmem:$0x1B6C0] =	vst v63  }
0xc3: {  	_ = 	snop  }
0xc4: {  	[spmem:s13] =	stream.indirect.scatter.add.f32 @!p0 [tilespmem:s22], [sflag:$0xB], $0x8, s26, s20, $0xb8;
	[tilespmem:$0x1B6C0] =	vst v63  }
0xc5: {  	_ = 	snop  }
0xc6: {  	[spmem:s13] =	stream.indirect.scatter.add.f32 @!p0 [tilespmem:s22], [sflag:$0xB], $0x8, s29, s20, $0xb8;
	[tilespmem:$0x1B6C0] =	vst v63  }
0xc7: {  	s7 =	smin.u32 s1, $0xF4  }
0xc8: {  	[spmem:s13] =	stream.indirect.scatter.add.f32 @!p0 [tilespmem:s22], [sflag:$0xB], $0x8, s31, s20, $0xb8;
	[tilespmem:$0x1B6C0] =	vst v63  }
0xc9: {  	s24 =	smul.u32 $0x140, s7  }
0xca: {  	[spmem:s13] =	stream.indirect.scatter.add.f32 @!p0 [tilespmem:s22], [sflag:$0xB], $0x8, s2, s20, $0xb8;
	[tilespmem:$0x1B6C0] =	vst v63  }
0xcb: {  	_ =	swait.ge [sflag:s28], $0x1400  }
0xcc: {  	s19 =	smin.u32 s1, $0xF3;
	s24 =	sshrl.u32 s24, $0x2;
	[sflag:s28] =	ssyncset.done $0x0  }
0xcd: {  	s24 =	sadd.s32 $0x190, s24;
	s2 =	smul.u32 $0x140, s19;
	[sflag:s28] =	ssyncadd.s32 $0xFFFFEC00  }
0xce: {  	[tilespmem:s6], [sflag:$0x1] =	stream.indirect.gather [hbm4b:s14+s12], $0x40, s24, s12, $0xb8;
	[tilespmem:$0x1B6C0] =	vst v63  }
0xcf: {  	_ =	swait.ge [sflag:s30], $0x1400  }
0xd0: {  	s26 =	smin.u32 s1, $0xF2;
	s2 =	sshrl.u32 s2, $0x2;
	[sflag:s30] =	ssyncset.done $0x0  }
0xd1: {  	s2 =	sadd.s32 $0x1E0, s2;
	s24 =	smul.u32 $0x140, s26;
	[sflag:s30] =	ssyncadd.s32 $0xFFFFEC00  }
0xd2: {  	[tilespmem:s15], [sflag:$0x2] =	stream.indirect.gather [hbm4b:s14+s12], $0x40, s2, s12, $0xb8;
	[tilespmem:$0x1B6C0] =	vst v63  }
0xd3: {  	_ =	swait.ge [sflag:s9], $0x1400  }
0xd4: {  	s7 =	smin.u32 s1, $0xF1;
	s31 =	sshrl.u32 s24, $0x2;
	[sflag:s9] =	ssyncset.done $0x0  }
0xd5: {  	s24 =	smul.u32 $0x140, s7;
	s2 =	sadd.s32 $0x230, s31;
	[sflag:s9] =	ssyncadd.s32 $0xFFFFEC00  }
0xd6: {  	[tilespmem:s16], [sflag:$0x3] =	stream.indirect.gather [hbm4b:s14+s12], $0x40, s2, s12, $0xb8;
	[tilespmem:$0x1B6C0] =	vst v63  }
0xd7: {  	_ =	swait.ge [sflag:s0], $0x1400  }
0xd8: {  	s26 =	smin.u32 s1, $0xF0;
	s19 =	sshrl.u32 s24, $0x2;
	[sflag:s0] =	ssyncset.done $0x0  }
0xd9: {  	s24 =	smul.u32 $0x140, s26;
	s2 =	sadd.s32 $0x280, s19;
	[sflag:s0] =	ssyncadd.s32 $0xFFFFEC00  }
0xda: {  	[tilespmem:s17], [sflag:$0x4] =	stream.indirect.gather [hbm4b:s14+s12], $0x40, s2, s12, $0xb8;
	[tilespmem:$0x1B6C0] =	vst v63  }
0xdb: {  	_ =	swait.ge [sflag:s3], $0x1400  }
0xdc: {  	s31 =	sshrl.u32 s24, $0x2;
	[sflag:s3] =	ssyncset.done $0x0  }
0xdd: {  	s24 =	simm.s32 @!p0 $0xB;
	s2 =	sadd.s32 $0x2D0, s31;
	[sflag:s3] =	ssyncadd.s32 $0xFFFFEC00  }
0xde: {  	[tilespmem:s18], [sflag:$0x5] =	stream.indirect.gather [hbm4b:s14+s12], $0x40, s2, s12, $0xb8;
	[tilespmem:$0x1B6C0] =	vst v63  }
0xdf: {  	_ =	swait.ge @!p0 [sflag:s24], $0x280  }
0xe0: {  	[sflag:s24] =	ssyncset.done @!p0 $0x0  }
0xe1: {  	[sflag:s24] =	ssyncadd.s32 @!p0 $0xFFFFFD80  }
0xe2: {  	_ =	swait.ge @!p0 [sflag:s24], $0x280  }
0xe3: {  	[sflag:s24] =	ssyncset.done @!p0 $0x0  }
0xe4: {  	[sflag:s24] =	ssyncadd.s32 @!p0 $0xFFFFFD80  }
0xe5: {  	_ =	swait.ge @!p0 [sflag:s24], $0x280  }
0xe6: {  	[sflag:s24] =	ssyncset.done @!p0 $0x0  }
0xe7: {  	[sflag:s24] =	ssyncadd.s32 @!p0 $0xFFFFFD80  }
0xe8: {  	_ =	swait.ge @!p0 [sflag:s24], $0x280  }
0xe9: {  	s29 =	simm.s32 $0x0;
	s26 =	simm.s32 $0x640;
	[sflag:s24] =	ssyncset.done @!p0 $0x0  }
.LBB2_2:
0xea: {  	[sflag:s24] =	ssyncadd.s32 @!p0 $0xFFFFFD80  }
0xeb: {  	s29 =	sadd.s32 $0x5, s29;
	s2 =	smov.u32 s26;
	s26 =	sadd.s32 $0x640, s26  }
0xec: {  	p1 =	sne.s32 s26, $0x13880;
	_ =	swait.ge @!p0 [sflag:s24], $0x280  }
0xed: {  	s2 =	sshra.s32 s2, $0x2;
	[sflag:s24] =	ssyncset.done @!p0 $0x0  }
0xee: {  	s31 =	sadd.s32 $0x4E20, s2;
	[sflag:s24] =	ssyncadd.s32 @!p0 $0xFFFFFD80  }
0xef: {  	_ =	swait.ge [sflag:s8], $0x1400  }
0xf0: {  	[sflag:s8] =	ssyncset.done $0x0  }
0xf1: {  	[sflag:s8] =	ssyncadd.s32 $0xFFFFEC00  }
0xf2: {  	[spmem:s10] =	stream.indirect.scatter.add.f32 [tilespmem:s6], [sflag:$0x6], $0x40, s31, s12, $0xb8;
	[tilespmem:$0x1B6C0] =	vst v63  }
0xf3: {  	_ =	swait.ge [sflag:s4], $0x1400  }
0xf4: {  	[sflag:s4] =	ssyncset.done $0x0  }
0xf5: {  	s19 =	sadd.s32 $0x4E70, s2;
	[sflag:s4] =	ssyncadd.s32 $0xFFFFEC00  }
0xf6: {  	[spmem:s10] =	stream.indirect.scatter.add.f32 [tilespmem:s15], [sflag:$0x7], $0x40, s19, s12, $0xb8;
	[tilespmem:$0x1B6C0] =	vst v63  }
0xf7: {  	_ =	swait.ge [sflag:s21], $0x1400  }
0xf8: {  	[sflag:s21] =	ssyncset.done $0x0  }
0xf9: {  	s7 =	sadd.s32 $0x4EC0, s2;
	[sflag:s21] =	ssyncadd.s32 $0xFFFFEC00  }
0xfa: {  	[spmem:s10] =	stream.indirect.scatter.add.f32 [tilespmem:s16], [sflag:$0x8], $0x40, s7, s12, $0xb8;
	[tilespmem:$0x1B6C0] =	vst v63  }
0xfb: {  	_ =	swait.ge [sflag:s23], $0x1400  }
0xfc: {  	[sflag:s23] =	ssyncset.done $0x0  }
0xfd: {  	s1 =	sadd.s32 $0x4F10, s2;
	[sflag:s23] =	ssyncadd.s32 $0xFFFFEC00  }
0xfe: {  	[spmem:s10] =	stream.indirect.scatter.add.f32 [tilespmem:s17], [sflag:$0x9], $0x40, s1, s12, $0xb8;
	[tilespmem:$0x1B6C0] =	vst v63  }
0xff: {  	_ =	swait.ge [sflag:s25], $0x1400  }
0x100: {  	[sflag:s25] =	ssyncset.done $0x0  }
0x101: {  	s2 =	sadd.s32 $0x4F60, s2;
	[sflag:s25] =	ssyncadd.s32 $0xFFFFEC00  }
0x102: {  	[spmem:s10] =	stream.indirect.scatter.add.f32 [tilespmem:s18], [sflag:$0xA], $0x40, s2, s12, $0xb8;
	[tilespmem:$0x1B6C0] =	vst v63  }
0x103: {  	_ = 	snop  }
0x104: {  	[spmem:s13] =	stream.indirect.scatter.add.f32 @!p0 [tilespmem:s22], [sflag:$0xB], $0x8, s31, s20, $0xb8;
	[tilespmem:$0x1B6C0] =	vst v63  }
0x105: {  	_ = 	snop  }
0x106: {  	[spmem:s13] =	stream.indirect.scatter.add.f32 @!p0 [tilespmem:s22], [sflag:$0xB], $0x8, s19, s20, $0xb8;
	[tilespmem:$0x1B6C0] =	vst v63  }
0x107: {  	_ = 	snop  }
0x108: {  	[spmem:s13] =	stream.indirect.scatter.add.f32 @!p0 [tilespmem:s22], [sflag:$0xB], $0x8, s7, s20, $0xb8;
	[tilespmem:$0x1B6C0] =	vst v63  }
0x109: {  	s7 =	smin.u32 s29, $0xF4  }
0x10a: {  	[spmem:s13] =	stream.indirect.scatter.add.f32 @!p0 [tilespmem:s22], [sflag:$0xB], $0x8, s1, s20, $0xb8;
	[tilespmem:$0x1B6C0] =	vst v63  }
0x10b: {  	s1 =	smul.u32 $0x140, s7;
	s7 =	smin.u32 s29, $0xF3  }
0x10c: {  	[spmem:s13] =	stream.indirect.scatter.add.f32 @!p0 [tilespmem:s22], [sflag:$0xB], $0x8, s2, s20, $0xb8;
	[tilespmem:$0x1B6C0] =	vst v63  }
0x10d: {  	s1 =	sshrl.u32 s1, $0x2;
	s2 =	smul.u32 $0x140, s7;
	_ =	swait.ge [sflag:s28], $0x1400  }
0x10e: {  	s1 =	sadd.s32 $0x190, s1;
	[sflag:s28] =	ssyncset.done $0x0  }
0x10f: {  	s7 =	smin.u32 s29, $0xF2;
	s2 =	sshrl.u32 s2, $0x2;
	[sflag:s28] =	ssyncadd.s32 $0xFFFFEC00  }
0x110: {  	[tilespmem:s6], [sflag:$0x1] =	stream.indirect.gather [hbm4b:s14+s12], $0x40, s1, s12, $0xb8;
	[tilespmem:$0x1B6C0] =	vst v63  }
0x111: {  	s1 =	smul.u32 $0x140, s7;
	_ =	swait.ge [sflag:s30], $0x1400  }
0x112: {  	s2 =	sadd.s32 $0x1E0, s2;
	[sflag:s30] =	ssyncset.done $0x0  }
0x113: {  	s7 =	smin.u32 s29, $0xF1;
	s1 =	sshrl.u32 s1, $0x2;
	[sflag:s30] =	ssyncadd.s32 $0xFFFFEC00  }
0x114: {  	[tilespmem:s15], [sflag:$0x2] =	stream.indirect.gather [hbm4b:s14+s12], $0x40, s2, s12, $0xb8;
	[tilespmem:$0x1B6C0] =	vst v63  }
0x115: {  	s2 =	smul.u32 $0x140, s7;
	_ =	swait.ge [sflag:s9], $0x1400  }
0x116: {  	[sflag:s9] =	ssyncset.done $0x0  }
0x117: {  	s1 =	sadd.s32 $0x230, s1;
	s2 =	sshrl.u32 s2, $0x2;
	[sflag:s9] =	ssyncadd.s32 $0xFFFFEC00  }
0x118: {  	[tilespmem:s16], [sflag:$0x3] =	stream.indirect.gather [hbm4b:s14+s12], $0x40, s1, s12, $0xb8;
	[tilespmem:$0x1B6C0] =	vst v63  }
0x119: {  	s1 =	smin.u32 s29, $0xF0;
	_ =	swait.ge [sflag:s0], $0x1400  }
0x11a: {  	s1 =	smul.u32 $0x140, s1;
	[sflag:s0] =	ssyncset.done $0x0  }
0x11b: {  	s2 =	sadd.s32 $0x280, s2;
	[sflag:s0] =	ssyncadd.s32 $0xFFFFEC00  }
0x11c: {  	[tilespmem:s17], [sflag:$0x4] =	stream.indirect.gather [hbm4b:s14+s12], $0x40, s2, s12, $0xb8;
	[tilespmem:$0x1B6C0] =	vst v63  }
0x11d: {  	s1 =	sshrl.u32 s1, $0x2;
	_ =	swait.ge [sflag:s3], $0x1400  }
0x11e: {  	s1 =	sadd.s32 $0x2D0, s1;
	[sflag:s3] =	ssyncset.done $0x0  }
0x11f: {  	[sflag:s3] =	ssyncadd.s32 $0xFFFFEC00  }
0x120: {  	[tilespmem:s18], [sflag:$0x5] =	stream.indirect.gather [hbm4b:s14+s12], $0x40, s1, s12, $0xb8;
	[tilespmem:$0x1B6C0] =	vst v63  }
0x121: {  	_ =	swait.ge @!p0 [sflag:s24], $0x280  }
0x122: {  	[sflag:s24] =	ssyncset.done @!p0 $0x0  }
0x123: {  	[sflag:s24] =	ssyncadd.s32 @!p0 $0xFFFFFD80  }
0x124: {  	_ =	swait.ge @!p0 [sflag:s24], $0x280  }
0x125: {  	[sflag:s24] =	ssyncset.done @!p0 $0x0  }
0x126: {  	[sflag:s24] =	ssyncadd.s32 @!p0 $0xFFFFFD80  }
.Ltmp2:
0x127: {  	_ =	swait.ge @!p0 [sflag:s24], $0x280;
	(pc) =	sbr.rel @p1 .LBB2_2-.Ltmp2, $4  }
0x128: {  	[sflag:s24] =	ssyncset.done @!p0 $0x0  }
0x129: {  	[sflag:s24] =	ssyncadd.s32 @!p0 $0xFFFFFD80  }
0x12a: {  	_ =	swait.ge @!p0 [sflag:s24], $0x280  }
0x12b: {  	[sflag:s24] =	ssyncset.done @!p0 $0x0  }
0x12c: {  	[sflag:s24] =	ssyncadd.s32 @!p0 $0xFFFFFD80  }
0x12d: {  	_ =	swait.ge @!p0 [sflag:s24], $0x280  }
0x12e: {  	[sflag:s24] =	ssyncset.done @!p0 $0x0  }
0x12f: {  	[sflag:s24] =	ssyncadd.s32 @!p0 $0xFFFFFD80  }
0x130: {  	_ =	swait.ge [sflag:s8], $0x1400  }
0x131: {  	[sflag:s8] =	ssyncset.done $0x0  }
0x132: {  	[sflag:s8] =	ssyncadd.s32 $0xFFFFEC00  }
0x133: {  	_ =	swait.ge [sflag:s4], $0x1400  }
0x134: {  	[sflag:s4] =	ssyncset.done $0x0  }
0x135: {  	[sflag:s4] =	ssyncadd.s32 $0xFFFFEC00  }
0x136: {  	_ =	swait.ge [sflag:s21], $0x1400  }
0x137: {  	[sflag:s21] =	ssyncset.done $0x0  }
0x138: {  	[sflag:s21] =	ssyncadd.s32 $0xFFFFEC00  }
0x139: {  	_ =	swait.ge [sflag:s23], $0x1400  }
0x13a: {  	[sflag:s23] =	ssyncset.done $0x0  }
0x13b: {  	[sflag:s23] =	ssyncadd.s32 $0xFFFFEC00  }
0x13c: {  	_ =	swait.ge [sflag:s25], $0x1400  }
0x13d: {  	[sflag:s25] =	ssyncset.done $0x0  }
0x13e: {  	[sflag:s25] =	ssyncadd.s32 $0xFFFFEC00  }
0x13f: {  	[bflag:$0x0] =	sbarrier.arrive $0xFFFF  }
0x140: {  	s1 =	rddreg [dreg:$0x12]  }
0x141: {  	[tilespmem:s6], [sflag:$0x1] =	stream.linear.gather [spmem:s1], $0x1400, $0x38;
	[tilespmem:$0x1B6C0] =	vst v63  }
0x142: {  	s26 =	rddreg [dreg:$0x13]  }
0x143: {  	[tilespmem:s15], [sflag:$0x2] =	stream.linear.gather [spmem:s26], $0x1400, $0x38;
	[tilespmem:$0x1B6C0] =	vst v63  }
0x144: {  	s29 =	rddreg [dreg:$0x15]  }
0x145: {  	[tilespmem:s16], [sflag:$0x3] =	stream.linear.gather [spmem:s29], $0x1400, $0x38;
	[tilespmem:$0x1B6C0] =	vst v63  }
0x146: {  	s31 =	rddreg [dreg:$0x17]  }
0x147: {  	[tilespmem:s17], [sflag:$0x4] =	stream.linear.gather [spmem:s31], $0x1400, $0x38;
	[tilespmem:$0x1B6C0] =	vst v63  }
0x148: {  	s19 =	rddreg [dreg:$0x19]  }
0x149: {  	[tilespmem:s18], [sflag:$0x5] =	stream.linear.gather [spmem:s19], $0x1400, $0x38;
	[tilespmem:$0x1B6C0] =	vst v63  }
0x14a: {  	_ =	swait.ge [sflag:s8], $0x1400  }
0x14b: {  	[sflag:s8] =	ssyncset.done $0x0  }
0x14c: {  	s1 =	simm.s32 $0x0;
	s2 =	rddreg [dreg:$0x6];
	[sflag:s8] =	ssyncadd.s32 $0xFFFFEC00  }
0x14d: {  	[hbm4b:s2+s1] =	stream.linear.scatter [tilespmem:s6], [sflag:$0x6], $0x1400, $0x38;
	[tilespmem:$0x1B6C0] =	vst v63  }
0x14e: {  	_ =	swait.ge [sflag:s4], $0x1400  }
0x14f: {  	[sflag:s4] =	ssyncset.done $0x0  }
0x150: {  	s7 =	rddreg [dreg:$0x7];
	[sflag:s4] =	ssyncadd.s32 $0xFFFFEC00  }
0x151: {  	[hbm4b:s7+s1] =	stream.linear.scatter [tilespmem:s15], [sflag:$0x7], $0x1400, $0x38;
	[tilespmem:$0x1B6C0] =	vst v63  }
0x152: {  	_ =	swait.ge [sflag:s21], $0x1400  }
0x153: {  	[sflag:s21] =	ssyncset.done $0x0  }
0x154: {  	s20 =	rddreg [dreg:$0x8];
	[sflag:s21] =	ssyncadd.s32 $0xFFFFEC00  }
0x155: {  	[hbm4b:s20+s1] =	stream.linear.scatter [tilespmem:s16], [sflag:$0x8], $0x1400, $0x38;
	[tilespmem:$0x1B6C0] =	vst v63  }
0x156: {  	_ =	swait.ge [sflag:s23], $0x1400  }
0x157: {  	[sflag:s23] =	ssyncset.done $0x0  }
0x158: {  	s22 =	rddreg [dreg:$0x9];
	[sflag:s23] =	ssyncadd.s32 $0xFFFFEC00  }
0x159: {  	[hbm4b:s22+s1] =	stream.linear.scatter [tilespmem:s17], [sflag:$0x9], $0x1400, $0x38;
	[tilespmem:$0x1B6C0] =	vst v63  }
0x15a: {  	_ =	swait.ge [sflag:s25], $0x1400  }
0x15b: {  	[sflag:s25] =	ssyncset.done $0x0  }
0x15c: {  	s24 =	rddreg [dreg:$0xa];
	[sflag:s25] =	ssyncadd.s32 $0xFFFFEC00  }
0x15d: {  	[hbm4b:s24+s1] =	stream.linear.scatter [tilespmem:s18], [sflag:$0xA], $0x1400, $0x38;
	[tilespmem:$0x1B6C0] =	vst v63  }
0x15e: {  	_ =	swait.ge [sflag:s28], $0x1400  }
0x15f: {  	[sflag:s28] =	ssyncset.done $0x0  }
0x160: {  	s7 =	rddreg [dreg:$0x1b];
	[sflag:s28] =	ssyncadd.s32 $0xFFFFEC00  }
0x161: {  	[tilespmem:s6], [sflag:$0x1] =	stream.linear.gather [spmem:s7], $0x1400, $0x38;
	[tilespmem:$0x1B6C0] =	vst v63  }
0x162: {  	_ =	swait.ge [sflag:s8], $0x1400  }
0x163: {  	[sflag:s8] =	ssyncset.done $0x0  }
0x164: {  	s20 =	rddreg [dreg:$0xb];
	[sflag:s8] =	ssyncadd.s32 $0xFFFFEC00  }
0x165: {  	[hbm4b:s20+s1] =	stream.linear.scatter [tilespmem:s6], [sflag:$0x6], $0x1400, $0x38;
	[tilespmem:$0x1B6C0] =	vst v63  }
0x166: {  	_ =	swait.ge [sflag:s30], $0x1400  }
0x167: {  	[sflag:s30] =	ssyncset.done $0x0  }
0x168: {  	s20 =	rddreg [dreg:$0x1d];
	[sflag:s30] =	ssyncadd.s32 $0xFFFFEC00  }
0x169: {  	[tilespmem:s15], [sflag:$0x2] =	stream.linear.gather [spmem:s20], $0x1400, $0x38;
	[tilespmem:$0x1B6C0] =	vst v63  }
0x16a: {  	_ =	swait.ge [sflag:s4], $0x1400  }
0x16b: {  	[sflag:s4] =	ssyncset.done $0x0  }
0x16c: {  	s22 =	rddreg [dreg:$0xc];
	[sflag:s4] =	ssyncadd.s32 $0xFFFFEC00  }
0x16d: {  	[hbm4b:s22+s1] =	stream.linear.scatter [tilespmem:s15], [sflag:$0x7], $0x1400, $0x38;
	[tilespmem:$0x1B6C0] =	vst v63  }
0x16e: {  	_ =	swait.ge [sflag:s9], $0x1400  }
0x16f: {  	s7 =	sld [smem:$0x7FD]  }
0x170: {  	[sflag:s9] =	ssyncset.done $0x0  }
0x171: {  	[sflag:s9] =	ssyncadd.s32 $0xFFFFEC00  }
0x172: {  	[tilespmem:s16], [sflag:$0x3] =	stream.linear.gather [spmem:s7], $0x1400, $0x38;
	[tilespmem:$0x1B6C0] =	vst v63  }
0x173: {  	_ =	swait.ge [sflag:s21], $0x1400  }
0x174: {  	[sflag:s21] =	ssyncset.done $0x0  }
0x175: {  	s24 =	rddreg [dreg:$0xd];
	[sflag:s21] =	ssyncadd.s32 $0xFFFFEC00  }
0x176: {  	[hbm4b:s24+s1] =	stream.linear.scatter [tilespmem:s16], [sflag:$0x8], $0x1400, $0x38;
	[tilespmem:$0x1B6C0] =	vst v63  }
0x177: {  	_ =	swait.ge [sflag:s28], $0x1400  }
0x178: {  	[sflag:s28] =	ssyncset.done $0x0  }
0x179: {  	[sflag:s28] =	ssyncadd.s32 $0xFFFFEC00  }
0x17a: {  	_ =	swait.ge [sflag:s30], $0x1400  }
0x17b: {  	[sflag:s30] =	ssyncset.done $0x0  }
0x17c: {  	[sflag:s30] =	ssyncadd.s32 $0xFFFFEC00  }
0x17d: {  	_ =	swait.ge [sflag:s9], $0x1400  }
0x17e: {  	[sflag:s9] =	ssyncset.done $0x0  }
0x17f: {  	[sflag:s9] =	ssyncadd.s32 $0xFFFFEC00  }
0x180: {  	_ =	swait.ge [sflag:s0], $0x1400  }
.Ltmp3:
0x181: {  	[sflag:s0] =	ssyncset.done $0x0;
	(pc) =	sbr.rel @p0 .LBB2_5-.Ltmp3, $4  }
0x182: {  	[sflag:s0] =	ssyncadd.s32 $0xFFFFEC00  }
0x183: {  	_ =	swait.ge [sflag:s3], $0x1400  }
0x184: {  	[sflag:s3] =	ssyncset.done $0x0  }
0x185: {  	s24 =	sld [smem:$0x7F2];
	[sflag:s3] =	ssyncadd.s32 $0xFFFFEC00  }
0x186: {  	s2 =	rddreg [dreg:$0x1f];
	s22 =	simm.s32 $0x10040  }
0x187: {  	[tilespmem:s22], [sflag:$0xC] =	stream.linear.gather [spmem:s2], $0x280, $0x38;
	[tilespmem:$0x1B6C0] =	vst v63  }
0x188: {  	_ =	swait.ge [sflag:s5], $0x280  }
0x189: {  	s2 =	sld [smem:$0x7F3]  }
0x18a: {  	[sflag:s5] =	ssyncset.done $0x0  }
0x18b: {  	[sflag:s5] =	ssyncadd.s32 $0xFFFFFD80  }
0x18c: {  	[hbm4b:s2+s1] =	stream.linear.scatter [tilespmem:s22], [sflag:$0xC], $0x280, $0x38;
	[tilespmem:$0x1B6C0] =	vst v63  }
0x18d: {  	_ =	swait.ge [sflag:s5], $0x280  }
0x18e: {  	[sflag:s5] =	ssyncset.done $0x0  }
0x18f: {  	s2 =	rddreg [dreg:$0x14];
	[sflag:s5] =	ssyncadd.s32 $0xFFFFFD80  }
0x190: {  	[tilespmem:s22], [sflag:$0xC] =	stream.linear.gather [spmem:s2], $0x280, $0x38;
	[tilespmem:$0x1B6C0] =	vst v63  }
0x191: {  	_ =	swait.ge [sflag:s5], $0x280  }
0x192: {  	s2 =	sld [smem:$0x7F4]  }
0x193: {  	[sflag:s5] =	ssyncset.done $0x0  }
0x194: {  	[sflag:s5] =	ssyncadd.s32 $0xFFFFFD80  }
0x195: {  	[hbm4b:s2+s1] =	stream.linear.scatter [tilespmem:s22], [sflag:$0xC], $0x280, $0x38;
	[tilespmem:$0x1B6C0] =	vst v63  }
0x196: {  	_ =	swait.ge [sflag:s5], $0x280  }
0x197: {  	[sflag:s5] =	ssyncset.done $0x0  }
0x198: {  	s2 =	rddreg [dreg:$0x16];
	[sflag:s5] =	ssyncadd.s32 $0xFFFFFD80  }
0x199: {  	[tilespmem:s22], [sflag:$0xC] =	stream.linear.gather [spmem:s2], $0x280, $0x38;
	[tilespmem:$0x1B6C0] =	vst v63  }
0x19a: {  	_ =	swait.ge [sflag:s5], $0x280  }
0x19b: {  	s2 =	sld [smem:$0x7F5]  }
0x19c: {  	[sflag:s5] =	ssyncset.done $0x0  }
0x19d: {  	[sflag:s5] =	ssyncadd.s32 $0xFFFFFD80  }
0x19e: {  	[hbm4b:s2+s1] =	stream.linear.scatter [tilespmem:s22], [sflag:$0xC], $0x280, $0x38;
	[tilespmem:$0x1B6C0] =	vst v63  }
0x19f: {  	_ =	swait.ge [sflag:s5], $0x280  }
0x1a0: {  	[sflag:s5] =	ssyncset.done $0x0  }
0x1a1: {  	s2 =	rddreg [dreg:$0x18];
	[sflag:s5] =	ssyncadd.s32 $0xFFFFFD80  }
0x1a2: {  	[tilespmem:s22], [sflag:$0xC] =	stream.linear.gather [spmem:s2], $0x280, $0x38;
	[tilespmem:$0x1B6C0] =	vst v63  }
0x1a3: {  	_ =	swait.ge [sflag:s5], $0x280  }
0x1a4: {  	s2 =	sld [smem:$0x7F6]  }
0x1a5: {  	[sflag:s5] =	ssyncset.done $0x0  }
0x1a6: {  	[sflag:s5] =	ssyncadd.s32 $0xFFFFFD80  }
0x1a7: {  	[hbm4b:s2+s1] =	stream.linear.scatter [tilespmem:s22], [sflag:$0xC], $0x280, $0x38;
	[tilespmem:$0x1B6C0] =	vst v63  }
0x1a8: {  	_ =	swait.ge [sflag:s5], $0x280  }
0x1a9: {  	[sflag:s5] =	ssyncset.done $0x0  }
0x1aa: {  	s2 =	rddreg [dreg:$0x1a];
	[sflag:s5] =	ssyncadd.s32 $0xFFFFFD80  }
0x1ab: {  	[tilespmem:s22], [sflag:$0xC] =	stream.linear.gather [spmem:s2], $0x280, $0x38;
	[tilespmem:$0x1B6C0] =	vst v63  }
0x1ac: {  	_ =	swait.ge [sflag:s5], $0x280  }
0x1ad: {  	s2 =	sld [smem:$0x7F7]  }
0x1ae: {  	[sflag:s5] =	ssyncset.done $0x0  }
0x1af: {  	[sflag:s5] =	ssyncadd.s32 $0xFFFFFD80  }
0x1b0: {  	[hbm4b:s2+s1] =	stream.linear.scatter [tilespmem:s22], [sflag:$0xC], $0x280, $0x38;
	[tilespmem:$0x1B6C0] =	vst v63  }
0x1b1: {  	_ =	swait.ge [sflag:s5], $0x280  }
0x1b2: {  	[sflag:s5] =	ssyncset.done $0x0  }
0x1b3: {  	s2 =	rddreg [dreg:$0x1c];
	[sflag:s5] =	ssyncadd.s32 $0xFFFFFD80  }
0x1b4: {  	[tilespmem:s22], [sflag:$0xC] =	stream.linear.gather [spmem:s2], $0x280, $0x38;
	[tilespmem:$0x1B6C0] =	vst v63  }
0x1b5: {  	_ =	swait.ge [sflag:s5], $0x280  }
0x1b6: {  	s2 =	sld [smem:$0x7F8]  }
0x1b7: {  	[sflag:s5] =	ssyncset.done $0x0  }
0x1b8: {  	[sflag:s5] =	ssyncadd.s32 $0xFFFFFD80  }
0x1b9: {  	[hbm4b:s2+s1] =	stream.linear.scatter [tilespmem:s22], [sflag:$0xC], $0x280, $0x38;
	[tilespmem:$0x1B6C0] =	vst v63  }
0x1ba: {  	_ =	swait.ge [sflag:s5], $0x280  }
0x1bb: {  	[sflag:s5] =	ssyncset.done $0x0  }
0x1bc: {  	s2 =	rddreg [dreg:$0x1e];
	[sflag:s5] =	ssyncadd.s32 $0xFFFFFD80  }
0x1bd: {  	[tilespmem:s22], [sflag:$0xC] =	stream.linear.gather [spmem:s2], $0x280, $0x38;
	[tilespmem:$0x1B6C0] =	vst v63  }
0x1be: {  	_ =	swait.ge [sflag:s5], $0x280  }
0x1bf: {  	s2 =	sld [smem:$0x7F9]  }
0x1c0: {  	[sflag:s5] =	ssyncset.done $0x0  }
0x1c1: {  	[sflag:s5] =	ssyncadd.s32 $0xFFFFFD80  }
0x1c2: {  	[hbm4b:s2+s1] =	stream.linear.scatter [tilespmem:s22], [sflag:$0xC], $0x280, $0x38;
	[tilespmem:$0x1B6C0] =	vst v63  }
0x1c3: {  	_ =	swait.ge [sflag:s5], $0x280  }
0x1c4: {  	s2 =	sld [smem:$0x7FB]  }
0x1c5: {  	[sflag:s5] =	ssyncset.done $0x0  }
0x1c6: {  	[sflag:s5] =	ssyncadd.s32 $0xFFFFFD80  }
0x1c7: {  	[tilespmem:s22], [sflag:$0xC] =	stream.linear.gather [spmem:s2], $0x280, $0x38;
	[tilespmem:$0x1B6C0] =	vst v63  }
0x1c8: {  	_ =	swait.ge [sflag:s5], $0x280  }
0x1c9: {  	s2 =	sld [smem:$0x7FA]  }
0x1ca: {  	[sflag:s5] =	ssyncset.done $0x0  }
.Ltmp4:
0x1cb: {  	[sflag:s5] =	ssyncadd.s32 $0xFFFFFD80;
	(pc) =	sbr.rel .LBB2_5-.Ltmp4, $4  }
0x1cc: {  	[hbm4b:s2+s1] =	stream.linear.scatter [tilespmem:s22], [sflag:$0xC], $0x280, $0x38;
	[tilespmem:$0x1B6C0] =	vst v63  }
0x1cd: {  	_ =	swait.ge [sflag:s5], $0x280  }
0x1ce: {  	[sflag:s5] =	ssyncset.done $0x0  }
0x1cf: {  	[sflag:s5] =	ssyncadd.s32 $0xFFFFFD80  }
.LBB2_6:
0x1d0: {  	_ =	sfence.sel $0x180000  }
0x1d1: {  	[bflag:$0x0] =	sbarrier.arrive $0xFFFF  }
0x1d2: {  	_ =	strace $0x90000047  }
0x1d3: {  	s0 =	stileid.u32;
	[bflag:$0x2] =	sbarrier.arrive $0xFFFF  }
0x1d4: {  	p0 =	sne.s32 s0, $0x0;
	s0 =	rddreg [dreg:$0x4]  }
0x1d5: {  	s0 =	sadd.s32 @!p0 $0x100000, s0  }
0x1d6: {  	[sflag:s0] =	ssyncadd.tile.s32 @!p0 $0x1;
	_ =	shalt  }
.Lfunc_end2:
_tile_overlayer_lowered:
.L_overlay_start_2:
0x1d7: {  	(tag) =	ssettag $0x2  }
0x1d8: {  	s0 =	rddreg [dreg:$0x0];
	s2 =	stileid.u32  }
0x1d9: {  	s1 =	rddreg [dreg:$0x1];
	p0 =	sne.s32 s2, $0x0  }
0x1da: {  	s3 =	rddreg [dreg:$0x2];
	[bflag:$0x3] =	sbarrier.arrive $0xFFFF;
	s2 =	simm.s32 @!p0 $0x1C0C  }
0x1db: {  	[timem:s3], [sflag:s2] =	dma.local @!p0 [hbm:s0], s1  }
0x1dc: {  	s0 =	simm.s32 @!p0 $0xC  }
0x1dd: {  	_ =	swait.ge @!p0 [sflag:s0], s1  }
0x1de: {  	s1 =	ssub.s32 @!p0 $0x0, s1;
	[sflag:s0] =	ssyncset.done @!p0 $0x0  }
0x1df: {  	[sflag:s0] =	ssyncadd.s32 @!p0 s1  }
0x1e0: {  	[bflag:$0x3] =	sbarrier.arrive $0xFFFF  }
0x1e1: {  	_ =	shalt  }

</sc_bundles>
